<compile_context>
chip_gen: v7x
topology: tpu7x:2x2x1
jax: 0.10.2.dev20260603
libtpu: 0.0.44.dev20260713+nightly
codegen_flags: <defaults>
</compile_context>

<pallas_src>
import dataclasses

import jax
import jax.numpy as jnp
from jax import lax
from jax.experimental import pallas as pl
from jax.experimental.pallas import tpu as pltpu
from jax.experimental.pallas import tpu_sc as plsc

H = 4
K = 128
NW = 32
RW = 16


def _f32(*shape):
    return jax.ShapeDtypeStruct(shape, jnp.float32)


_TC_PARAMS = pltpu.CompilerParams(vmem_limit_bytes=64 * 1024 * 1024)


def _sc_layer_call(src, dst, ts, td, zeros, *, oc, with_cnt):
    E = src.shape[0]
    N = ts.shape[0]
    rws = ts.shape[1]
    ho = H * oc
    A = zeros.shape[0]
    nch = E // K
    nj = (nch + NW - 1) // NW
    rz = A // 16
    nv = oc // 16
    aw = oc + 16 if with_cnt else oc

    mesh = plsc.VectorSubcoreMesh(
        core_axis_name="c", subcore_axis_name="s", num_cores=2, num_subcores=16
    )

    out_type = [_f32(2, A, aw)]
    scratch = [
        pltpu.VMEM((K,), jnp.int32),
        pltpu.VMEM((K,), jnp.int32),
        pltpu.VMEM((K,), jnp.int32),
        pltpu.VMEM((K, rws), jnp.float32),
        pltpu.VMEM((K, RW), jnp.float32),
        pltpu.VMEM((K, aw), jnp.float32),
        pltpu.VMEM((K * H,), jnp.float32),
        pltpu.VMEM_SHARED((A, aw), jnp.float32),
        pltpu.SemaphoreType.DMA,
        pltpu.SemaphoreType.DMA,
    ]

    def body(src_hbm, dst_hbm, ts_hbm, td_hbm, z_hbm, pout,
             sidx, didx, dsc, xsrc, xdst, msg, q, acc, s1, s2):
        c = lax.axis_index("c")
        s = lax.axis_index("s")
        w = c * 16 + s

        pltpu.sync_copy(z_hbm.at[pl.ds(s * rz, rz)], acc.at[pl.ds(s * rz, rz)])

        pltpu.sync_copy(z_hbm.at[pl.ds(0, K)], msg)
        if with_cnt:
            one_hot = jnp.where(lax.iota(jnp.int32, 16) == 0, 1.0, 0.0)

            @pl.loop(0, K)
            def _(i):
                msg[i, pl.ds(oc, 16)] = one_hot

        plsc.subcore_barrier()

        @pl.loop(0, nj)
        def _(j):
            ci = w + j * NW

            @pl.when(ci < nch)
            def _():
                base = ci * K
                pltpu.sync_copy(src_hbm.at[pl.ds(base, K)], sidx)
                pltpu.sync_copy(dst_hbm.at[pl.ds(base, K)], didx)
                d1 = pltpu.async_copy(ts_hbm.at[sidx], xsrc, s1)
                d2 = pltpu.async_copy(td_hbm.at[didx], xdst, s2)

                @pl.loop(0, K // 16)
                def _(k):
                    sv = sidx[pl.ds(k * 16, 16)]
                    dv = didx[pl.ds(k * 16, 16)]
                    dsc[pl.ds(k * 16, 16)] = jnp.where(sv == dv, N, dv)

                d1.wait()
                d2.wait()

                @pl.loop(0, K // 16)
                def _(g):
                    r = lax.iota(jnp.int32, 16) + g * 16
                    wgt = [
                        plsc.load_gather(xsrc, [r, jnp.full((16,), ho + h, jnp.int32)])
                        * plsc.load_gather(xdst, [r, jnp.full((16,), h, jnp.int32)])
                        for h in range(H)
                    ]
                    tot = (wgt[0] + wgt[1]) + (wgt[2] + wgt[3])
                    r_inv = 1.0 / tot
                    for h in range(H):
                        plsc.store_scatter(q, [r * H + h], wgt[h] * r_inv)

                @pl.loop(0, K)
                def _(e2):
                    accv = [None] * nv
                    for h in range(H):
                        qv = plsc.load_gather(
                            q, [jnp.full((16,), e2 * H + h, jnp.int32)])
                        for v in range(nv):
                            t = qv * xsrc[e2, pl.ds(h * oc + v * 16, 16)]
                            accv[v] = t if accv[v] is None else accv[v] + t
                    for v in range(nv):
                        msg[e2, pl.ds(v * 16, 16)] = accv[v]

                pltpu.sync_copy(msg, acc.at[dsc], add=True)

        plsc.subcore_barrier()

        pltpu.sync_copy(acc.at[pl.ds(s * rz, rz)],
                        pout.at[c, pl.ds(s * rz, rz)])

    cp = pltpu.CompilerParams(use_tc_tiling_on_sc=False)
    if "needs_layout_passes" in pltpu.CompilerParams.__dataclass_fields__:
        cp = dataclasses.replace(cp, needs_layout_passes=False)
    call = pl.kernel(body, out_type=out_type, mesh=mesh, scratch_types=scratch,
                     compiler_params=cp)
    return call(src, dst, ts, td, zeros)


def _tables(h, w_ref, u_ref, c_ref, ws_ref, ts_ref, td_ref, sm_ref, rws):
    n = h.shape[0]
    ho = w_ref.shape[1]
    xw = jnp.dot(h, w_ref[...], preferred_element_type=jnp.float32)
    xu = jnp.dot(h, u_ref[...], preferred_element_type=jnp.float32)
    a = xu + c_ref[...]
    es = jnp.exp(a - jnp.max(a, axis=1, keepdims=True))
    ed = jnp.exp(jnp.min(xu, axis=1, keepdims=True) - xu)
    ts_ref[...] = jnp.concatenate(
        [xw, es, jnp.zeros((n, rws - ho - H), jnp.float32)], axis=1)
    td_ref[...] = jnp.concatenate(
        [ed, jnp.zeros((n, RW - H), jnp.float32)], axis=1)
    sm_ref[...] = jnp.dot(h, ws_ref[...], preferred_element_type=jnp.float32)


def _tc_pre(x, W, U, cvec, Wself):
    N = x.shape[0]
    ho = W.shape[1]
    oc = Wself.shape[1]
    rws = ho + 16

    def body(x_ref, w_ref, u_ref, c_ref, ws_ref, ts_ref, td_ref, sm_ref):
        _tables(x_ref[...], w_ref, u_ref, c_ref, ws_ref,
                ts_ref, td_ref, sm_ref, rws)

    return pl.pallas_call(
        body, out_shape=[_f32(N, rws), _f32(N, RW), _f32(N, oc)],
        compiler_params=_TC_PARAMS,
    )(x, W, U, cvec, Wself)


def _tc_mid(p, cntp, sm, bvec, W, U, cvec, Wself, *, ocp):
    N = sm.shape[0]
    ho = W.shape[1]
    oc = Wself.shape[1]
    rws = ho + 16

    def body(p_ref, cn_ref, sm_ref, b_ref, w_ref, u_ref, c_ref, ws_ref,
             ts_ref, td_ref, sm2_ref):
        cnt = (cn_ref[0, pl.ds(0, N), 16:17] + cn_ref[1, pl.ds(0, N), 16:17]) + 1.0
        invc = 1.0 / jnp.maximum(cnt, 1.0)
        ssum = (p_ref[0, pl.ds(0, N), pl.ds(0, ocp)]
                + p_ref[1, pl.ds(0, N), pl.ds(0, ocp)] + sm_ref[...])
        h = jnp.maximum(ssum * invc + b_ref[...], 0.0)
        _tables(h, w_ref, u_ref, c_ref, ws_ref, ts_ref, td_ref, sm2_ref, rws)

    return pl.pallas_call(
        body, out_shape=[_f32(N, rws), _f32(N, RW), _f32(N, oc)],
        compiler_params=_TC_PARAMS,
    )(p, cntp, sm, bvec, W, U, cvec, Wself)


def _tc_head(p, cntp, sm, bvec, gam, bet, lw1, lb1, lw2, lb2, lw3, lb3,
             lw4, lb4, lwo, lbo):
    N = sm.shape[0]
    ocp = sm.shape[1]

    def body(p_ref, cn_ref, sm_ref, b_ref, g_ref, be_ref, w1_ref, b1_ref,
             w2_ref, b2_ref, w3_ref, b3_ref, w4_ref, b4_ref, wo_ref, bo_ref,
             o_ref):
        cnt = (cn_ref[0, pl.ds(0, N), 16:17] + cn_ref[1, pl.ds(0, N), 16:17]) + 1.0
        invc = 1.0 / jnp.maximum(cnt, 1.0)
        ssum = (p_ref[0, pl.ds(0, N), pl.ds(0, ocp)]
                + p_ref[1, pl.ds(0, N), pl.ds(0, ocp)] + sm_ref[...])
        h = jnp.maximum(ssum * invc + b_ref[...], 0.0)
        mean = jnp.mean(h, axis=0, keepdims=True)
        var = jnp.mean((h - mean) ** 2, axis=0, keepdims=True)
        h = (h - mean) / jnp.sqrt(var + 1e-5) * g_ref[...] + be_ref[...]
        h = jnp.maximum(jnp.dot(h, w1_ref[...], preferred_element_type=jnp.float32) + b1_ref[...], 0.0)
        h = jnp.maximum(jnp.dot(h, w2_ref[...], preferred_element_type=jnp.float32) + b2_ref[...], 0.0)
        h = jnp.maximum(jnp.dot(h, w3_ref[...], preferred_element_type=jnp.float32) + b3_ref[...], 0.0)
        h = jnp.maximum(jnp.dot(h, w4_ref[...], preferred_element_type=jnp.float32) + b4_ref[...], 0.0)
        z = jnp.dot(h, wo_ref[...], preferred_element_type=jnp.float32) + bo_ref[...]
        o_ref[...] = 1.0 / (1.0 + jnp.exp(-z))

    return pl.pallas_call(body, out_shape=_f32(N, 1),
                          compiler_params=_TC_PARAMS)(
        p, cntp, sm, bvec, gam, bet, lw1, lb1, lw2, lb2, lw3, lb3,
        lw4, lb4, lwo, lbo)


def _wself(W, c):
    f, ho = W.shape
    qs = jax.nn.softmax(c)
    return jnp.einsum("fho,h->fo", W.reshape(f, H, ho // H), qs)


def kernel(x, edge_index, W1, U1, c1, b1, W2, U2, c2, b2, W3, U3, c3, b3,
           gamma, beta, lw1, lb1, lw2, lb2, lw3, lb3, lw4, lb4, lwo, lbo):
    N = x.shape[0]
    A = N + 112
    src = edge_index[0]
    dst = edge_index[1]

    ws1, ws2, ws3 = _wself(W1, c1), _wself(W2, c2), _wself(W3, c3)
    z1 = jnp.zeros((A, 32), jnp.float32)
    z2 = jnp.zeros((A, 32), jnp.float32)
    z3 = jnp.zeros((A, 64), jnp.float32)

    ts1, td1, sm1 = _tc_pre(x, W1, U1, c1.reshape(1, H), ws1)
    (p1,) = _sc_layer_call(src, dst, ts1, td1, z1, oc=16, with_cnt=True)
    ts2, td2, sm2 = _tc_mid(p1, p1, sm1, b1.reshape(1, 16),
                            W2, U2, c2.reshape(1, H), ws2, ocp=16)
    (p2,) = _sc_layer_call(src, dst, ts2, td2, z2, oc=32, with_cnt=False)
    ts3, td3, sm3 = _tc_mid(p2, p1, sm2, b2.reshape(1, 32),
                            W3, U3, c3.reshape(1, H), ws3, ocp=32)
    (p3,) = _sc_layer_call(src, dst, ts3, td3, z3, oc=64, with_cnt=False)
    return _tc_head(p3, p1, sm3, b3.reshape(1, 64),
                    gamma.reshape(1, 64), beta.reshape(1, 64),
                    lw1, lb1.reshape(1, 32), lw2, lb2.reshape(1, 16),
                    lw3, lb3.reshape(1, 8), lw4, lb4.reshape(1, 4),
                    lwo, lbo.reshape(1, 1))

# --- scband reference (transcript-rebuilt; emitter-appended) ---
"""Pipeline reference for scband-three-conv-14242111553629 (READ-ONLY COPY).

The authoritative reference and input builder live on the scoring server;
editing this copy changes nothing except your own understanding.
"""

import jax, jax.numpy as jnp
import numpy as np

N = 10000
E = 320000
F_IN = 128
H = 4

def _init(key, fan_in, shape):
    return jax.random.normal(key, shape, dtype=jnp.float32) / np.sqrt(fan_in)

def setup_inputs(seed: int = 0):
    key = jax.random.key(seed)
    ks = jax.random.split(key, 16)
    inp = {}
    inp["x"] = jax.random.normal(ks[0], (N, F_IN), dtype=jnp.float32)
    inp["edge_index"] = jax.random.randint(ks[1], (2, E), 0, N, dtype=jnp.int32)
    # FeaStConv1: 128 -> 16, heads=4
    inp["W1"] = _init(ks[2], F_IN, (F_IN, H * 16))
    inp["U1"] = _init(ks[3], F_IN, (F_IN, H))
    inp["c1"] = jnp.zeros((H,), jnp.float32)
    inp["b1"] = jnp.zeros((16,), jnp.float32)
    # FeaStConv2: 16 -> 32
    inp["W2"] = _init(ks[4], 16, (16, H * 32))
    inp["U2"] = _init(ks[5], 16, (16, H))
    inp["c2"] = jnp.zeros((H,), jnp.float32)
    inp["b2"] = jnp.zeros((32,), jnp.float32)
    # FeaStConv3: 32 -> 64
    inp["W3"] = _init(ks[6], 32, (32, H * 64))
    inp["U3"] = _init(ks[7], 32, (32, H))
    inp["c3"] = jnp.zeros((H,), jnp.float32)
    inp["b3"] = jnp.zeros((64,), jnp.float32)
    inp["gamma"] = jnp.ones((64,), jnp.float32)
    inp["beta"] = jnp.zeros((64,), jnp.float32)
    inp["lw1"] = _init(ks[8], 64, (64, 32)); inp["lb1"] = jnp.zeros((32,), jnp.float32)
    inp["lw2"] = _init(ks[9], 32, (32, 16)); inp["lb2"] = jnp.zeros((16,), jnp.float32)
    inp["lw3"] = _init(ks[10], 16, (16, 8)); inp["lb3"] = jnp.zeros((8,), jnp.float32)
    inp["lw4"] = _init(ks[11], 8, (8, 4)); inp["lb4"] = jnp.zeros((4,), jnp.float32)
    inp["lwo"] = _init(ks[12], 4, (4, 1)); inp["lbo"] = jnp.zeros((1,), jnp.float32)
    return inp

def _self_loops(edge_index, n):
    # PyG FeaStConv default: remove_self_loops then add_self_loops
    src0 = edge_index[0]
    dst0 = edge_index[1]
    mask = src0 != dst0
    loop = jnp.arange(n, dtype=edge_index.dtype)
    src = jnp.concatenate([src0, loop])
    dst = jnp.concatenate([jnp.where(mask, dst0, jnp.asarray(n, edge_index.dtype)), loop])
    return src, dst

def _feast(x, src, dst, W, U, c, b, heads, n):
    out_ch = W.shape[1] // heads
    x_i = x[jnp.minimum(dst, n - 1)]
    x_j = x[src]
    q = jax.nn.softmax((x_j - x_i) @ U + c, axis=-1)
    t = (x_j @ W).reshape(-1, heads, out_ch)
    msg = (t * q[:, :, None]).sum(axis=1)
    s = jax.ops.segment_sum(msg, dst, num_segments=n + 1)[:n]
    cnt = jax.ops.segment_sum(jnp.ones((dst.shape[0],), x.dtype), dst, num_segments=n + 1)[:n]
    return s / jnp.clip(cnt, 1.0, None)[:, None] + b

def reference(x, edge_index, W1, U1, c1, b1, W2, U2, c2, b2, W3, U3, c3, b3, gamma, beta, lw1, lb1, lw2, lb2, lw3, lb3, lw4, lb4, lwo, lbo):
    n = x.shape[0]
    src, dst = _self_loops(edge_index, n)
    h = jax.nn.relu(_feast(x, src, dst, W1, U1, c1, b1, H, n))
    h = jax.nn.relu(_feast(h, src, dst, W2, U2, c2, b2, H, n))
    h = jax.nn.relu(_feast(h, src, dst, W3, U3, c3, b3, H, n))
    mean = h.mean(axis=0)
    var = h.var(axis=0)
    h = (h - mean) / jnp.sqrt(var + 1e-5) * gamma + beta
    h = jax.nn.relu(h @ lw1 + lb1)
    h = jax.nn.relu(h @ lw2 + lb2)
    h = jax.nn.relu(h @ lw3 + lb3)
    h = jax.nn.relu(h @ lw4 + lb4)
    return jax.nn.sigmoid(h @ lwo + lbo)

if __name__ == "__main__":
    import jax
    _d = setup_inputs()
    print(jax.jit(kernel)(*tuple(_d.values())))

</pallas_src>

<mosaic_0001>
#map = affine_map<(d0, d1) -> (0)>
#map1 = affine_map<(d0, d1) -> (0, 0)>
#map2 = affine_map<(d0, d1) -> (0, 0, 0)>
module attributes {stable_mosaic.version = 14 : i64} {
  func.func @body(%arg0: i32, %arg1: i32, %arg2: memref<320000xi32, #tpu.memory_space<hbm>>, %arg3: memref<320000xi32, #tpu.memory_space<hbm>>, %arg4: memref<10000x80xf32, #tpu.memory_space<hbm>>, %arg5: memref<10000x16xf32, #tpu.memory_space<hbm>>, %arg6: memref<10112x32xf32, #tpu.memory_space<hbm>>, %arg7: memref<2x10112x32xf32, #tpu.memory_space<hbm>>, %arg8: memref<128xi32, #tpu.memory_space<vmem>>, %arg9: memref<128xi32, #tpu.memory_space<vmem>>, %arg10: memref<128xi32, #tpu.memory_space<vmem>>, %arg11: memref<128x80xf32, #tpu.memory_space<vmem>>, %arg12: memref<128x16xf32, #tpu.memory_space<vmem>>, %arg13: memref<128x32xf32, #tpu.memory_space<vmem>>, %arg14: memref<512xf32, #tpu.memory_space<vmem>>, %arg15: memref<10112x32xf32, #tpu.memory_space<vmem_shared>>, %arg16: memref<!tpu.dma_semaphore, #tpu.memory_space<semaphore_mem>>, %arg17: memref<!tpu.dma_semaphore, #tpu.memory_space<semaphore_mem>>) attributes {dimension_semantics = [#tpu.dimension_semantics<core_parallel>, #tpu.dimension_semantics<subcore_parallel>], iteration_bounds = array<i64: 2, 16>, scalar_prefetch = 0 : i64, scratch_operands = 10 : i64, tpu.core_type = #tpu.core_type<sc_vector_subcore>, window_params = [{transform_indices = #map}, {transform_indices = #map}, {transform_indices = #map1}, {transform_indices = #map1}, {transform_indices = #map1}, {transform_indices = #map2}]} {
    %mul3A = arith.constant 16 : i32
    %mul3A_0 = arith.muli %arg0, %mul3A : i32
    %add3A = arith.addi %mul3A_0, %arg1 : i32
    %mul3A_1 = arith.constant 632 : i32
    %mul3A_2 = arith.muli %arg1, %mul3A_1 : i32
    %mul3A_3 = arith.constant 632 : i32
    %mul3A_4 = arith.muli %arg1, %mul3A_3 : i32
    "tpu.region"() ({
      %run_scoped3A = tpu.sem_alloc : memref<!tpu.dma_semaphore, #tpu.memory_space<semaphore_mem>>
      %dma_start3A = arith.constant 0 : i32
      %dma_start3A_23 = tpu.memref_slice %arg15[%mul3A_4, %dma_start3A] : memref<10112x32xf32, #tpu.memory_space<vmem_shared>> -> memref<632x32xf32, #tpu.memory_space<vmem_shared>>
      %dma_start3A_24 = arith.constant 0 : i32
      %dma_start3A_25 = tpu.memref_slice %arg6[%mul3A_2, %dma_start3A_24] : memref<10112x32xf32, #tpu.memory_space<hbm>> -> memref<632x32xf32, #tpu.memory_space<hbm>>
      tpu.enqueue_dma source(%dma_start3A_25 : memref<632x32xf32, #tpu.memory_space<hbm>>) target(%dma_start3A_23 : memref<632x32xf32, #tpu.memory_space<vmem_shared>>) target_semaphore(%run_scoped3A : memref<!tpu.dma_semaphore, #tpu.memory_space<semaphore_mem>>)
      %dma_wait3A = arith.constant 0 : i32
      %dma_wait3A_26 = tpu.memref_slice %arg15[%mul3A_4, %dma_wait3A] : memref<10112x32xf32, #tpu.memory_space<vmem_shared>> -> memref<632x32xf32, #tpu.memory_space<vmem_shared>>
      %dma_wait3A_27 = arith.constant 0 : i32
      %dma_wait3A_28 = tpu.memref_slice %arg6[%mul3A_2, %dma_wait3A_27] : memref<10112x32xf32, #tpu.memory_space<hbm>> -> memref<632x32xf32, #tpu.memory_space<hbm>>
      tpu.wait_dma2 semaphore(%run_scoped3A : memref<!tpu.dma_semaphore, #tpu.memory_space<semaphore_mem>>) src(%dma_wait3A_28 : memref<632x32xf32, #tpu.memory_space<hbm>>) dst(%dma_wait3A_26 : memref<632x32xf32, #tpu.memory_space<vmem_shared>>)
      tpu.yield
    }) : () -> ()
    "tpu.region"() ({
      %run_scoped3A = tpu.sem_alloc : memref<!tpu.dma_semaphore, #tpu.memory_space<semaphore_mem>>
      %dma_start3A = arith.constant 0 : i32
      %dma_start3A_23 = arith.constant 0 : i32
      %dma_start3A_24 = tpu.memref_slice %arg6[%dma_start3A, %dma_start3A_23] : memref<10112x32xf32, #tpu.memory_space<hbm>> -> memref<128x32xf32, #tpu.memory_space<hbm>>
      %dma_start3A_25 = arith.constant 0 : i32
      %dma_start3A_26 = arith.constant 0 : i32
      %dma_start3A_27 = tpu.memref_slice %arg6[%dma_start3A_25, %dma_start3A_26] : memref<10112x32xf32, #tpu.memory_space<hbm>> -> memref<128x32xf32, #tpu.memory_space<hbm>>
      tpu.enqueue_dma source(%dma_start3A_27 : memref<128x32xf32, #tpu.memory_space<hbm>>) target(%arg13 : memref<128x32xf32, #tpu.memory_space<vmem>>) target_semaphore(%run_scoped3A : memref<!tpu.dma_semaphore, #tpu.memory_space<semaphore_mem>>)
      %dma_wait3A = arith.constant 0 : i32
      %dma_wait3A_28 = arith.constant 0 : i32
      %dma_wait3A_29 = tpu.memref_slice %arg6[%dma_wait3A, %dma_wait3A_28] : memref<10112x32xf32, #tpu.memory_space<hbm>> -> memref<128x32xf32, #tpu.memory_space<hbm>>
      %dma_wait3A_30 = arith.constant 0 : i32
      %dma_wait3A_31 = arith.constant 0 : i32
      %dma_wait3A_32 = tpu.memref_slice %arg6[%dma_wait3A_30, %dma_wait3A_31] : memref<10112x32xf32, #tpu.memory_space<hbm>> -> memref<128x32xf32, #tpu.memory_space<hbm>>
      tpu.wait_dma2 semaphore(%run_scoped3A : memref<!tpu.dma_semaphore, #tpu.memory_space<semaphore_mem>>) src(%dma_wait3A_32 : memref<128x32xf32, #tpu.memory_space<hbm>>) dst(%arg13 : memref<128x32xf32, #tpu.memory_space<vmem>>)
      tpu.yield
    }) : () -> ()
    %iota3A = tpu.iota {dimensions = array<i32: 0>} : vector<16xi32>
    %eq3A = arith.constant 0 : i32
    %eq3A_5 = vector.broadcast %eq3A : i32 to vector<16xi32>
    %eq3A_6 = arith.cmpi eq, %iota3A, %eq3A_5 : vector<16xi32>
    %jit3A = arith.constant 1.000000e+00 : f32
    %jit3A_7 = arith.constant 0.000000e+00 : f32
    %broadcast_in_dim3A = vector.broadcast %jit3A : f32 to vector<16xf32>
    %broadcast_in_dim3A_8 = vector.broadcast %jit3A_7 : f32 to vector<16xf32>
    %select_n3A = arith.select %eq3A_6, %broadcast_in_dim3A, %broadcast_in_dim3A_8 : vector<16xi1>, vector<16xf32>
    %scan3A = arith.constant 0 : i32
    %scan3A_9 = arith.constant 128 : i32
    %scan3A_10 = arith.addi %scan3A, %scan3A_9 : i32
    %scan3A_11 = arith.constant 1 : i32
    scf.for %scan3A_23 = %scan3A to %scan3A_10 step %scan3A_11  : i32 {
      %mul3A_24 = arith.constant 1 : i32
      %mul3A_25 = arith.muli %scan3A_23, %mul3A_24 : i32
      %add3A_26 = arith.constant 0 : i32
      %add3A_27 = arith.addi %add3A_26, %mul3A_25 : i32
      %swap3A = arith.index_cast %add3A_27 : i32 to index
      %swap3A_28 = arith.constant 16 : index
      %swap3A_29 = tpu.vector_load %arg13[%swap3A, %swap3A_28] {strides = array<i32>} : memref<128x32xf32, #tpu.memory_space<vmem>>, vector<16xf32>,
      tpu.vector_store %arg13[%swap3A, %swap3A_28], %select_n3A {strides = array<i32>} : memref<128x32xf32, #tpu.memory_space<vmem>>, vector<16xf32>,
    }
    %scan3A_12 = arith.constant 128 : i32
    %barrier3A = arith.constant 0 : index
    tpu.barrier barrier_id(%barrier3A)
    %scan3A_13 = arith.constant 0 : i32
    %scan3A_14 = arith.constant 79 : i32
    %scan3A_15 = arith.addi %scan3A_13, %scan3A_14 : i32
    %scan3A_16 = arith.constant 1 : i32
    scf.for %scan3A_23 = %scan3A_13 to %scan3A_15 step %scan3A_16  : i32 {
      %mul3A_24 = arith.constant 1 : i32
      %mul3A_25 = arith.muli %scan3A_23, %mul3A_24 : i32
      %add3A_26 = arith.constant 0 : i32
      %add3A_27 = arith.addi %add3A_26, %mul3A_25 : i32
      %mul3A_28 = arith.constant 32 : i32
      %mul3A_29 = arith.muli %add3A_27, %mul3A_28 : i32
      %add3A_30 = arith.addi %add3A, %mul3A_29 : i32
      %lt3A = arith.constant 2500 : i32
      %lt3A_31 = arith.cmpi slt, %add3A_30, %lt3A : i32
      %convert_element_type3A = arith.extui %lt3A_31 : i1 to i32
      %cond3A = arith.constant 0 : i32
      %cond3A_32 = arith.cmpi ne, %convert_element_type3A, %cond3A : i32
      scf.if %cond3A_32 {
        %mul3A_33 = arith.constant 128 : i32
        %mul3A_34 = arith.muli %add3A_30, %mul3A_33 : i32
        "tpu.region"() ({
          %run_scoped3A = tpu.sem_alloc : memref<!tpu.dma_semaphore, #tpu.memory_space<semaphore_mem>>
          %dma_start3A_60 = tpu.memref_slice %arg2[%mul3A_34] : memref<320000xi32, #tpu.memory_space<hbm>> -> memref<128xi32, #tpu.memory_space<hbm>>
          %dma_start3A_61 = tpu.memref_slice %arg2[%mul3A_34] : memref<320000xi32, #tpu.memory_space<hbm>> -> memref<128xi32, #tpu.memory_space<hbm>>
          tpu.enqueue_dma source(%dma_start3A_61 : memref<128xi32, #tpu.memory_space<hbm>>) target(%arg8 : memref<128xi32, #tpu.memory_space<vmem>>) target_semaphore(%run_scoped3A : memref<!tpu.dma_semaphore, #tpu.memory_space<semaphore_mem>>)
          %dma_wait3A_62 = tpu.memref_slice %arg2[%mul3A_34] : memref<320000xi32, #tpu.memory_space<hbm>> -> memref<128xi32, #tpu.memory_space<hbm>>
          %dma_wait3A_63 = tpu.memref_slice %arg2[%mul3A_34] : memref<320000xi32, #tpu.memory_space<hbm>> -> memref<128xi32, #tpu.memory_space<hbm>>
          tpu.wait_dma2 semaphore(%run_scoped3A : memref<!tpu.dma_semaphore, #tpu.memory_space<semaphore_mem>>) src(%dma_wait3A_63 : memref<128xi32, #tpu.memory_space<hbm>>) dst(%arg8 : memref<128xi32, #tpu.memory_space<vmem>>)
          tpu.yield
        }) : () -> ()
        "tpu.region"() ({
          %run_scoped3A = tpu.sem_alloc : memref<!tpu.dma_semaphore, #tpu.memory_space<semaphore_mem>>
          %dma_start3A_60 = tpu.memref_slice %arg3[%mul3A_34] : memref<320000xi32, #tpu.memory_space<hbm>> -> memref<128xi32, #tpu.memory_space<hbm>>
          %dma_start3A_61 = tpu.memref_slice %arg3[%mul3A_34] : memref<320000xi32, #tpu.memory_space<hbm>> -> memref<128xi32, #tpu.memory_space<hbm>>
          tpu.enqueue_dma source(%dma_start3A_61 : memref<128xi32, #tpu.memory_space<hbm>>) target(%arg9 : memref<128xi32, #tpu.memory_space<vmem>>) target_semaphore(%run_scoped3A : memref<!tpu.dma_semaphore, #tpu.memory_space<semaphore_mem>>)
          %dma_wait3A_62 = tpu.memref_slice %arg3[%mul3A_34] : memref<320000xi32, #tpu.memory_space<hbm>> -> memref<128xi32, #tpu.memory_space<hbm>>
          %dma_wait3A_63 = tpu.memref_slice %arg3[%mul3A_34] : memref<320000xi32, #tpu.memory_space<hbm>> -> memref<128xi32, #tpu.memory_space<hbm>>
          tpu.wait_dma2 semaphore(%run_scoped3A : memref<!tpu.dma_semaphore, #tpu.memory_space<semaphore_mem>>) src(%dma_wait3A_63 : memref<128xi32, #tpu.memory_space<hbm>>) dst(%arg9 : memref<128xi32, #tpu.memory_space<vmem>>)
          tpu.yield
        }) : () -> ()
        %dma_start3A = arith.constant 0 : i32
        %dma_start3A_35 = arith.constant 0 : i32
        %dma_start3A_36 = tpu.memref_slice %arg4[%dma_start3A, %dma_start3A_35] : memref<10000x80xf32, #tpu.memory_space<hbm>> -> memref<10000x80xf32, #tpu.memory_space<hbm>>
        tpu.enqueue_indirect_dma source(%dma_start3A_36 : memref<10000x80xf32, #tpu.memory_space<hbm>>) target(%arg11 : memref<128x80xf32, #tpu.memory_space<vmem>>) offsets(%arg8 : memref<128xi32, #tpu.memory_space<vmem>>) semaphore(%arg16 : memref<!tpu.dma_semaphore, #tpu.memory_space<semaphore_mem>>)
        %dma_start3A_37 = arith.constant 0 : i32
        %dma_start3A_38 = arith.constant 0 : i32
        %dma_start3A_39 = tpu.memref_slice %arg5[%dma_start3A_37, %dma_start3A_38] : memref<10000x16xf32, #tpu.memory_space<hbm>> -> memref<10000x16xf32, #tpu.memory_space<hbm>>
        tpu.enqueue_indirect_dma source(%dma_start3A_39 : memref<10000x16xf32, #tpu.memory_space<hbm>>) target(%arg12 : memref<128x16xf32, #tpu.memory_space<vmem>>) offsets(%arg9 : memref<128xi32, #tpu.memory_space<vmem>>) semaphore(%arg17 : memref<!tpu.dma_semaphore, #tpu.memory_space<semaphore_mem>>)
        %scan3A_40 = arith.constant 0 : i32
        %scan3A_41 = arith.constant 8 : i32
        %scan3A_42 = arith.addi %scan3A_40, %scan3A_41 : i32
        %scan3A_43 = arith.constant 1 : i32
        scf.for %scan3A_60 = %scan3A_40 to %scan3A_42 step %scan3A_43  : i32 {
          %mul3A_61 = arith.constant 1 : i32
          %mul3A_62 = arith.muli %scan3A_60, %mul3A_61 : i32
          %add3A_63 = arith.constant 0 : i32
          %add3A_64 = arith.addi %add3A_63, %mul3A_62 : i32
          %mul3A_65 = arith.constant 16 : i32
          %mul3A_66 = arith.muli %add3A_64, %mul3A_65 : i32
          %get3A = arith.index_cast %mul3A_66 : i32 to index
          %get3A_67 = tpu.vector_load %arg8[%get3A] {strides = array<i32>} : memref<128xi32, #tpu.memory_space<vmem>>, vector<16xi32>,
          %mul3A_68 = arith.constant 16 : i32
          %mul3A_69 = arith.muli %add3A_64, %mul3A_68 : i32
          %get3A_70 = arith.index_cast %mul3A_69 : i32 to index
          %get3A_71 = tpu.vector_load %arg9[%get3A_70] {strides = array<i32>} : memref<128xi32, #tpu.memory_space<vmem>>, vector<16xi32>,
          %eq3A_72 = arith.cmpi eq, %get3A_67, %get3A_71 : vector<16xi32>
          %jit3A_73 = arith.constant 10000 : i32
          %broadcast_in_dim3A_74 = vector.broadcast %jit3A_73 : i32 to vector<16xi32>
          %select_n3A_75 = arith.select %eq3A_72, %broadcast_in_dim3A_74, %get3A_71 : vector<16xi1>, vector<16xi32>
          %mul3A_76 = arith.constant 16 : i32
          %mul3A_77 = arith.muli %add3A_64, %mul3A_76 : i32
          %swap3A = arith.index_cast %mul3A_77 : i32 to index
          %swap3A_78 = tpu.vector_load %arg10[%swap3A] {strides = array<i32>} : memref<128xi32, #tpu.memory_space<vmem>>, vector<16xi32>,
          tpu.vector_store %arg10[%swap3A], %select_n3A_75 {strides = array<i32>} : memref<128xi32, #tpu.memory_space<vmem>>, vector<16xi32>,
        }
        %scan3A_44 = arith.constant 8 : i32
        %dma_wait3A = arith.constant 0 : i32
        %dma_wait3A_45 = arith.constant 0 : i32
        %dma_wait3A_46 = tpu.memref_slice %arg4[%dma_wait3A, %dma_wait3A_45] : memref<10000x80xf32, #tpu.memory_space<hbm>> -> memref<10000x80xf32, #tpu.memory_space<hbm>>
        tpu.wait_indirect_dma semaphore(%arg16 : memref<!tpu.dma_semaphore, #tpu.memory_space<semaphore_mem>>) src(%dma_wait3A_46 : memref<10000x80xf32, #tpu.memory_space<hbm>>) dst(%arg11 : memref<128x80xf32, #tpu.memory_space<vmem>>)
        %dma_wait3A_47 = arith.constant 0 : i32
        %dma_wait3A_48 = arith.constant 0 : i32
        %dma_wait3A_49 = tpu.memref_slice %arg5[%dma_wait3A_47, %dma_wait3A_48] : memref<10000x16xf32, #tpu.memory_space<hbm>> -> memref<10000x16xf32, #tpu.memory_space<hbm>>
        tpu.wait_indirect_dma semaphore(%arg17 : memref<!tpu.dma_semaphore, #tpu.memory_space<semaphore_mem>>) src(%dma_wait3A_49 : memref<10000x16xf32, #tpu.memory_space<hbm>>) dst(%arg12 : memref<128x16xf32, #tpu.memory_space<vmem>>)
        %scan3A_50 = arith.constant 0 : i32
        %scan3A_51 = arith.constant 8 : i32
        %scan3A_52 = arith.addi %scan3A_50, %scan3A_51 : i32
        %scan3A_53 = arith.constant 1 : i32
        scf.for %scan3A_60 = %scan3A_50 to %scan3A_52 step %scan3A_53  : i32 {
          %mul3A_61 = arith.constant 1 : i32
          %mul3A_62 = arith.muli %scan3A_60, %mul3A_61 : i32
          %add3A_63 = arith.constant 0 : i32
          %add3A_64 = arith.addi %add3A_63, %mul3A_62 : i32
          %iota3A_65 = tpu.iota {dimensions = array<i32: 0>} : vector<16xi32>
          %mul3A_66 = arith.constant 16 : i32
          %mul3A_67 = arith.muli %add3A_64, %mul3A_66 : i32
          %add3A_68 = vector.broadcast %mul3A_67 : i32 to vector<16xi32>
          %add3A_69 = arith.addi %iota3A_65, %add3A_68 : vector<16xi32>
          %broadcast_in_dim3A_70 = arith.constant 64 : i32
          %broadcast_in_dim3A_71 = vector.broadcast %broadcast_in_dim3A_70 : i32 to vector<16xi32>
          %gather3A = tpu.vector_load_idx %arg11[%add3A_69, %broadcast_in_dim3A_71] : memref<128x80xf32, #tpu.memory_space<vmem>>[vector<16xi32>, vector<16xi32>], vector<16xf32>,
          %broadcast_in_dim3A_72 = arith.constant 0 : i32
          %broadcast_in_dim3A_73 = vector.broadcast %broadcast_in_dim3A_72 : i32 to vector<16xi32>
          %gather3A_74 = tpu.vector_load_idx %arg12[%add3A_69, %broadcast_in_dim3A_73] : memref<128x16xf32, #tpu.memory_space<vmem>>[vector<16xi32>, vector<16xi32>], vector<16xf32>,
          %mul3A_75 = arith.mulf %gather3A, %gather3A_74 : vector<16xf32>
          %broadcast_in_dim3A_76 = arith.constant 65 : i32
          %broadcast_in_dim3A_77 = vector.broadcast %broadcast_in_dim3A_76 : i32 to vector<16xi32>
          %gather3A_78 = tpu.vector_load_idx %arg11[%add3A_69, %broadcast_in_dim3A_77] : memref<128x80xf32, #tpu.memory_space<vmem>>[vector<16xi32>, vector<16xi32>], vector<16xf32>,
          %broadcast_in_dim3A_79 = arith.constant 1 : i32
          %broadcast_in_dim3A_80 = vector.broadcast %broadcast_in_dim3A_79 : i32 to vector<16xi32>
          %gather3A_81 = tpu.vector_load_idx %arg12[%add3A_69, %broadcast_in_dim3A_80] : memref<128x16xf32, #tpu.memory_space<vmem>>[vector<16xi32>, vector<16xi32>], vector<16xf32>,
          %mul3A_82 = arith.mulf %gather3A_78, %gather3A_81 : vector<16xf32>
          %broadcast_in_dim3A_83 = arith.constant 66 : i32
          %broadcast_in_dim3A_84 = vector.broadcast %broadcast_in_dim3A_83 : i32 to vector<16xi32>
          %gather3A_85 = tpu.vector_load_idx %arg11[%add3A_69, %broadcast_in_dim3A_84] : memref<128x80xf32, #tpu.memory_space<vmem>>[vector<16xi32>, vector<16xi32>], vector<16xf32>,
          %broadcast_in_dim3A_86 = arith.constant 2 : i32
          %broadcast_in_dim3A_87 = vector.broadcast %broadcast_in_dim3A_86 : i32 to vector<16xi32>
          %gather3A_88 = tpu.vector_load_idx %arg12[%add3A_69, %broadcast_in_dim3A_87] : memref<128x16xf32, #tpu.memory_space<vmem>>[vector<16xi32>, vector<16xi32>], vector<16xf32>,
          %mul3A_89 = arith.mulf %gather3A_85, %gather3A_88 : vector<16xf32>
          %broadcast_in_dim3A_90 = arith.constant 67 : i32
          %broadcast_in_dim3A_91 = vector.broadcast %broadcast_in_dim3A_90 : i32 to vector<16xi32>
          %gather3A_92 = tpu.vector_load_idx %arg11[%add3A_69, %broadcast_in_dim3A_91] : memref<128x80xf32, #tpu.memory_space<vmem>>[vector<16xi32>, vector<16xi32>], vector<16xf32>,
          %broadcast_in_dim3A_93 = arith.constant 3 : i32
          %broadcast_in_dim3A_94 = vector.broadcast %broadcast_in_dim3A_93 : i32 to vector<16xi32>
          %gather3A_95 = tpu.vector_load_idx %arg12[%add3A_69, %broadcast_in_dim3A_94] : memref<128x16xf32, #tpu.memory_space<vmem>>[vector<16xi32>, vector<16xi32>], vector<16xf32>,
          %mul3A_96 = arith.mulf %gather3A_92, %gather3A_95 : vector<16xf32>
          %add3A_97 = arith.addf %mul3A_75, %mul3A_82 : vector<16xf32>
          %add3A_98 = arith.addf %mul3A_89, %mul3A_96 : vector<16xf32>
          %add3A_99 = arith.addf %add3A_97, %add3A_98 : vector<16xf32>
          %div3A = arith.constant 1.000000e+00 : f32
          %div3A_100 = vector.broadcast %div3A : f32 to vector<16xf32>
          %div3A_101 = arith.divf %div3A_100, %add3A_99 : vector<16xf32>
          %mul3A_102 = arith.constant 4 : i32
          %mul3A_103 = vector.broadcast %mul3A_102 : i32 to vector<16xi32>
          %mul3A_104 = arith.muli %add3A_69, %mul3A_103 : vector<16xi32>
          %add3A_105 = arith.constant 0 : i32
          %add3A_106 = vector.broadcast %add3A_105 : i32 to vector<16xi32>
          %add3A_107 = arith.addi %mul3A_104, %add3A_106 : vector<16xi32>
          %mul3A_108 = arith.mulf %mul3A_75, %div3A_101 : vector<16xf32>
          tpu.vector_store_idx %arg14[%add3A_107], %mul3A_108 : memref<512xf32, #tpu.memory_space<vmem>>[vector<16xi32>], vector<16xf32>,
          %mul3A_109 = arith.constant 4 : i32
          %mul3A_110 = vector.broadcast %mul3A_109 : i32 to vector<16xi32>
          %mul3A_111 = arith.muli %add3A_69, %mul3A_110 : vector<16xi32>
          %add3A_112 = arith.constant 1 : i32
          %add3A_113 = vector.broadcast %add3A_112 : i32 to vector<16xi32>
          %add3A_114 = arith.addi %mul3A_111, %add3A_113 : vector<16xi32>
          %mul3A_115 = arith.mulf %mul3A_82, %div3A_101 : vector<16xf32>
          tpu.vector_store_idx %arg14[%add3A_114], %mul3A_115 : memref<512xf32, #tpu.memory_space<vmem>>[vector<16xi32>], vector<16xf32>,
          %mul3A_116 = arith.constant 4 : i32
          %mul3A_117 = vector.broadcast %mul3A_116 : i32 to vector<16xi32>
          %mul3A_118 = arith.muli %add3A_69, %mul3A_117 : vector<16xi32>
          %add3A_119 = arith.constant 2 : i32
          %add3A_120 = vector.broadcast %add3A_119 : i32 to vector<16xi32>
          %add3A_121 = arith.addi %mul3A_118, %add3A_120 : vector<16xi32>
          %mul3A_122 = arith.mulf %mul3A_89, %div3A_101 : vector<16xf32>
          tpu.vector_store_idx %arg14[%add3A_121], %mul3A_122 : memref<512xf32, #tpu.memory_space<vmem>>[vector<16xi32>], vector<16xf32>,
          %mul3A_123 = arith.constant 4 : i32
          %mul3A_124 = vector.broadcast %mul3A_123 : i32 to vector<16xi32>
          %mul3A_125 = arith.muli %add3A_69, %mul3A_124 : vector<16xi32>
          %add3A_126 = arith.constant 3 : i32
          %add3A_127 = vector.broadcast %add3A_126 : i32 to vector<16xi32>
          %add3A_128 = arith.addi %mul3A_125, %add3A_127 : vector<16xi32>
          %mul3A_129 = arith.mulf %mul3A_96, %div3A_101 : vector<16xf32>
          tpu.vector_store_idx %arg14[%add3A_128], %mul3A_129 : memref<512xf32, #tpu.memory_space<vmem>>[vector<16xi32>], vector<16xf32>,
        }
        %scan3A_54 = arith.constant 8 : i32
        %scan3A_55 = arith.constant 0 : i32
        %scan3A_56 = arith.constant 128 : i32
        %scan3A_57 = arith.addi %scan3A_55, %scan3A_56 : i32
        %scan3A_58 = arith.constant 1 : i32
        scf.for %scan3A_60 = %scan3A_55 to %scan3A_57 step %scan3A_58  : i32 {
          %mul3A_61 = arith.constant 1 : i32
          %mul3A_62 = arith.muli %scan3A_60, %mul3A_61 : i32
          %add3A_63 = arith.constant 0 : i32
          %add3A_64 = arith.addi %add3A_63, %mul3A_62 : i32
          %mul3A_65 = arith.constant 4 : i32
          %mul3A_66 = arith.muli %add3A_64, %mul3A_65 : i32
          %add3A_67 = arith.constant 0 : i32
          %add3A_68 = arith.addi %mul3A_66, %add3A_67 : i32
          %broadcast_in_dim3A_69 = vector.broadcast %add3A_68 : i32 to vector<16xi32>
          %gather3A = tpu.vector_load_idx %arg14[%broadcast_in_dim3A_69] : memref<512xf32, #tpu.memory_space<vmem>>[vector<16xi32>], vector<16xf32>,
          %get3A = arith.index_cast %add3A_64 : i32 to index
          %get3A_70 = arith.constant 0 : index
          %get3A_71 = tpu.vector_load %arg11[%get3A, %get3A_70] {strides = array<i32>} : memref<128x80xf32, #tpu.memory_space<vmem>>, vector<16xf32>,
          %mul3A_72 = arith.mulf %gather3A, %get3A_71 : vector<16xf32>
          %mul3A_73 = arith.constant 4 : i32
          %mul3A_74 = arith.muli %add3A_64, %mul3A_73 : i32
          %add3A_75 = arith.constant 1 : i32
          %add3A_76 = arith.addi %mul3A_74, %add3A_75 : i32
          %broadcast_in_dim3A_77 = vector.broadcast %add3A_76 : i32 to vector<16xi32>
          %gather3A_78 = tpu.vector_load_idx %arg14[%broadcast_in_dim3A_77] : memref<512xf32, #tpu.memory_space<vmem>>[vector<16xi32>], vector<16xf32>,
          %get3A_79 = arith.index_cast %add3A_64 : i32 to index
          %get3A_80 = arith.constant 16 : index
          %get3A_81 = tpu.vector_load %arg11[%get3A_79, %get3A_80] {strides = array<i32>} : memref<128x80xf32, #tpu.memory_space<vmem>>, vector<16xf32>,
          %mul3A_82 = arith.mulf %gather3A_78, %get3A_81 : vector<16xf32>
          %add3A_83 = arith.addf %mul3A_72, %mul3A_82 : vector<16xf32>
          %mul3A_84 = arith.constant 4 : i32
          %mul3A_85 = arith.muli %add3A_64, %mul3A_84 : i32
          %add3A_86 = arith.constant 2 : i32
          %add3A_87 = arith.addi %mul3A_85, %add3A_86 : i32
          %broadcast_in_dim3A_88 = vector.broadcast %add3A_87 : i32 to vector<16xi32>
          %gather3A_89 = tpu.vector_load_idx %arg14[%broadcast_in_dim3A_88] : memref<512xf32, #tpu.memory_space<vmem>>[vector<16xi32>], vector<16xf32>,
          %get3A_90 = arith.index_cast %add3A_64 : i32 to index
          %get3A_91 = arith.constant 32 : index
          %get3A_92 = tpu.vector_load %arg11[%get3A_90, %get3A_91] {strides = array<i32>} : memref<128x80xf32, #tpu.memory_space<vmem>>, vector<16xf32>,
          %mul3A_93 = arith.mulf %gather3A_89, %get3A_92 : vector<16xf32>
          %add3A_94 = arith.addf %add3A_83, %mul3A_93 : vector<16xf32>
          %mul3A_95 = arith.constant 4 : i32
          %mul3A_96 = arith.muli %add3A_64, %mul3A_95 : i32
          %add3A_97 = arith.constant 3 : i32
          %add3A_98 = arith.addi %mul3A_96, %add3A_97 : i32
          %broadcast_in_dim3A_99 = vector.broadcast %add3A_98 : i32 to vector<16xi32>
          %gather3A_100 = tpu.vector_load_idx %arg14[%broadcast_in_dim3A_99] : memref<512xf32, #tpu.memory_space<vmem>>[vector<16xi32>], vector<16xf32>,
          %get3A_101 = arith.index_cast %add3A_64 : i32 to index
          %get3A_102 = arith.constant 48 : index
          %get3A_103 = tpu.vector_load %arg11[%get3A_101, %get3A_102] {strides = array<i32>} : memref<128x80xf32, #tpu.memory_space<vmem>>, vector<16xf32>,
          %mul3A_104 = arith.mulf %gather3A_100, %get3A_103 : vector<16xf32>
          %add3A_105 = arith.addf %add3A_94, %mul3A_104 : vector<16xf32>
          %swap3A = arith.index_cast %add3A_64 : i32 to index
          %swap3A_106 = arith.constant 0 : index
          %swap3A_107 = tpu.vector_load %arg13[%swap3A, %swap3A_106] {strides = array<i32>} : memref<128x32xf32, #tpu.memory_space<vmem>>, vector<16xf32>,
          tpu.vector_store %arg13[%swap3A, %swap3A_106], %add3A_105 {strides = array<i32>} : memref<128x32xf32, #tpu.memory_space<vmem>>, vector<16xf32>,
        }
        %scan3A_59 = arith.constant 128 : i32
        "tpu.region"() ({
          %run_scoped3A = tpu.sem_alloc : memref<!tpu.dma_semaphore, #tpu.memory_space<semaphore_mem>>
          %dma_start3A_60 = arith.constant 0 : i32
          %dma_start3A_61 = arith.constant 0 : i32
          %dma_start3A_62 = tpu.memref_slice %arg15[%dma_start3A_60, %dma_start3A_61] : memref<10112x32xf32, #tpu.memory_space<vmem_shared>> -> memref<10112x32xf32, #tpu.memory_space<vmem_shared>>
          tpu.enqueue_indirect_dma source(%arg13 : memref<128x32xf32, #tpu.memory_space<vmem>>) target(%dma_start3A_62 : memref<10112x32xf32, #tpu.memory_space<vmem_shared>>) offsets(%arg10 : memref<128xi32, #tpu.memory_space<vmem>>) semaphore(%run_scoped3A : memref<!tpu.dma_semaphore, #tpu.memory_space<semaphore_mem>>) {add = true}
          %dma_wait3A_63 = arith.constant 0 : i32
          %dma_wait3A_64 = arith.constant 0 : i32
          %dma_wait3A_65 = tpu.memref_slice %arg15[%dma_wait3A_63, %dma_wait3A_64] : memref<10112x32xf32, #tpu.memory_space<vmem_shared>> -> memref<10112x32xf32, #tpu.memory_space<vmem_shared>>
          tpu.wait_indirect_dma semaphore(%run_scoped3A : memref<!tpu.dma_semaphore, #tpu.memory_space<semaphore_mem>>) src(%arg13 : memref<128x32xf32, #tpu.memory_space<vmem>>) dst(%dma_wait3A_65 : memref<10112x32xf32, #tpu.memory_space<vmem_shared>>)
          tpu.yield
        }) : () -> ()
      } else {
      }
    }
    %scan3A_17 = arith.constant 79 : i32
    %barrier3A_18 = arith.constant 0 : index
    tpu.barrier barrier_id(%barrier3A_18)
    %mul3A_19 = arith.constant 632 : i32
    %mul3A_20 = arith.muli %arg1, %mul3A_19 : i32
    %mul3A_21 = arith.constant 632 : i32
    %mul3A_22 = arith.muli %arg1, %mul3A_21 : i32
    "tpu.region"() ({
      %run_scoped3A = tpu.sem_alloc : memref<!tpu.dma_semaphore, #tpu.memory_space<semaphore_mem>>
      %dma_start3A = arith.constant 0 : i32
      %dma_start3A_23 = tpu.memref_slice %arg7[%arg0, %mul3A_22, %dma_start3A] : memref<2x10112x32xf32, #tpu.memory_space<hbm>> -> memref<1x632x32xf32, #tpu.memory_space<hbm>>
      %dma_start3A_24 = tpu.memref_squeeze %dma_start3A_23 : memref<1x632x32xf32, #tpu.memory_space<hbm>> -> memref<632x32xf32, #tpu.memory_space<hbm>>
      %dma_start3A_25 = arith.constant 0 : i32
      %dma_start3A_26 = tpu.memref_slice %arg15[%mul3A_20, %dma_start3A_25] : memref<10112x32xf32, #tpu.memory_space<vmem_shared>> -> memref<632x32xf32, #tpu.memory_space<vmem_shared>>
      tpu.enqueue_dma source(%dma_start3A_26 : memref<632x32xf32, #tpu.memory_space<vmem_shared>>) target(%dma_start3A_24 : memref<632x32xf32, #tpu.memory_space<hbm>>) target_semaphore(%run_scoped3A : memref<!tpu.dma_semaphore, #tpu.memory_space<semaphore_mem>>)
      %dma_wait3A = arith.constant 0 : i32
      %dma_wait3A_27 = tpu.memref_slice %arg7[%arg0, %mul3A_22, %dma_wait3A] : memref<2x10112x32xf32, #tpu.memory_space<hbm>> -> memref<1x632x32xf32, #tpu.memory_space<hbm>>
      %dma_wait3A_28 = tpu.memref_squeeze %dma_wait3A_27 : memref<1x632x32xf32, #tpu.memory_space<hbm>> -> memref<632x32xf32, #tpu.memory_space<hbm>>
      %dma_wait3A_29 = arith.constant 0 : i32
      %dma_wait3A_30 = tpu.memref_slice %arg15[%mul3A_20, %dma_wait3A_29] : memref<10112x32xf32, #tpu.memory_space<vmem_shared>> -> memref<632x32xf32, #tpu.memory_space<vmem_shared>>
      tpu.wait_dma2 semaphore(%run_scoped3A : memref<!tpu.dma_semaphore, #tpu.memory_space<semaphore_mem>>) src(%dma_wait3A_30 : memref<632x32xf32, #tpu.memory_space<vmem_shared>>) dst(%dma_wait3A_28 : memref<632x32xf32, #tpu.memory_space<hbm>>)
      tpu.yield
    }) : () -> ()
    return
  }
}

#map = affine_map<(d0, d1) -> (0)>
#map1 = affine_map<(d0, d1) -> (0, 0)>
#map2 = affine_map<(d0, d1) -> (0, 0, 0)>
module attributes {stable_mosaic.version = 14 : i64} {
  func.func @body(%arg0: i32, %arg1: i32, %arg2: memref<320000xi32, #tpu.memory_space<hbm>>, %arg3: memref<320000xi32, #tpu.memory_space<hbm>>, %arg4: memref<10000x272xf32, #tpu.memory_space<hbm>>, %arg5: memref<10000x16xf32, #tpu.memory_space<hbm>>, %arg6: memref<10112x64xf32, #tpu.memory_space<hbm>>, %arg7: memref<2x10112x64xf32, #tpu.memory_space<hbm>>, %arg8: memref<128xi32, #tpu.memory_space<vmem>>, %arg9: memref<128xi32, #tpu.memory_space<vmem>>, %arg10: memref<128xi32, #tpu.memory_space<vmem>>, %arg11: memref<128x272xf32, #tpu.memory_space<vmem>>, %arg12: memref<128x16xf32, #tpu.memory_space<vmem>>, %arg13: memref<128x64xf32, #tpu.memory_space<vmem>>, %arg14: memref<512xf32, #tpu.memory_space<vmem>>, %arg15: memref<10112x64xf32, #tpu.memory_space<vmem_shared>>, %arg16: memref<!tpu.dma_semaphore, #tpu.memory_space<semaphore_mem>>, %arg17: memref<!tpu.dma_semaphore, #tpu.memory_space<semaphore_mem>>) attributes {dimension_semantics = [#tpu.dimension_semantics<core_parallel>, #tpu.dimension_semantics<subcore_parallel>], iteration_bounds = array<i64: 2, 16>, scalar_prefetch = 0 : i64, scratch_operands = 10 : i64, tpu.core_type = #tpu.core_type<sc_vector_subcore>, window_params = [{transform_indices = #map}, {transform_indices = #map}, {transform_indices = #map1}, {transform_indices = #map1}, {transform_indices = #map1}, {transform_indices = #map2}]} {
    %mul3A = arith.constant 16 : i32
    %mul3A_0 = arith.muli %arg0, %mul3A : i32
    %add3A = arith.addi %mul3A_0, %arg1 : i32
    %mul3A_1 = arith.constant 632 : i32
    %mul3A_2 = arith.muli %arg1, %mul3A_1 : i32
    %mul3A_3 = arith.constant 632 : i32
    %mul3A_4 = arith.muli %arg1, %mul3A_3 : i32
    "tpu.region"() ({
      %run_scoped3A = tpu.sem_alloc : memref<!tpu.dma_semaphore, #tpu.memory_space<semaphore_mem>>
      %dma_start3A = arith.constant 0 : i32
      %dma_start3A_14 = tpu.memref_slice %arg15[%mul3A_4, %dma_start3A] : memref<10112x64xf32, #tpu.memory_space<vmem_shared>> -> memref<632x64xf32, #tpu.memory_space<vmem_shared>>
      %dma_start3A_15 = arith.constant 0 : i32
      %dma_start3A_16 = tpu.memref_slice %arg6[%mul3A_2, %dma_start3A_15] : memref<10112x64xf32, #tpu.memory_space<hbm>> -> memref<632x64xf32, #tpu.memory_space<hbm>>
      tpu.enqueue_dma source(%dma_start3A_16 : memref<632x64xf32, #tpu.memory_space<hbm>>) target(%dma_start3A_14 : memref<632x64xf32, #tpu.memory_space<vmem_shared>>) target_semaphore(%run_scoped3A : memref<!tpu.dma_semaphore, #tpu.memory_space<semaphore_mem>>)
      %dma_wait3A = arith.constant 0 : i32
      %dma_wait3A_17 = tpu.memref_slice %arg15[%mul3A_4, %dma_wait3A] : memref<10112x64xf32, #tpu.memory_space<vmem_shared>> -> memref<632x64xf32, #tpu.memory_space<vmem_shared>>
      %dma_wait3A_18 = arith.constant 0 : i32
      %dma_wait3A_19 = tpu.memref_slice %arg6[%mul3A_2, %dma_wait3A_18] : memref<10112x64xf32, #tpu.memory_space<hbm>> -> memref<632x64xf32, #tpu.memory_space<hbm>>
      tpu.wait_dma2 semaphore(%run_scoped3A : memref<!tpu.dma_semaphore, #tpu.memory_space<semaphore_mem>>) src(%dma_wait3A_19 : memref<632x64xf32, #tpu.memory_space<hbm>>) dst(%dma_wait3A_17 : memref<632x64xf32, #tpu.memory_space<vmem_shared>>)
      tpu.yield
    }) : () -> ()
    "tpu.region"() ({
      %run_scoped3A = tpu.sem_alloc : memref<!tpu.dma_semaphore, #tpu.memory_space<semaphore_mem>>
      %dma_start3A = arith.constant 0 : i32
      %dma_start3A_14 = arith.constant 0 : i32
      %dma_start3A_15 = tpu.memref_slice %arg6[%dma_start3A, %dma_start3A_14] : memref<10112x64xf32, #tpu.memory_space<hbm>> -> memref<128x64xf32, #tpu.memory_space<hbm>>
      %dma_start3A_16 = arith.constant 0 : i32
      %dma_start3A_17 = arith.constant 0 : i32
      %dma_start3A_18 = tpu.memref_slice %arg6[%dma_start3A_16, %dma_start3A_17] : memref<10112x64xf32, #tpu.memory_space<hbm>> -> memref<128x64xf32, #tpu.memory_space<hbm>>
      tpu.enqueue_dma source(%dma_start3A_18 : memref<128x64xf32, #tpu.memory_space<hbm>>) target(%arg13 : memref<128x64xf32, #tpu.memory_space<vmem>>) target_semaphore(%run_scoped3A : memref<!tpu.dma_semaphore, #tpu.memory_space<semaphore_mem>>)
      %dma_wait3A = arith.constant 0 : i32
      %dma_wait3A_19 = arith.constant 0 : i32
      %dma_wait3A_20 = tpu.memref_slice %arg6[%dma_wait3A, %dma_wait3A_19] : memref<10112x64xf32, #tpu.memory_space<hbm>> -> memref<128x64xf32, #tpu.memory_space<hbm>>
      %dma_wait3A_21 = arith.constant 0 : i32
      %dma_wait3A_22 = arith.constant 0 : i32
      %dma_wait3A_23 = tpu.memref_slice %arg6[%dma_wait3A_21, %dma_wait3A_22] : memref<10112x64xf32, #tpu.memory_space<hbm>> -> memref<128x64xf32, #tpu.memory_space<hbm>>
      tpu.wait_dma2 semaphore(%run_scoped3A : memref<!tpu.dma_semaphore, #tpu.memory_space<semaphore_mem>>) src(%dma_wait3A_23 : memref<128x64xf32, #tpu.memory_space<hbm>>) dst(%arg13 : memref<128x64xf32, #tpu.memory_space<vmem>>)
      tpu.yield
    }) : () -> ()
    %barrier3A = arith.constant 0 : index
    tpu.barrier barrier_id(%barrier3A)
    %scan3A = arith.constant 0 : i32
    %scan3A_5 = arith.constant 79 : i32
    %scan3A_6 = arith.addi %scan3A, %scan3A_5 : i32
    %scan3A_7 = arith.constant 1 : i32
    scf.for %scan3A_14 = %scan3A to %scan3A_6 step %scan3A_7  : i32 {
      %mul3A_15 = arith.constant 1 : i32
      %mul3A_16 = arith.muli %scan3A_14, %mul3A_15 : i32
      %add3A_17 = arith.constant 0 : i32
      %add3A_18 = arith.addi %add3A_17, %mul3A_16 : i32
      %mul3A_19 = arith.constant 32 : i32
      %mul3A_20 = arith.muli %add3A_18, %mul3A_19 : i32
      %add3A_21 = arith.addi %add3A, %mul3A_20 : i32
      %lt3A = arith.constant 2500 : i32
      %lt3A_22 = arith.cmpi slt, %add3A_21, %lt3A : i32
      %convert_element_type3A = arith.extui %lt3A_22 : i1 to i32
      %cond3A = arith.constant 0 : i32
      %cond3A_23 = arith.cmpi ne, %convert_element_type3A, %cond3A : i32
      scf.if %cond3A_23 {
        %mul3A_24 = arith.constant 128 : i32
        %mul3A_25 = arith.muli %add3A_21, %mul3A_24 : i32
        "tpu.region"() ({
          %run_scoped3A = tpu.sem_alloc : memref<!tpu.dma_semaphore, #tpu.memory_space<semaphore_mem>>
          %dma_start3A_51 = tpu.memref_slice %arg2[%mul3A_25] : memref<320000xi32, #tpu.memory_space<hbm>> -> memref<128xi32, #tpu.memory_space<hbm>>
          %dma_start3A_52 = tpu.memref_slice %arg2[%mul3A_25] : memref<320000xi32, #tpu.memory_space<hbm>> -> memref<128xi32, #tpu.memory_space<hbm>>
          tpu.enqueue_dma source(%dma_start3A_52 : memref<128xi32, #tpu.memory_space<hbm>>) target(%arg8 : memref<128xi32, #tpu.memory_space<vmem>>) target_semaphore(%run_scoped3A : memref<!tpu.dma_semaphore, #tpu.memory_space<semaphore_mem>>)
          %dma_wait3A_53 = tpu.memref_slice %arg2[%mul3A_25] : memref<320000xi32, #tpu.memory_space<hbm>> -> memref<128xi32, #tpu.memory_space<hbm>>
          %dma_wait3A_54 = tpu.memref_slice %arg2[%mul3A_25] : memref<320000xi32, #tpu.memory_space<hbm>> -> memref<128xi32, #tpu.memory_space<hbm>>
          tpu.wait_dma2 semaphore(%run_scoped3A : memref<!tpu.dma_semaphore, #tpu.memory_space<semaphore_mem>>) src(%dma_wait3A_54 : memref<128xi32, #tpu.memory_space<hbm>>) dst(%arg8 : memref<128xi32, #tpu.memory_space<vmem>>)
          tpu.yield
        }) : () -> ()
        "tpu.region"() ({
          %run_scoped3A = tpu.sem_alloc : memref<!tpu.dma_semaphore, #tpu.memory_space<semaphore_mem>>
          %dma_start3A_51 = tpu.memref_slice %arg3[%mul3A_25] : memref<320000xi32, #tpu.memory_space<hbm>> -> memref<128xi32, #tpu.memory_space<hbm>>
          %dma_start3A_52 = tpu.memref_slice %arg3[%mul3A_25] : memref<320000xi32, #tpu.memory_space<hbm>> -> memref<128xi32, #tpu.memory_space<hbm>>
          tpu.enqueue_dma source(%dma_start3A_52 : memref<128xi32, #tpu.memory_space<hbm>>) target(%arg9 : memref<128xi32, #tpu.memory_space<vmem>>) target_semaphore(%run_scoped3A : memref<!tpu.dma_semaphore, #tpu.memory_space<semaphore_mem>>)
          %dma_wait3A_53 = tpu.memref_slice %arg3[%mul3A_25] : memref<320000xi32, #tpu.memory_space<hbm>> -> memref<128xi32, #tpu.memory_space<hbm>>
          %dma_wait3A_54 = tpu.memref_slice %arg3[%mul3A_25] : memref<320000xi32, #tpu.memory_space<hbm>> -> memref<128xi32, #tpu.memory_space<hbm>>
          tpu.wait_dma2 semaphore(%run_scoped3A : memref<!tpu.dma_semaphore, #tpu.memory_space<semaphore_mem>>) src(%dma_wait3A_54 : memref<128xi32, #tpu.memory_space<hbm>>) dst(%arg9 : memref<128xi32, #tpu.memory_space<vmem>>)
          tpu.yield
        }) : () -> ()
        %dma_start3A = arith.constant 0 : i32
        %dma_start3A_26 = arith.constant 0 : i32
        %dma_start3A_27 = tpu.memref_slice %arg4[%dma_start3A, %dma_start3A_26] : memref<10000x272xf32, #tpu.memory_space<hbm>> -> memref<10000x272xf32, #tpu.memory_space<hbm>>
        tpu.enqueue_indirect_dma source(%dma_start3A_27 : memref<10000x272xf32, #tpu.memory_space<hbm>>) target(%arg11 : memref<128x272xf32, #tpu.memory_space<vmem>>) offsets(%arg8 : memref<128xi32, #tpu.memory_space<vmem>>) semaphore(%arg16 : memref<!tpu.dma_semaphore, #tpu.memory_space<semaphore_mem>>)
        %dma_start3A_28 = arith.constant 0 : i32
        %dma_start3A_29 = arith.constant 0 : i32
        %dma_start3A_30 = tpu.memref_slice %arg5[%dma_start3A_28, %dma_start3A_29] : memref<10000x16xf32, #tpu.memory_space<hbm>> -> memref<10000x16xf32, #tpu.memory_space<hbm>>
        tpu.enqueue_indirect_dma source(%dma_start3A_30 : memref<10000x16xf32, #tpu.memory_space<hbm>>) target(%arg12 : memref<128x16xf32, #tpu.memory_space<vmem>>) offsets(%arg9 : memref<128xi32, #tpu.memory_space<vmem>>) semaphore(%arg17 : memref<!tpu.dma_semaphore, #tpu.memory_space<semaphore_mem>>)
        %scan3A_31 = arith.constant 0 : i32
        %scan3A_32 = arith.constant 8 : i32
        %scan3A_33 = arith.addi %scan3A_31, %scan3A_32 : i32
        %scan3A_34 = arith.constant 1 : i32
        scf.for %scan3A_51 = %scan3A_31 to %scan3A_33 step %scan3A_34  : i32 {
          %mul3A_52 = arith.constant 1 : i32
          %mul3A_53 = arith.muli %scan3A_51, %mul3A_52 : i32
          %add3A_54 = arith.constant 0 : i32
          %add3A_55 = arith.addi %add3A_54, %mul3A_53 : i32
          %mul3A_56 = arith.constant 16 : i32
          %mul3A_57 = arith.muli %add3A_55, %mul3A_56 : i32
          %get3A = arith.index_cast %mul3A_57 : i32 to index
          %get3A_58 = tpu.vector_load %arg8[%get3A] {strides = array<i32>} : memref<128xi32, #tpu.memory_space<vmem>>, vector<16xi32>,
          %mul3A_59 = arith.constant 16 : i32
          %mul3A_60 = arith.muli %add3A_55, %mul3A_59 : i32
          %get3A_61 = arith.index_cast %mul3A_60 : i32 to index
          %get3A_62 = tpu.vector_load %arg9[%get3A_61] {strides = array<i32>} : memref<128xi32, #tpu.memory_space<vmem>>, vector<16xi32>,
          %eq3A = arith.cmpi eq, %get3A_58, %get3A_62 : vector<16xi32>
          %jit3A = arith.constant 10000 : i32
          %broadcast_in_dim3A = vector.broadcast %jit3A : i32 to vector<16xi32>
          %select_n3A = arith.select %eq3A, %broadcast_in_dim3A, %get3A_62 : vector<16xi1>, vector<16xi32>
          %mul3A_63 = arith.constant 16 : i32
          %mul3A_64 = arith.muli %add3A_55, %mul3A_63 : i32
          %swap3A = arith.index_cast %mul3A_64 : i32 to index
          %swap3A_65 = tpu.vector_load %arg10[%swap3A] {strides = array<i32>} : memref<128xi32, #tpu.memory_space<vmem>>, vector<16xi32>,
          tpu.vector_store %arg10[%swap3A], %select_n3A {strides = array<i32>} : memref<128xi32, #tpu.memory_space<vmem>>, vector<16xi32>,
        }
        %scan3A_35 = arith.constant 8 : i32
        %dma_wait3A = arith.constant 0 : i32
        %dma_wait3A_36 = arith.constant 0 : i32
        %dma_wait3A_37 = tpu.memref_slice %arg4[%dma_wait3A, %dma_wait3A_36] : memref<10000x272xf32, #tpu.memory_space<hbm>> -> memref<10000x272xf32, #tpu.memory_space<hbm>>
        tpu.wait_indirect_dma semaphore(%arg16 : memref<!tpu.dma_semaphore, #tpu.memory_space<semaphore_mem>>) src(%dma_wait3A_37 : memref<10000x272xf32, #tpu.memory_space<hbm>>) dst(%arg11 : memref<128x272xf32, #tpu.memory_space<vmem>>)
        %dma_wait3A_38 = arith.constant 0 : i32
        %dma_wait3A_39 = arith.constant 0 : i32
        %dma_wait3A_40 = tpu.memref_slice %arg5[%dma_wait3A_38, %dma_wait3A_39] : memref<10000x16xf32, #tpu.memory_space<hbm>> -> memref<10000x16xf32, #tpu.memory_space<hbm>>
        tpu.wait_indirect_dma semaphore(%arg17 : memref<!tpu.dma_semaphore, #tpu.memory_space<semaphore_mem>>) src(%dma_wait3A_40 : memref<10000x16xf32, #tpu.memory_space<hbm>>) dst(%arg12 : memref<128x16xf32, #tpu.memory_space<vmem>>)
        %scan3A_41 = arith.constant 0 : i32
        %scan3A_42 = arith.constant 8 : i32
        %scan3A_43 = arith.addi %scan3A_41, %scan3A_42 : i32
        %scan3A_44 = arith.constant 1 : i32
        scf.for %scan3A_51 = %scan3A_41 to %scan3A_43 step %scan3A_44  : i32 {
          %mul3A_52 = arith.constant 1 : i32
          %mul3A_53 = arith.muli %scan3A_51, %mul3A_52 : i32
          %add3A_54 = arith.constant 0 : i32
          %add3A_55 = arith.addi %add3A_54, %mul3A_53 : i32
          %iota3A = tpu.iota {dimensions = array<i32: 0>} : vector<16xi32>
          %mul3A_56 = arith.constant 16 : i32
          %mul3A_57 = arith.muli %add3A_55, %mul3A_56 : i32
          %add3A_58 = vector.broadcast %mul3A_57 : i32 to vector<16xi32>
          %add3A_59 = arith.addi %iota3A, %add3A_58 : vector<16xi32>
          %broadcast_in_dim3A = arith.constant 256 : i32
          %broadcast_in_dim3A_60 = vector.broadcast %broadcast_in_dim3A : i32 to vector<16xi32>
          %gather3A = tpu.vector_load_idx %arg11[%add3A_59, %broadcast_in_dim3A_60] : memref<128x272xf32, #tpu.memory_space<vmem>>[vector<16xi32>, vector<16xi32>], vector<16xf32>,
          %broadcast_in_dim3A_61 = arith.constant 0 : i32
          %broadcast_in_dim3A_62 = vector.broadcast %broadcast_in_dim3A_61 : i32 to vector<16xi32>
          %gather3A_63 = tpu.vector_load_idx %arg12[%add3A_59, %broadcast_in_dim3A_62] : memref<128x16xf32, #tpu.memory_space<vmem>>[vector<16xi32>, vector<16xi32>], vector<16xf32>,
          %mul3A_64 = arith.mulf %gather3A, %gather3A_63 : vector<16xf32>
          %broadcast_in_dim3A_65 = arith.constant 257 : i32
          %broadcast_in_dim3A_66 = vector.broadcast %broadcast_in_dim3A_65 : i32 to vector<16xi32>
          %gather3A_67 = tpu.vector_load_idx %arg11[%add3A_59, %broadcast_in_dim3A_66] : memref<128x272xf32, #tpu.memory_space<vmem>>[vector<16xi32>, vector<16xi32>], vector<16xf32>,
          %broadcast_in_dim3A_68 = arith.constant 1 : i32
          %broadcast_in_dim3A_69 = vector.broadcast %broadcast_in_dim3A_68 : i32 to vector<16xi32>
          %gather3A_70 = tpu.vector_load_idx %arg12[%add3A_59, %broadcast_in_dim3A_69] : memref<128x16xf32, #tpu.memory_space<vmem>>[vector<16xi32>, vector<16xi32>], vector<16xf32>,
          %mul3A_71 = arith.mulf %gather3A_67, %gather3A_70 : vector<16xf32>
          %broadcast_in_dim3A_72 = arith.constant 258 : i32
          %broadcast_in_dim3A_73 = vector.broadcast %broadcast_in_dim3A_72 : i32 to vector<16xi32>
          %gather3A_74 = tpu.vector_load_idx %arg11[%add3A_59, %broadcast_in_dim3A_73] : memref<128x272xf32, #tpu.memory_space<vmem>>[vector<16xi32>, vector<16xi32>], vector<16xf32>,
          %broadcast_in_dim3A_75 = arith.constant 2 : i32
          %broadcast_in_dim3A_76 = vector.broadcast %broadcast_in_dim3A_75 : i32 to vector<16xi32>
          %gather3A_77 = tpu.vector_load_idx %arg12[%add3A_59, %broadcast_in_dim3A_76] : memref<128x16xf32, #tpu.memory_space<vmem>>[vector<16xi32>, vector<16xi32>], vector<16xf32>,
          %mul3A_78 = arith.mulf %gather3A_74, %gather3A_77 : vector<16xf32>
          %broadcast_in_dim3A_79 = arith.constant 259 : i32
          %broadcast_in_dim3A_80 = vector.broadcast %broadcast_in_dim3A_79 : i32 to vector<16xi32>
          %gather3A_81 = tpu.vector_load_idx %arg11[%add3A_59, %broadcast_in_dim3A_80] : memref<128x272xf32, #tpu.memory_space<vmem>>[vector<16xi32>, vector<16xi32>], vector<16xf32>,
          %broadcast_in_dim3A_82 = arith.constant 3 : i32
          %broadcast_in_dim3A_83 = vector.broadcast %broadcast_in_dim3A_82 : i32 to vector<16xi32>
          %gather3A_84 = tpu.vector_load_idx %arg12[%add3A_59, %broadcast_in_dim3A_83] : memref<128x16xf32, #tpu.memory_space<vmem>>[vector<16xi32>, vector<16xi32>], vector<16xf32>,
          %mul3A_85 = arith.mulf %gather3A_81, %gather3A_84 : vector<16xf32>
          %add3A_86 = arith.addf %mul3A_64, %mul3A_71 : vector<16xf32>
          %add3A_87 = arith.addf %mul3A_78, %mul3A_85 : vector<16xf32>
          %add3A_88 = arith.addf %add3A_86, %add3A_87 : vector<16xf32>
          %div3A = arith.constant 1.000000e+00 : f32
          %div3A_89 = vector.broadcast %div3A : f32 to vector<16xf32>
          %div3A_90 = arith.divf %div3A_89, %add3A_88 : vector<16xf32>
          %mul3A_91 = arith.constant 4 : i32
          %mul3A_92 = vector.broadcast %mul3A_91 : i32 to vector<16xi32>
          %mul3A_93 = arith.muli %add3A_59, %mul3A_92 : vector<16xi32>
          %add3A_94 = arith.constant 0 : i32
          %add3A_95 = vector.broadcast %add3A_94 : i32 to vector<16xi32>
          %add3A_96 = arith.addi %mul3A_93, %add3A_95 : vector<16xi32>
          %mul3A_97 = arith.mulf %mul3A_64, %div3A_90 : vector<16xf32>
          tpu.vector_store_idx %arg14[%add3A_96], %mul3A_97 : memref<512xf32, #tpu.memory_space<vmem>>[vector<16xi32>], vector<16xf32>,
          %mul3A_98 = arith.constant 4 : i32
          %mul3A_99 = vector.broadcast %mul3A_98 : i32 to vector<16xi32>
          %mul3A_100 = arith.muli %add3A_59, %mul3A_99 : vector<16xi32>
          %add3A_101 = arith.constant 1 : i32
          %add3A_102 = vector.broadcast %add3A_101 : i32 to vector<16xi32>
          %add3A_103 = arith.addi %mul3A_100, %add3A_102 : vector<16xi32>
          %mul3A_104 = arith.mulf %mul3A_71, %div3A_90 : vector<16xf32>
          tpu.vector_store_idx %arg14[%add3A_103], %mul3A_104 : memref<512xf32, #tpu.memory_space<vmem>>[vector<16xi32>], vector<16xf32>,
          %mul3A_105 = arith.constant 4 : i32
          %mul3A_106 = vector.broadcast %mul3A_105 : i32 to vector<16xi32>
          %mul3A_107 = arith.muli %add3A_59, %mul3A_106 : vector<16xi32>
          %add3A_108 = arith.constant 2 : i32
          %add3A_109 = vector.broadcast %add3A_108 : i32 to vector<16xi32>
          %add3A_110 = arith.addi %mul3A_107, %add3A_109 : vector<16xi32>
          %mul3A_111 = arith.mulf %mul3A_78, %div3A_90 : vector<16xf32>
          tpu.vector_store_idx %arg14[%add3A_110], %mul3A_111 : memref<512xf32, #tpu.memory_space<vmem>>[vector<16xi32>], vector<16xf32>,
          %mul3A_112 = arith.constant 4 : i32
          %mul3A_113 = vector.broadcast %mul3A_112 : i32 to vector<16xi32>
          %mul3A_114 = arith.muli %add3A_59, %mul3A_113 : vector<16xi32>
          %add3A_115 = arith.constant 3 : i32
          %add3A_116 = vector.broadcast %add3A_115 : i32 to vector<16xi32>
          %add3A_117 = arith.addi %mul3A_114, %add3A_116 : vector<16xi32>
          %mul3A_118 = arith.mulf %mul3A_85, %div3A_90 : vector<16xf32>
          tpu.vector_store_idx %arg14[%add3A_117], %mul3A_118 : memref<512xf32, #tpu.memory_space<vmem>>[vector<16xi32>], vector<16xf32>,
        }
        %scan3A_45 = arith.constant 8 : i32
        %scan3A_46 = arith.constant 0 : i32
        %scan3A_47 = arith.constant 128 : i32
        %scan3A_48 = arith.addi %scan3A_46, %scan3A_47 : i32
        %scan3A_49 = arith.constant 1 : i32
        scf.for %scan3A_51 = %scan3A_46 to %scan3A_48 step %scan3A_49  : i32 {
          %mul3A_52 = arith.constant 1 : i32
          %mul3A_53 = arith.muli %scan3A_51, %mul3A_52 : i32
          %add3A_54 = arith.constant 0 : i32
          %add3A_55 = arith.addi %add3A_54, %mul3A_53 : i32
          %mul3A_56 = arith.constant 4 : i32
          %mul3A_57 = arith.muli %add3A_55, %mul3A_56 : i32
          %add3A_58 = arith.constant 0 : i32
          %add3A_59 = arith.addi %mul3A_57, %add3A_58 : i32
          %broadcast_in_dim3A = vector.broadcast %add3A_59 : i32 to vector<16xi32>
          %gather3A = tpu.vector_load_idx %arg14[%broadcast_in_dim3A] : memref<512xf32, #tpu.memory_space<vmem>>[vector<16xi32>], vector<16xf32>,
          %get3A = arith.index_cast %add3A_55 : i32 to index
          %get3A_60 = arith.constant 0 : index
          %get3A_61 = tpu.vector_load %arg11[%get3A, %get3A_60] {strides = array<i32>} : memref<128x272xf32, #tpu.memory_space<vmem>>, vector<16xf32>,
          %mul3A_62 = arith.mulf %gather3A, %get3A_61 : vector<16xf32>
          %get3A_63 = arith.index_cast %add3A_55 : i32 to index
          %get3A_64 = arith.constant 16 : index
          %get3A_65 = tpu.vector_load %arg11[%get3A_63, %get3A_64] {strides = array<i32>} : memref<128x272xf32, #tpu.memory_space<vmem>>, vector<16xf32>,
          %mul3A_66 = arith.mulf %gather3A, %get3A_65 : vector<16xf32>
          %get3A_67 = arith.index_cast %add3A_55 : i32 to index
          %get3A_68 = arith.constant 32 : index
          %get3A_69 = tpu.vector_load %arg11[%get3A_67, %get3A_68] {strides = array<i32>} : memref<128x272xf32, #tpu.memory_space<vmem>>, vector<16xf32>,
          %mul3A_70 = arith.mulf %gather3A, %get3A_69 : vector<16xf32>
          %get3A_71 = arith.index_cast %add3A_55 : i32 to index
          %get3A_72 = arith.constant 48 : index
          %get3A_73 = tpu.vector_load %arg11[%get3A_71, %get3A_72] {strides = array<i32>} : memref<128x272xf32, #tpu.memory_space<vmem>>, vector<16xf32>,
          %mul3A_74 = arith.mulf %gather3A, %get3A_73 : vector<16xf32>
          %mul3A_75 = arith.constant 4 : i32
          %mul3A_76 = arith.muli %add3A_55, %mul3A_75 : i32
          %add3A_77 = arith.constant 1 : i32
          %add3A_78 = arith.addi %mul3A_76, %add3A_77 : i32
          %broadcast_in_dim3A_79 = vector.broadcast %add3A_78 : i32 to vector<16xi32>
          %gather3A_80 = tpu.vector_load_idx %arg14[%broadcast_in_dim3A_79] : memref<512xf32, #tpu.memory_space<vmem>>[vector<16xi32>], vector<16xf32>,
          %get3A_81 = arith.index_cast %add3A_55 : i32 to index
          %get3A_82 = arith.constant 64 : index
          %get3A_83 = tpu.vector_load %arg11[%get3A_81, %get3A_82] {strides = array<i32>} : memref<128x272xf32, #tpu.memory_space<vmem>>, vector<16xf32>,
          %mul3A_84 = arith.mulf %gather3A_80, %get3A_83 : vector<16xf32>
          %add3A_85 = arith.addf %mul3A_62, %mul3A_84 : vector<16xf32>
          %get3A_86 = arith.index_cast %add3A_55 : i32 to index
          %get3A_87 = arith.constant 80 : index
          %get3A_88 = tpu.vector_load %arg11[%get3A_86, %get3A_87] {strides = array<i32>} : memref<128x272xf32, #tpu.memory_space<vmem>>, vector<16xf32>,
          %mul3A_89 = arith.mulf %gather3A_80, %get3A_88 : vector<16xf32>
          %add3A_90 = arith.addf %mul3A_66, %mul3A_89 : vector<16xf32>
          %get3A_91 = arith.index_cast %add3A_55 : i32 to index
          %get3A_92 = arith.constant 96 : index
          %get3A_93 = tpu.vector_load %arg11[%get3A_91, %get3A_92] {strides = array<i32>} : memref<128x272xf32, #tpu.memory_space<vmem>>, vector<16xf32>,
          %mul3A_94 = arith.mulf %gather3A_80, %get3A_93 : vector<16xf32>
          %add3A_95 = arith.addf %mul3A_70, %mul3A_94 : vector<16xf32>
          %get3A_96 = arith.index_cast %add3A_55 : i32 to index
          %get3A_97 = arith.constant 112 : index
          %get3A_98 = tpu.vector_load %arg11[%get3A_96, %get3A_97] {strides = array<i32>} : memref<128x272xf32, #tpu.memory_space<vmem>>, vector<16xf32>,
          %mul3A_99 = arith.mulf %gather3A_80, %get3A_98 : vector<16xf32>
          %add3A_100 = arith.addf %mul3A_74, %mul3A_99 : vector<16xf32>
          %mul3A_101 = arith.constant 4 : i32
          %mul3A_102 = arith.muli %add3A_55, %mul3A_101 : i32
          %add3A_103 = arith.constant 2 : i32
          %add3A_104 = arith.addi %mul3A_102, %add3A_103 : i32
          %broadcast_in_dim3A_105 = vector.broadcast %add3A_104 : i32 to vector<16xi32>
          %gather3A_106 = tpu.vector_load_idx %arg14[%broadcast_in_dim3A_105] : memref<512xf32, #tpu.memory_space<vmem>>[vector<16xi32>], vector<16xf32>,
          %get3A_107 = arith.index_cast %add3A_55 : i32 to index
          %get3A_108 = arith.constant 128 : index
          %get3A_109 = tpu.vector_load %arg11[%get3A_107, %get3A_108] {strides = array<i32>} : memref<128x272xf32, #tpu.memory_space<vmem>>, vector<16xf32>,
          %mul3A_110 = arith.mulf %gather3A_106, %get3A_109 : vector<16xf32>
          %add3A_111 = arith.addf %add3A_85, %mul3A_110 : vector<16xf32>
          %get3A_112 = arith.index_cast %add3A_55 : i32 to index
          %get3A_113 = arith.constant 144 : index
          %get3A_114 = tpu.vector_load %arg11[%get3A_112, %get3A_113] {strides = array<i32>} : memref<128x272xf32, #tpu.memory_space<vmem>>, vector<16xf32>,
          %mul3A_115 = arith.mulf %gather3A_106, %get3A_114 : vector<16xf32>
          %add3A_116 = arith.addf %add3A_90, %mul3A_115 : vector<16xf32>
          %get3A_117 = arith.index_cast %add3A_55 : i32 to index
          %get3A_118 = arith.constant 160 : index
          %get3A_119 = tpu.vector_load %arg11[%get3A_117, %get3A_118] {strides = array<i32>} : memref<128x272xf32, #tpu.memory_space<vmem>>, vector<16xf32>,
          %mul3A_120 = arith.mulf %gather3A_106, %get3A_119 : vector<16xf32>
          %add3A_121 = arith.addf %add3A_95, %mul3A_120 : vector<16xf32>
          %get3A_122 = arith.index_cast %add3A_55 : i32 to index
          %get3A_123 = arith.constant 176 : index
          %get3A_124 = tpu.vector_load %arg11[%get3A_122, %get3A_123] {strides = array<i32>} : memref<128x272xf32, #tpu.memory_space<vmem>>, vector<16xf32>,
          %mul3A_125 = arith.mulf %gather3A_106, %get3A_124 : vector<16xf32>
          %add3A_126 = arith.addf %add3A_100, %mul3A_125 : vector<16xf32>
          %mul3A_127 = arith.constant 4 : i32
          %mul3A_128 = arith.muli %add3A_55, %mul3A_127 : i32
          %add3A_129 = arith.constant 3 : i32
          %add3A_130 = arith.addi %mul3A_128, %add3A_129 : i32
          %broadcast_in_dim3A_131 = vector.broadcast %add3A_130 : i32 to vector<16xi32>
          %gather3A_132 = tpu.vector_load_idx %arg14[%broadcast_in_dim3A_131] : memref<512xf32, #tpu.memory_space<vmem>>[vector<16xi32>], vector<16xf32>,
          %get3A_133 = arith.index_cast %add3A_55 : i32 to index
          %get3A_134 = arith.constant 192 : index
          %get3A_135 = tpu.vector_load %arg11[%get3A_133, %get3A_134] {strides = array<i32>} : memref<128x272xf32, #tpu.memory_space<vmem>>, vector<16xf32>,
          %mul3A_136 = arith.mulf %gather3A_132, %get3A_135 : vector<16xf32>
          %add3A_137 = arith.addf %add3A_111, %mul3A_136 : vector<16xf32>
          %get3A_138 = arith.index_cast %add3A_55 : i32 to index
          %get3A_139 = arith.constant 208 : index
          %get3A_140 = tpu.vector_load %arg11[%get3A_138, %get3A_139] {strides = array<i32>} : memref<128x272xf32, #tpu.memory_space<vmem>>, vector<16xf32>,
          %mul3A_141 = arith.mulf %gather3A_132, %get3A_140 : vector<16xf32>
          %add3A_142 = arith.addf %add3A_116, %mul3A_141 : vector<16xf32>
          %get3A_143 = arith.index_cast %add3A_55 : i32 to index
          %get3A_144 = arith.constant 224 : index
          %get3A_145 = tpu.vector_load %arg11[%get3A_143, %get3A_144] {strides = array<i32>} : memref<128x272xf32, #tpu.memory_space<vmem>>, vector<16xf32>,
          %mul3A_146 = arith.mulf %gather3A_132, %get3A_145 : vector<16xf32>
          %add3A_147 = arith.addf %add3A_121, %mul3A_146 : vector<16xf32>
          %get3A_148 = arith.index_cast %add3A_55 : i32 to index
          %get3A_149 = arith.constant 240 : index
          %get3A_150 = tpu.vector_load %arg11[%get3A_148, %get3A_149] {strides = array<i32>} : memref<128x272xf32, #tpu.memory_space<vmem>>, vector<16xf32>,
          %mul3A_151 = arith.mulf %gather3A_132, %get3A_150 : vector<16xf32>
          %add3A_152 = arith.addf %add3A_126, %mul3A_151 : vector<16xf32>
          %swap3A = arith.index_cast %add3A_55 : i32 to index
          %swap3A_153 = arith.constant 0 : index
          %swap3A_154 = tpu.vector_load %arg13[%swap3A, %swap3A_153] {strides = array<i32>} : memref<128x64xf32, #tpu.memory_space<vmem>>, vector<16xf32>,
          tpu.vector_store %arg13[%swap3A, %swap3A_153], %add3A_137 {strides = array<i32>} : memref<128x64xf32, #tpu.memory_space<vmem>>, vector<16xf32>,
          %swap3A_155 = arith.index_cast %add3A_55 : i32 to index
          %swap3A_156 = arith.constant 16 : index
          %swap3A_157 = tpu.vector_load %arg13[%swap3A_155, %swap3A_156] {strides = array<i32>} : memref<128x64xf32, #tpu.memory_space<vmem>>, vector<16xf32>,
          tpu.vector_store %arg13[%swap3A_155, %swap3A_156], %add3A_142 {strides = array<i32>} : memref<128x64xf32, #tpu.memory_space<vmem>>, vector<16xf32>,
          %swap3A_158 = arith.index_cast %add3A_55 : i32 to index
          %swap3A_159 = arith.constant 32 : index
          %swap3A_160 = tpu.vector_load %arg13[%swap3A_158, %swap3A_159] {strides = array<i32>} : memref<128x64xf32, #tpu.memory_space<vmem>>, vector<16xf32>,
          tpu.vector_store %arg13[%swap3A_158, %swap3A_159], %add3A_147 {strides = array<i32>} : memref<128x64xf32, #tpu.memory_space<vmem>>, vector<16xf32>,
          %swap3A_161 = arith.index_cast %add3A_55 : i32 to index
          %swap3A_162 = arith.constant 48 : index
          %swap3A_163 = tpu.vector_load %arg13[%swap3A_161, %swap3A_162] {strides = array<i32>} : memref<128x64xf32, #tpu.memory_space<vmem>>, vector<16xf32>,
          tpu.vector_store %arg13[%swap3A_161, %swap3A_162], %add3A_152 {strides = array<i32>} : memref<128x64xf32, #tpu.memory_space<vmem>>, vector<16xf32>,
        }
        %scan3A_50 = arith.constant 128 : i32
        "tpu.region"() ({
          %run_scoped3A = tpu.sem_alloc : memref<!tpu.dma_semaphore, #tpu.memory_space<semaphore_mem>>
          %dma_start3A_51 = arith.constant 0 : i32
          %dma_start3A_52 = arith.constant 0 : i32
          %dma_start3A_53 = tpu.memref_slice %arg15[%dma_start3A_51, %dma_start3A_52] : memref<10112x64xf32, #tpu.memory_space<vmem_shared>> -> memref<10112x64xf32, #tpu.memory_space<vmem_shared>>
          tpu.enqueue_indirect_dma source(%arg13 : memref<128x64xf32, #tpu.memory_space<vmem>>) target(%dma_start3A_53 : memref<10112x64xf32, #tpu.memory_space<vmem_shared>>) offsets(%arg10 : memref<128xi32, #tpu.memory_space<vmem>>) semaphore(%run_scoped3A : memref<!tpu.dma_semaphore, #tpu.memory_space<semaphore_mem>>) {add = true}
          %dma_wait3A_54 = arith.constant 0 : i32
          %dma_wait3A_55 = arith.constant 0 : i32
          %dma_wait3A_56 = tpu.memref_slice %arg15[%dma_wait3A_54, %dma_wait3A_55] : memref<10112x64xf32, #tpu.memory_space<vmem_shared>> -> memref<10112x64xf32, #tpu.memory_space<vmem_shared>>
          tpu.wait_indirect_dma semaphore(%run_scoped3A : memref<!tpu.dma_semaphore, #tpu.memory_space<semaphore_mem>>) src(%arg13 : memref<128x64xf32, #tpu.memory_space<vmem>>) dst(%dma_wait3A_56 : memref<10112x64xf32, #tpu.memory_space<vmem_shared>>)
          tpu.yield
        }) : () -> ()
      } else {
      }
    }
    %scan3A_8 = arith.constant 79 : i32
    %barrier3A_9 = arith.constant 0 : index
    tpu.barrier barrier_id(%barrier3A_9)
    %mul3A_10 = arith.constant 632 : i32
    %mul3A_11 = arith.muli %arg1, %mul3A_10 : i32
    %mul3A_12 = arith.constant 632 : i32
    %mul3A_13 = arith.muli %arg1, %mul3A_12 : i32
    "tpu.region"() ({
      %run_scoped3A = tpu.sem_alloc : memref<!tpu.dma_semaphore, #tpu.memory_space<semaphore_mem>>
      %dma_start3A = arith.constant 0 : i32
      %dma_start3A_14 = tpu.memref_slice %arg7[%arg0, %mul3A_13, %dma_start3A] : memref<2x10112x64xf32, #tpu.memory_space<hbm>> -> memref<1x632x64xf32, #tpu.memory_space<hbm>>
      %dma_start3A_15 = tpu.memref_squeeze %dma_start3A_14 : memref<1x632x64xf32, #tpu.memory_space<hbm>> -> memref<632x64xf32, #tpu.memory_space<hbm>>
      %dma_start3A_16 = arith.constant 0 : i32
      %dma_start3A_17 = tpu.memref_slice %arg15[%mul3A_11, %dma_start3A_16] : memref<10112x64xf32, #tpu.memory_space<vmem_shared>> -> memref<632x64xf32, #tpu.memory_space<vmem_shared>>
      tpu.enqueue_dma source(%dma_start3A_17 : memref<632x64xf32, #tpu.memory_space<vmem_shared>>) target(%dma_start3A_15 : memref<632x64xf32, #tpu.memory_space<hbm>>) target_semaphore(%run_scoped3A : memref<!tpu.dma_semaphore, #tpu.memory_space<semaphore_mem>>)
      %dma_wait3A = arith.constant 0 : i32
      %dma_wait3A_18 = tpu.memref_slice %arg7[%arg0, %mul3A_13, %dma_wait3A] : memref<2x10112x64xf32, #tpu.memory_space<hbm>> -> memref<1x632x64xf32, #tpu.memory_space<hbm>>
      %dma_wait3A_19 = tpu.memref_squeeze %dma_wait3A_18 : memref<1x632x64xf32, #tpu.memory_space<hbm>> -> memref<632x64xf32, #tpu.memory_space<hbm>>
      %dma_wait3A_20 = arith.constant 0 : i32
      %dma_wait3A_21 = tpu.memref_slice %arg15[%mul3A_11, %dma_wait3A_20] : memref<10112x64xf32, #tpu.memory_space<vmem_shared>> -> memref<632x64xf32, #tpu.memory_space<vmem_shared>>
      tpu.wait_dma2 semaphore(%run_scoped3A : memref<!tpu.dma_semaphore, #tpu.memory_space<semaphore_mem>>) src(%dma_wait3A_21 : memref<632x64xf32, #tpu.memory_space<vmem_shared>>) dst(%dma_wait3A_19 : memref<632x64xf32, #tpu.memory_space<hbm>>)
      tpu.yield
    }) : () -> ()
    return
  }
}

#map = affine_map<(d0, d1) -> (0)>
#map1 = affine_map<(d0, d1) -> (0, 0)>
#map2 = affine_map<(d0, d1) -> (0, 0, 0)>
module attributes {stable_mosaic.version = 14 : i64} {
  func.func @body(%arg0: i32, %arg1: i32, %arg2: memref<320000xi32, #tpu.memory_space<hbm>>, %arg3: memref<320000xi32, #tpu.memory_space<hbm>>, %arg4: memref<10000x144xf32, #tpu.memory_space<hbm>>, %arg5: memref<10000x16xf32, #tpu.memory_space<hbm>>, %arg6: memref<10112x32xf32, #tpu.memory_space<hbm>>, %arg7: memref<2x10112x32xf32, #tpu.memory_space<hbm>>, %arg8: memref<128xi32, #tpu.memory_space<vmem>>, %arg9: memref<128xi32, #tpu.memory_space<vmem>>, %arg10: memref<128xi32, #tpu.memory_space<vmem>>, %arg11: memref<128x144xf32, #tpu.memory_space<vmem>>, %arg12: memref<128x16xf32, #tpu.memory_space<vmem>>, %arg13: memref<128x32xf32, #tpu.memory_space<vmem>>, %arg14: memref<512xf32, #tpu.memory_space<vmem>>, %arg15: memref<10112x32xf32, #tpu.memory_space<vmem_shared>>, %arg16: memref<!tpu.dma_semaphore, #tpu.memory_space<semaphore_mem>>, %arg17: memref<!tpu.dma_semaphore, #tpu.memory_space<semaphore_mem>>) attributes {dimension_semantics = [#tpu.dimension_semantics<core_parallel>, #tpu.dimension_semantics<subcore_parallel>], iteration_bounds = array<i64: 2, 16>, scalar_prefetch = 0 : i64, scratch_operands = 10 : i64, tpu.core_type = #tpu.core_type<sc_vector_subcore>, window_params = [{transform_indices = #map}, {transform_indices = #map}, {transform_indices = #map1}, {transform_indices = #map1}, {transform_indices = #map1}, {transform_indices = #map2}]} {
    %mul3A = arith.constant 16 : i32
    %mul3A_0 = arith.muli %arg0, %mul3A : i32
    %add3A = arith.addi %mul3A_0, %arg1 : i32
    %mul3A_1 = arith.constant 632 : i32
    %mul3A_2 = arith.muli %arg1, %mul3A_1 : i32
    %mul3A_3 = arith.constant 632 : i32
    %mul3A_4 = arith.muli %arg1, %mul3A_3 : i32
    "tpu.region"() ({
      %run_scoped3A = tpu.sem_alloc : memref<!tpu.dma_semaphore, #tpu.memory_space<semaphore_mem>>
      %dma_start3A = arith.constant 0 : i32
      %dma_start3A_14 = tpu.memref_slice %arg15[%mul3A_4, %dma_start3A] : memref<10112x32xf32, #tpu.memory_space<vmem_shared>> -> memref<632x32xf32, #tpu.memory_space<vmem_shared>>
      %dma_start3A_15 = arith.constant 0 : i32
      %dma_start3A_16 = tpu.memref_slice %arg6[%mul3A_2, %dma_start3A_15] : memref<10112x32xf32, #tpu.memory_space<hbm>> -> memref<632x32xf32, #tpu.memory_space<hbm>>
      tpu.enqueue_dma source(%dma_start3A_16 : memref<632x32xf32, #tpu.memory_space<hbm>>) target(%dma_start3A_14 : memref<632x32xf32, #tpu.memory_space<vmem_shared>>) target_semaphore(%run_scoped3A : memref<!tpu.dma_semaphore, #tpu.memory_space<semaphore_mem>>)
      %dma_wait3A = arith.constant 0 : i32
      %dma_wait3A_17 = tpu.memref_slice %arg15[%mul3A_4, %dma_wait3A] : memref<10112x32xf32, #tpu.memory_space<vmem_shared>> -> memref<632x32xf32, #tpu.memory_space<vmem_shared>>
      %dma_wait3A_18 = arith.constant 0 : i32
      %dma_wait3A_19 = tpu.memref_slice %arg6[%mul3A_2, %dma_wait3A_18] : memref<10112x32xf32, #tpu.memory_space<hbm>> -> memref<632x32xf32, #tpu.memory_space<hbm>>
      tpu.wait_dma2 semaphore(%run_scoped3A : memref<!tpu.dma_semaphore, #tpu.memory_space<semaphore_mem>>) src(%dma_wait3A_19 : memref<632x32xf32, #tpu.memory_space<hbm>>) dst(%dma_wait3A_17 : memref<632x32xf32, #tpu.memory_space<vmem_shared>>)
      tpu.yield
    }) : () -> ()
    "tpu.region"() ({
      %run_scoped3A = tpu.sem_alloc : memref<!tpu.dma_semaphore, #tpu.memory_space<semaphore_mem>>
      %dma_start3A = arith.constant 0 : i32
      %dma_start3A_14 = arith.constant 0 : i32
      %dma_start3A_15 = tpu.memref_slice %arg6[%dma_start3A, %dma_start3A_14] : memref<10112x32xf32, #tpu.memory_space<hbm>> -> memref<128x32xf32, #tpu.memory_space<hbm>>
      %dma_start3A_16 = arith.constant 0 : i32
      %dma_start3A_17 = arith.constant 0 : i32
      %dma_start3A_18 = tpu.memref_slice %arg6[%dma_start3A_16, %dma_start3A_17] : memref<10112x32xf32, #tpu.memory_space<hbm>> -> memref<128x32xf32, #tpu.memory_space<hbm>>
      tpu.enqueue_dma source(%dma_start3A_18 : memref<128x32xf32, #tpu.memory_space<hbm>>) target(%arg13 : memref<128x32xf32, #tpu.memory_space<vmem>>) target_semaphore(%run_scoped3A : memref<!tpu.dma_semaphore, #tpu.memory_space<semaphore_mem>>)
      %dma_wait3A = arith.constant 0 : i32
      %dma_wait3A_19 = arith.constant 0 : i32
      %dma_wait3A_20 = tpu.memref_slice %arg6[%dma_wait3A, %dma_wait3A_19] : memref<10112x32xf32, #tpu.memory_space<hbm>> -> memref<128x32xf32, #tpu.memory_space<hbm>>
      %dma_wait3A_21 = arith.constant 0 : i32
      %dma_wait3A_22 = arith.constant 0 : i32
      %dma_wait3A_23 = tpu.memref_slice %arg6[%dma_wait3A_21, %dma_wait3A_22] : memref<10112x32xf32, #tpu.memory_space<hbm>> -> memref<128x32xf32, #tpu.memory_space<hbm>>
      tpu.wait_dma2 semaphore(%run_scoped3A : memref<!tpu.dma_semaphore, #tpu.memory_space<semaphore_mem>>) src(%dma_wait3A_23 : memref<128x32xf32, #tpu.memory_space<hbm>>) dst(%arg13 : memref<128x32xf32, #tpu.memory_space<vmem>>)
      tpu.yield
    }) : () -> ()
    %barrier3A = arith.constant 0 : index
    tpu.barrier barrier_id(%barrier3A)
    %scan3A = arith.constant 0 : i32
    %scan3A_5 = arith.constant 79 : i32
    %scan3A_6 = arith.addi %scan3A, %scan3A_5 : i32
    %scan3A_7 = arith.constant 1 : i32
    scf.for %scan3A_14 = %scan3A to %scan3A_6 step %scan3A_7  : i32 {
      %mul3A_15 = arith.constant 1 : i32
      %mul3A_16 = arith.muli %scan3A_14, %mul3A_15 : i32
      %add3A_17 = arith.constant 0 : i32
      %add3A_18 = arith.addi %add3A_17, %mul3A_16 : i32
      %mul3A_19 = arith.constant 32 : i32
      %mul3A_20 = arith.muli %add3A_18, %mul3A_19 : i32
      %add3A_21 = arith.addi %add3A, %mul3A_20 : i32
      %lt3A = arith.constant 2500 : i32
      %lt3A_22 = arith.cmpi slt, %add3A_21, %lt3A : i32
      %convert_element_type3A = arith.extui %lt3A_22 : i1 to i32
      %cond3A = arith.constant 0 : i32
      %cond3A_23 = arith.cmpi ne, %convert_element_type3A, %cond3A : i32
      scf.if %cond3A_23 {
        %mul3A_24 = arith.constant 128 : i32
        %mul3A_25 = arith.muli %add3A_21, %mul3A_24 : i32
        "tpu.region"() ({
          %run_scoped3A = tpu.sem_alloc : memref<!tpu.dma_semaphore, #tpu.memory_space<semaphore_mem>>
          %dma_start3A_51 = tpu.memref_slice %arg2[%mul3A_25] : memref<320000xi32, #tpu.memory_space<hbm>> -> memref<128xi32, #tpu.memory_space<hbm>>
          %dma_start3A_52 = tpu.memref_slice %arg2[%mul3A_25] : memref<320000xi32, #tpu.memory_space<hbm>> -> memref<128xi32, #tpu.memory_space<hbm>>
          tpu.enqueue_dma source(%dma_start3A_52 : memref<128xi32, #tpu.memory_space<hbm>>) target(%arg8 : memref<128xi32, #tpu.memory_space<vmem>>) target_semaphore(%run_scoped3A : memref<!tpu.dma_semaphore, #tpu.memory_space<semaphore_mem>>)
          %dma_wait3A_53 = tpu.memref_slice %arg2[%mul3A_25] : memref<320000xi32, #tpu.memory_space<hbm>> -> memref<128xi32, #tpu.memory_space<hbm>>
          %dma_wait3A_54 = tpu.memref_slice %arg2[%mul3A_25] : memref<320000xi32, #tpu.memory_space<hbm>> -> memref<128xi32, #tpu.memory_space<hbm>>
          tpu.wait_dma2 semaphore(%run_scoped3A : memref<!tpu.dma_semaphore, #tpu.memory_space<semaphore_mem>>) src(%dma_wait3A_54 : memref<128xi32, #tpu.memory_space<hbm>>) dst(%arg8 : memref<128xi32, #tpu.memory_space<vmem>>)
          tpu.yield
        }) : () -> ()
        "tpu.region"() ({
          %run_scoped3A = tpu.sem_alloc : memref<!tpu.dma_semaphore, #tpu.memory_space<semaphore_mem>>
          %dma_start3A_51 = tpu.memref_slice %arg3[%mul3A_25] : memref<320000xi32, #tpu.memory_space<hbm>> -> memref<128xi32, #tpu.memory_space<hbm>>
          %dma_start3A_52 = tpu.memref_slice %arg3[%mul3A_25] : memref<320000xi32, #tpu.memory_space<hbm>> -> memref<128xi32, #tpu.memory_space<hbm>>
          tpu.enqueue_dma source(%dma_start3A_52 : memref<128xi32, #tpu.memory_space<hbm>>) target(%arg9 : memref<128xi32, #tpu.memory_space<vmem>>) target_semaphore(%run_scoped3A : memref<!tpu.dma_semaphore, #tpu.memory_space<semaphore_mem>>)
          %dma_wait3A_53 = tpu.memref_slice %arg3[%mul3A_25] : memref<320000xi32, #tpu.memory_space<hbm>> -> memref<128xi32, #tpu.memory_space<hbm>>
          %dma_wait3A_54 = tpu.memref_slice %arg3[%mul3A_25] : memref<320000xi32, #tpu.memory_space<hbm>> -> memref<128xi32, #tpu.memory_space<hbm>>
          tpu.wait_dma2 semaphore(%run_scoped3A : memref<!tpu.dma_semaphore, #tpu.memory_space<semaphore_mem>>) src(%dma_wait3A_54 : memref<128xi32, #tpu.memory_space<hbm>>) dst(%arg9 : memref<128xi32, #tpu.memory_space<vmem>>)
          tpu.yield
        }) : () -> ()
        %dma_start3A = arith.constant 0 : i32
        %dma_start3A_26 = arith.constant 0 : i32
        %dma_start3A_27 = tpu.memref_slice %arg4[%dma_start3A, %dma_start3A_26] : memref<10000x144xf32, #tpu.memory_space<hbm>> -> memref<10000x144xf32, #tpu.memory_space<hbm>>
        tpu.enqueue_indirect_dma source(%dma_start3A_27 : memref<10000x144xf32, #tpu.memory_space<hbm>>) target(%arg11 : memref<128x144xf32, #tpu.memory_space<vmem>>) offsets(%arg8 : memref<128xi32, #tpu.memory_space<vmem>>) semaphore(%arg16 : memref<!tpu.dma_semaphore, #tpu.memory_space<semaphore_mem>>)
        %dma_start3A_28 = arith.constant 0 : i32
        %dma_start3A_29 = arith.constant 0 : i32
        %dma_start3A_30 = tpu.memref_slice %arg5[%dma_start3A_28, %dma_start3A_29] : memref<10000x16xf32, #tpu.memory_space<hbm>> -> memref<10000x16xf32, #tpu.memory_space<hbm>>
        tpu.enqueue_indirect_dma source(%dma_start3A_30 : memref<10000x16xf32, #tpu.memory_space<hbm>>) target(%arg12 : memref<128x16xf32, #tpu.memory_space<vmem>>) offsets(%arg9 : memref<128xi32, #tpu.memory_space<vmem>>) semaphore(%arg17 : memref<!tpu.dma_semaphore, #tpu.memory_space<semaphore_mem>>)
        %scan3A_31 = arith.constant 0 : i32
        %scan3A_32 = arith.constant 8 : i32
        %scan3A_33 = arith.addi %scan3A_31, %scan3A_32 : i32
        %scan3A_34 = arith.constant 1 : i32
        scf.for %scan3A_51 = %scan3A_31 to %scan3A_33 step %scan3A_34  : i32 {
          %mul3A_52 = arith.constant 1 : i32
          %mul3A_53 = arith.muli %scan3A_51, %mul3A_52 : i32
          %add3A_54 = arith.constant 0 : i32
          %add3A_55 = arith.addi %add3A_54, %mul3A_53 : i32
          %mul3A_56 = arith.constant 16 : i32
          %mul3A_57 = arith.muli %add3A_55, %mul3A_56 : i32
          %get3A = arith.index_cast %mul3A_57 : i32 to index
          %get3A_58 = tpu.vector_load %arg8[%get3A] {strides = array<i32>} : memref<128xi32, #tpu.memory_space<vmem>>, vector<16xi32>,
          %mul3A_59 = arith.constant 16 : i32
          %mul3A_60 = arith.muli %add3A_55, %mul3A_59 : i32
          %get3A_61 = arith.index_cast %mul3A_60 : i32 to index
          %get3A_62 = tpu.vector_load %arg9[%get3A_61] {strides = array<i32>} : memref<128xi32, #tpu.memory_space<vmem>>, vector<16xi32>,
          %eq3A = arith.cmpi eq, %get3A_58, %get3A_62 : vector<16xi32>
          %jit3A = arith.constant 10000 : i32
          %broadcast_in_dim3A = vector.broadcast %jit3A : i32 to vector<16xi32>
          %select_n3A = arith.select %eq3A, %broadcast_in_dim3A, %get3A_62 : vector<16xi1>, vector<16xi32>
          %mul3A_63 = arith.constant 16 : i32
          %mul3A_64 = arith.muli %add3A_55, %mul3A_63 : i32
          %swap3A = arith.index_cast %mul3A_64 : i32 to index
          %swap3A_65 = tpu.vector_load %arg10[%swap3A] {strides = array<i32>} : memref<128xi32, #tpu.memory_space<vmem>>, vector<16xi32>,
          tpu.vector_store %arg10[%swap3A], %select_n3A {strides = array<i32>} : memref<128xi32, #tpu.memory_space<vmem>>, vector<16xi32>,
        }
        %scan3A_35 = arith.constant 8 : i32
        %dma_wait3A = arith.constant 0 : i32
        %dma_wait3A_36 = arith.constant 0 : i32
        %dma_wait3A_37 = tpu.memref_slice %arg4[%dma_wait3A, %dma_wait3A_36] : memref<10000x144xf32, #tpu.memory_space<hbm>> -> memref<10000x144xf32, #tpu.memory_space<hbm>>
        tpu.wait_indirect_dma semaphore(%arg16 : memref<!tpu.dma_semaphore, #tpu.memory_space<semaphore_mem>>) src(%dma_wait3A_37 : memref<10000x144xf32, #tpu.memory_space<hbm>>) dst(%arg11 : memref<128x144xf32, #tpu.memory_space<vmem>>)
        %dma_wait3A_38 = arith.constant 0 : i32
        %dma_wait3A_39 = arith.constant 0 : i32
        %dma_wait3A_40 = tpu.memref_slice %arg5[%dma_wait3A_38, %dma_wait3A_39] : memref<10000x16xf32, #tpu.memory_space<hbm>> -> memref<10000x16xf32, #tpu.memory_space<hbm>>
        tpu.wait_indirect_dma semaphore(%arg17 : memref<!tpu.dma_semaphore, #tpu.memory_space<semaphore_mem>>) src(%dma_wait3A_40 : memref<10000x16xf32, #tpu.memory_space<hbm>>) dst(%arg12 : memref<128x16xf32, #tpu.memory_space<vmem>>)
        %scan3A_41 = arith.constant 0 : i32
        %scan3A_42 = arith.constant 8 : i32
        %scan3A_43 = arith.addi %scan3A_41, %scan3A_42 : i32
        %scan3A_44 = arith.constant 1 : i32
        scf.for %scan3A_51 = %scan3A_41 to %scan3A_43 step %scan3A_44  : i32 {
          %mul3A_52 = arith.constant 1 : i32
          %mul3A_53 = arith.muli %scan3A_51, %mul3A_52 : i32
          %add3A_54 = arith.constant 0 : i32
          %add3A_55 = arith.addi %add3A_54, %mul3A_53 : i32
          %iota3A = tpu.iota {dimensions = array<i32: 0>} : vector<16xi32>
          %mul3A_56 = arith.constant 16 : i32
          %mul3A_57 = arith.muli %add3A_55, %mul3A_56 : i32
          %add3A_58 = vector.broadcast %mul3A_57 : i32 to vector<16xi32>
          %add3A_59 = arith.addi %iota3A, %add3A_58 : vector<16xi32>
          %broadcast_in_dim3A = arith.constant 128 : i32
          %broadcast_in_dim3A_60 = vector.broadcast %broadcast_in_dim3A : i32 to vector<16xi32>
          %gather3A = tpu.vector_load_idx %arg11[%add3A_59, %broadcast_in_dim3A_60] : memref<128x144xf32, #tpu.memory_space<vmem>>[vector<16xi32>, vector<16xi32>], vector<16xf32>,
          %broadcast_in_dim3A_61 = arith.constant 0 : i32
          %broadcast_in_dim3A_62 = vector.broadcast %broadcast_in_dim3A_61 : i32 to vector<16xi32>
          %gather3A_63 = tpu.vector_load_idx %arg12[%add3A_59, %broadcast_in_dim3A_62] : memref<128x16xf32, #tpu.memory_space<vmem>>[vector<16xi32>, vector<16xi32>], vector<16xf32>,
          %mul3A_64 = arith.mulf %gather3A, %gather3A_63 : vector<16xf32>
          %broadcast_in_dim3A_65 = arith.constant 129 : i32
          %broadcast_in_dim3A_66 = vector.broadcast %broadcast_in_dim3A_65 : i32 to vector<16xi32>
          %gather3A_67 = tpu.vector_load_idx %arg11[%add3A_59, %broadcast_in_dim3A_66] : memref<128x144xf32, #tpu.memory_space<vmem>>[vector<16xi32>, vector<16xi32>], vector<16xf32>,
          %broadcast_in_dim3A_68 = arith.constant 1 : i32
          %broadcast_in_dim3A_69 = vector.broadcast %broadcast_in_dim3A_68 : i32 to vector<16xi32>
          %gather3A_70 = tpu.vector_load_idx %arg12[%add3A_59, %broadcast_in_dim3A_69] : memref<128x16xf32, #tpu.memory_space<vmem>>[vector<16xi32>, vector<16xi32>], vector<16xf32>,
          %mul3A_71 = arith.mulf %gather3A_67, %gather3A_70 : vector<16xf32>
          %broadcast_in_dim3A_72 = arith.constant 130 : i32
          %broadcast_in_dim3A_73 = vector.broadcast %broadcast_in_dim3A_72 : i32 to vector<16xi32>
          %gather3A_74 = tpu.vector_load_idx %arg11[%add3A_59, %broadcast_in_dim3A_73] : memref<128x144xf32, #tpu.memory_space<vmem>>[vector<16xi32>, vector<16xi32>], vector<16xf32>,
          %broadcast_in_dim3A_75 = arith.constant 2 : i32
          %broadcast_in_dim3A_76 = vector.broadcast %broadcast_in_dim3A_75 : i32 to vector<16xi32>
          %gather3A_77 = tpu.vector_load_idx %arg12[%add3A_59, %broadcast_in_dim3A_76] : memref<128x16xf32, #tpu.memory_space<vmem>>[vector<16xi32>, vector<16xi32>], vector<16xf32>,
          %mul3A_78 = arith.mulf %gather3A_74, %gather3A_77 : vector<16xf32>
          %broadcast_in_dim3A_79 = arith.constant 131 : i32
          %broadcast_in_dim3A_80 = vector.broadcast %broadcast_in_dim3A_79 : i32 to vector<16xi32>
          %gather3A_81 = tpu.vector_load_idx %arg11[%add3A_59, %broadcast_in_dim3A_80] : memref<128x144xf32, #tpu.memory_space<vmem>>[vector<16xi32>, vector<16xi32>], vector<16xf32>,
          %broadcast_in_dim3A_82 = arith.constant 3 : i32
          %broadcast_in_dim3A_83 = vector.broadcast %broadcast_in_dim3A_82 : i32 to vector<16xi32>
          %gather3A_84 = tpu.vector_load_idx %arg12[%add3A_59, %broadcast_in_dim3A_83] : memref<128x16xf32, #tpu.memory_space<vmem>>[vector<16xi32>, vector<16xi32>], vector<16xf32>,
          %mul3A_85 = arith.mulf %gather3A_81, %gather3A_84 : vector<16xf32>
          %add3A_86 = arith.addf %mul3A_64, %mul3A_71 : vector<16xf32>
          %add3A_87 = arith.addf %mul3A_78, %mul3A_85 : vector<16xf32>
          %add3A_88 = arith.addf %add3A_86, %add3A_87 : vector<16xf32>
          %div3A = arith.constant 1.000000e+00 : f32
          %div3A_89 = vector.broadcast %div3A : f32 to vector<16xf32>
          %div3A_90 = arith.divf %div3A_89, %add3A_88 : vector<16xf32>
          %mul3A_91 = arith.constant 4 : i32
          %mul3A_92 = vector.broadcast %mul3A_91 : i32 to vector<16xi32>
          %mul3A_93 = arith.muli %add3A_59, %mul3A_92 : vector<16xi32>
          %add3A_94 = arith.constant 0 : i32
          %add3A_95 = vector.broadcast %add3A_94 : i32 to vector<16xi32>
          %add3A_96 = arith.addi %mul3A_93, %add3A_95 : vector<16xi32>
          %mul3A_97 = arith.mulf %mul3A_64, %div3A_90 : vector<16xf32>
          tpu.vector_store_idx %arg14[%add3A_96], %mul3A_97 : memref<512xf32, #tpu.memory_space<vmem>>[vector<16xi32>], vector<16xf32>,
          %mul3A_98 = arith.constant 4 : i32
          %mul3A_99 = vector.broadcast %mul3A_98 : i32 to vector<16xi32>
          %mul3A_100 = arith.muli %add3A_59, %mul3A_99 : vector<16xi32>
          %add3A_101 = arith.constant 1 : i32
          %add3A_102 = vector.broadcast %add3A_101 : i32 to vector<16xi32>
          %add3A_103 = arith.addi %mul3A_100, %add3A_102 : vector<16xi32>
          %mul3A_104 = arith.mulf %mul3A_71, %div3A_90 : vector<16xf32>
          tpu.vector_store_idx %arg14[%add3A_103], %mul3A_104 : memref<512xf32, #tpu.memory_space<vmem>>[vector<16xi32>], vector<16xf32>,
          %mul3A_105 = arith.constant 4 : i32
          %mul3A_106 = vector.broadcast %mul3A_105 : i32 to vector<16xi32>
          %mul3A_107 = arith.muli %add3A_59, %mul3A_106 : vector<16xi32>
          %add3A_108 = arith.constant 2 : i32
          %add3A_109 = vector.broadcast %add3A_108 : i32 to vector<16xi32>
          %add3A_110 = arith.addi %mul3A_107, %add3A_109 : vector<16xi32>
          %mul3A_111 = arith.mulf %mul3A_78, %div3A_90 : vector<16xf32>
          tpu.vector_store_idx %arg14[%add3A_110], %mul3A_111 : memref<512xf32, #tpu.memory_space<vmem>>[vector<16xi32>], vector<16xf32>,
          %mul3A_112 = arith.constant 4 : i32
          %mul3A_113 = vector.broadcast %mul3A_112 : i32 to vector<16xi32>
          %mul3A_114 = arith.muli %add3A_59, %mul3A_113 : vector<16xi32>
          %add3A_115 = arith.constant 3 : i32
          %add3A_116 = vector.broadcast %add3A_115 : i32 to vector<16xi32>
          %add3A_117 = arith.addi %mul3A_114, %add3A_116 : vector<16xi32>
          %mul3A_118 = arith.mulf %mul3A_85, %div3A_90 : vector<16xf32>
          tpu.vector_store_idx %arg14[%add3A_117], %mul3A_118 : memref<512xf32, #tpu.memory_space<vmem>>[vector<16xi32>], vector<16xf32>,
        }
        %scan3A_45 = arith.constant 8 : i32
        %scan3A_46 = arith.constant 0 : i32
        %scan3A_47 = arith.constant 128 : i32
        %scan3A_48 = arith.addi %scan3A_46, %scan3A_47 : i32
        %scan3A_49 = arith.constant 1 : i32
        scf.for %scan3A_51 = %scan3A_46 to %scan3A_48 step %scan3A_49  : i32 {
          %mul3A_52 = arith.constant 1 : i32
          %mul3A_53 = arith.muli %scan3A_51, %mul3A_52 : i32
          %add3A_54 = arith.constant 0 : i32
          %add3A_55 = arith.addi %add3A_54, %mul3A_53 : i32
          %mul3A_56 = arith.constant 4 : i32
          %mul3A_57 = arith.muli %add3A_55, %mul3A_56 : i32
          %add3A_58 = arith.constant 0 : i32
          %add3A_59 = arith.addi %mul3A_57, %add3A_58 : i32
          %broadcast_in_dim3A = vector.broadcast %add3A_59 : i32 to vector<16xi32>
          %gather3A = tpu.vector_load_idx %arg14[%broadcast_in_dim3A] : memref<512xf32, #tpu.memory_space<vmem>>[vector<16xi32>], vector<16xf32>,
          %get3A = arith.index_cast %add3A_55 : i32 to index
          %get3A_60 = arith.constant 0 : index
          %get3A_61 = tpu.vector_load %arg11[%get3A, %get3A_60] {strides = array<i32>} : memref<128x144xf32, #tpu.memory_space<vmem>>, vector<16xf32>,
          %mul3A_62 = arith.mulf %gather3A, %get3A_61 : vector<16xf32>
          %get3A_63 = arith.index_cast %add3A_55 : i32 to index
          %get3A_64 = arith.constant 16 : index
          %get3A_65 = tpu.vector_load %arg11[%get3A_63, %get3A_64] {strides = array<i32>} : memref<128x144xf32, #tpu.memory_space<vmem>>, vector<16xf32>,
          %mul3A_66 = arith.mulf %gather3A, %get3A_65 : vector<16xf32>
          %mul3A_67 = arith.constant 4 : i32
          %mul3A_68 = arith.muli %add3A_55, %mul3A_67 : i32
          %add3A_69 = arith.constant 1 : i32
          %add3A_70 = arith.addi %mul3A_68, %add3A_69 : i32
          %broadcast_in_dim3A_71 = vector.broadcast %add3A_70 : i32 to vector<16xi32>
          %gather3A_72 = tpu.vector_load_idx %arg14[%broadcast_in_dim3A_71] : memref<512xf32, #tpu.memory_space<vmem>>[vector<16xi32>], vector<16xf32>,
          %get3A_73 = arith.index_cast %add3A_55 : i32 to index
          %get3A_74 = arith.constant 32 : index
          %get3A_75 = tpu.vector_load %arg11[%get3A_73, %get3A_74] {strides = array<i32>} : memref<128x144xf32, #tpu.memory_space<vmem>>, vector<16xf32>,
          %mul3A_76 = arith.mulf %gather3A_72, %get3A_75 : vector<16xf32>
          %add3A_77 = arith.addf %mul3A_62, %mul3A_76 : vector<16xf32>
          %get3A_78 = arith.index_cast %add3A_55 : i32 to index
          %get3A_79 = arith.constant 48 : index
          %get3A_80 = tpu.vector_load %arg11[%get3A_78, %get3A_79] {strides = array<i32>} : memref<128x144xf32, #tpu.memory_space<vmem>>, vector<16xf32>,
          %mul3A_81 = arith.mulf %gather3A_72, %get3A_80 : vector<16xf32>
          %add3A_82 = arith.addf %mul3A_66, %mul3A_81 : vector<16xf32>
          %mul3A_83 = arith.constant 4 : i32
          %mul3A_84 = arith.muli %add3A_55, %mul3A_83 : i32
          %add3A_85 = arith.constant 2 : i32
          %add3A_86 = arith.addi %mul3A_84, %add3A_85 : i32
          %broadcast_in_dim3A_87 = vector.broadcast %add3A_86 : i32 to vector<16xi32>
          %gather3A_88 = tpu.vector_load_idx %arg14[%broadcast_in_dim3A_87] : memref<512xf32, #tpu.memory_space<vmem>>[vector<16xi32>], vector<16xf32>,
          %get3A_89 = arith.index_cast %add3A_55 : i32 to index
          %get3A_90 = arith.constant 64 : index
          %get3A_91 = tpu.vector_load %arg11[%get3A_89, %get3A_90] {strides = array<i32>} : memref<128x144xf32, #tpu.memory_space<vmem>>, vector<16xf32>,
          %mul3A_92 = arith.mulf %gather3A_88, %get3A_91 : vector<16xf32>
          %add3A_93 = arith.addf %add3A_77, %mul3A_92 : vector<16xf32>
          %get3A_94 = arith.index_cast %add3A_55 : i32 to index
          %get3A_95 = arith.constant 80 : index
          %get3A_96 = tpu.vector_load %arg11[%get3A_94, %get3A_95] {strides = array<i32>} : memref<128x144xf32, #tpu.memory_space<vmem>>, vector<16xf32>,
          %mul3A_97 = arith.mulf %gather3A_88, %get3A_96 : vector<16xf32>
          %add3A_98 = arith.addf %add3A_82, %mul3A_97 : vector<16xf32>
          %mul3A_99 = arith.constant 4 : i32
          %mul3A_100 = arith.muli %add3A_55, %mul3A_99 : i32
          %add3A_101 = arith.constant 3 : i32
          %add3A_102 = arith.addi %mul3A_100, %add3A_101 : i32
          %broadcast_in_dim3A_103 = vector.broadcast %add3A_102 : i32 to vector<16xi32>
          %gather3A_104 = tpu.vector_load_idx %arg14[%broadcast_in_dim3A_103] : memref<512xf32, #tpu.memory_space<vmem>>[vector<16xi32>], vector<16xf32>,
          %get3A_105 = arith.index_cast %add3A_55 : i32 to index
          %get3A_106 = arith.constant 96 : index
          %get3A_107 = tpu.vector_load %arg11[%get3A_105, %get3A_106] {strides = array<i32>} : memref<128x144xf32, #tpu.memory_space<vmem>>, vector<16xf32>,
          %mul3A_108 = arith.mulf %gather3A_104, %get3A_107 : vector<16xf32>
          %add3A_109 = arith.addf %add3A_93, %mul3A_108 : vector<16xf32>
          %get3A_110 = arith.index_cast %add3A_55 : i32 to index
          %get3A_111 = arith.constant 112 : index
          %get3A_112 = tpu.vector_load %arg11[%get3A_110, %get3A_111] {strides = array<i32>} : memref<128x144xf32, #tpu.memory_space<vmem>>, vector<16xf32>,
          %mul3A_113 = arith.mulf %gather3A_104, %get3A_112 : vector<16xf32>
          %add3A_114 = arith.addf %add3A_98, %mul3A_113 : vector<16xf32>
          %swap3A = arith.index_cast %add3A_55 : i32 to index
          %swap3A_115 = arith.constant 0 : index
          %swap3A_116 = tpu.vector_load %arg13[%swap3A, %swap3A_115] {strides = array<i32>} : memref<128x32xf32, #tpu.memory_space<vmem>>, vector<16xf32>,
          tpu.vector_store %arg13[%swap3A, %swap3A_115], %add3A_109 {strides = array<i32>} : memref<128x32xf32, #tpu.memory_space<vmem>>, vector<16xf32>,
          %swap3A_117 = arith.index_cast %add3A_55 : i32 to index
          %swap3A_118 = arith.constant 16 : index
          %swap3A_119 = tpu.vector_load %arg13[%swap3A_117, %swap3A_118] {strides = array<i32>} : memref<128x32xf32, #tpu.memory_space<vmem>>, vector<16xf32>,
          tpu.vector_store %arg13[%swap3A_117, %swap3A_118], %add3A_114 {strides = array<i32>} : memref<128x32xf32, #tpu.memory_space<vmem>>, vector<16xf32>,
        }
        %scan3A_50 = arith.constant 128 : i32
        "tpu.region"() ({
          %run_scoped3A = tpu.sem_alloc : memref<!tpu.dma_semaphore, #tpu.memory_space<semaphore_mem>>
          %dma_start3A_51 = arith.constant 0 : i32
          %dma_start3A_52 = arith.constant 0 : i32
          %dma_start3A_53 = tpu.memref_slice %arg15[%dma_start3A_51, %dma_start3A_52] : memref<10112x32xf32, #tpu.memory_space<vmem_shared>> -> memref<10112x32xf32, #tpu.memory_space<vmem_shared>>
          tpu.enqueue_indirect_dma source(%arg13 : memref<128x32xf32, #tpu.memory_space<vmem>>) target(%dma_start3A_53 : memref<10112x32xf32, #tpu.memory_space<vmem_shared>>) offsets(%arg10 : memref<128xi32, #tpu.memory_space<vmem>>) semaphore(%run_scoped3A : memref<!tpu.dma_semaphore, #tpu.memory_space<semaphore_mem>>) {add = true}
          %dma_wait3A_54 = arith.constant 0 : i32
          %dma_wait3A_55 = arith.constant 0 : i32
          %dma_wait3A_56 = tpu.memref_slice %arg15[%dma_wait3A_54, %dma_wait3A_55] : memref<10112x32xf32, #tpu.memory_space<vmem_shared>> -> memref<10112x32xf32, #tpu.memory_space<vmem_shared>>
          tpu.wait_indirect_dma semaphore(%run_scoped3A : memref<!tpu.dma_semaphore, #tpu.memory_space<semaphore_mem>>) src(%arg13 : memref<128x32xf32, #tpu.memory_space<vmem>>) dst(%dma_wait3A_56 : memref<10112x32xf32, #tpu.memory_space<vmem_shared>>)
          tpu.yield
        }) : () -> ()
      } else {
      }
    }
    %scan3A_8 = arith.constant 79 : i32
    %barrier3A_9 = arith.constant 0 : index
    tpu.barrier barrier_id(%barrier3A_9)
    %mul3A_10 = arith.constant 632 : i32
    %mul3A_11 = arith.muli %arg1, %mul3A_10 : i32
    %mul3A_12 = arith.constant 632 : i32
    %mul3A_13 = arith.muli %arg1, %mul3A_12 : i32
    "tpu.region"() ({
      %run_scoped3A = tpu.sem_alloc : memref<!tpu.dma_semaphore, #tpu.memory_space<semaphore_mem>>
      %dma_start3A = arith.constant 0 : i32
      %dma_start3A_14 = tpu.memref_slice %arg7[%arg0, %mul3A_13, %dma_start3A] : memref<2x10112x32xf32, #tpu.memory_space<hbm>> -> memref<1x632x32xf32, #tpu.memory_space<hbm>>
      %dma_start3A_15 = tpu.memref_squeeze %dma_start3A_14 : memref<1x632x32xf32, #tpu.memory_space<hbm>> -> memref<632x32xf32, #tpu.memory_space<hbm>>
      %dma_start3A_16 = arith.constant 0 : i32
      %dma_start3A_17 = tpu.memref_slice %arg15[%mul3A_11, %dma_start3A_16] : memref<10112x32xf32, #tpu.memory_space<vmem_shared>> -> memref<632x32xf32, #tpu.memory_space<vmem_shared>>
      tpu.enqueue_dma source(%dma_start3A_17 : memref<632x32xf32, #tpu.memory_space<vmem_shared>>) target(%dma_start3A_15 : memref<632x32xf32, #tpu.memory_space<hbm>>) target_semaphore(%run_scoped3A : memref<!tpu.dma_semaphore, #tpu.memory_space<semaphore_mem>>)
      %dma_wait3A = arith.constant 0 : i32
      %dma_wait3A_18 = tpu.memref_slice %arg7[%arg0, %mul3A_13, %dma_wait3A] : memref<2x10112x32xf32, #tpu.memory_space<hbm>> -> memref<1x632x32xf32, #tpu.memory_space<hbm>>
      %dma_wait3A_19 = tpu.memref_squeeze %dma_wait3A_18 : memref<1x632x32xf32, #tpu.memory_space<hbm>> -> memref<632x32xf32, #tpu.memory_space<hbm>>
      %dma_wait3A_20 = arith.constant 0 : i32
      %dma_wait3A_21 = tpu.memref_slice %arg15[%mul3A_11, %dma_wait3A_20] : memref<10112x32xf32, #tpu.memory_space<vmem_shared>> -> memref<632x32xf32, #tpu.memory_space<vmem_shared>>
      tpu.wait_dma2 semaphore(%run_scoped3A : memref<!tpu.dma_semaphore, #tpu.memory_space<semaphore_mem>>) src(%dma_wait3A_21 : memref<632x32xf32, #tpu.memory_space<vmem_shared>>) dst(%dma_wait3A_19 : memref<632x32xf32, #tpu.memory_space<hbm>>)
      tpu.yield
    }) : () -> ()
    return
  }
}

module attributes {stable_mosaic.version = 14 : i64} {
  func.func @body(%arg0: memref<10000x128xf32, #tpu.memory_space<vmem>>, %arg1: memref<128x64xf32, #tpu.memory_space<vmem>>, %arg2: memref<128x4xf32, #tpu.memory_space<vmem>>, %arg3: memref<1x4xf32, #tpu.memory_space<vmem>>, %arg4: memref<128x16xf32, #tpu.memory_space<vmem>>, %arg5: memref<10000x80xf32, #tpu.memory_space<vmem>>, %arg6: memref<10000x16xf32, #tpu.memory_space<vmem>>, %arg7: memref<10000x16xf32, #tpu.memory_space<vmem>>) attributes {dimension_semantics = [], scalar_prefetch = 0 : i64, scratch_operands = 0 : i64, tpu.core_type = #tpu.core_type<tc>} {
    %get3A = arith.constant 0 : index
    %get3A_0 = arith.constant 0 : index
    %get3A_1 = vector.load %arg0[%get3A, %get3A_0] : memref<10000x128xf32, #tpu.memory_space<vmem>>, vector<10000x128xf32>
    %get3A_2 = arith.constant 0 : index
    %get3A_3 = arith.constant 0 : index
    %get3A_4 = vector.load %arg1[%get3A_2, %get3A_3] : memref<128x64xf32, #tpu.memory_space<vmem>>, vector<128x64xf32>
    %dot_general3A = arith.constant dense<0.000000e+00> : vector<10000x64xf32>
    %dot_general3A_5 = tpu.matmul %get3A_1, %get3A_4, %dot_general3A {dimension_numbers = #tpu.dot_dimension_numbers<[1], [0], [0], [1], [0, 0, 1, 1], [], []>, transpose_lhs_hint = false} : vector<10000x128xf32>, vector<128x64xf32>, vector<10000x64xf32> -> vector<10000x64xf32>
    %get3A_6 = arith.constant 0 : index
    %get3A_7 = arith.constant 0 : index
    %get3A_8 = vector.load %arg2[%get3A_6, %get3A_7] : memref<128x4xf32, #tpu.memory_space<vmem>>, vector<128x4xf32>
    %dot_general3A_9 = arith.constant dense<0.000000e+00> : vector<10000x4xf32>
    %dot_general3A_10 = tpu.matmul %get3A_1, %get3A_8, %dot_general3A_9 {dimension_numbers = #tpu.dot_dimension_numbers<[1], [0], [0], [1], [0, 0, 1, 1], [], []>, transpose_lhs_hint = false} : vector<10000x128xf32>, vector<128x4xf32>, vector<10000x4xf32> -> vector<10000x4xf32>
    %get3A_11 = arith.constant 0 : index
    %get3A_12 = arith.constant 0 : index
    %get3A_13 = vector.load %arg3[%get3A_11, %get3A_12] : memref<1x4xf32, #tpu.memory_space<vmem>>, vector<1x4xf32>
    %add3A = vector.broadcast %get3A_13 : vector<1x4xf32> to vector<10000x4xf32>
    %add3A_14 = arith.addf %dot_general3A_10, %add3A : vector<10000x4xf32>
    %reduce_max3A = arith.constant dense<0xFF800000> : vector<10000xf32>
    %reduce_max3A_15 = vector.multi_reduction <maximumf>, %add3A_14, %reduce_max3A [1] : vector<10000x4xf32> to vector<10000xf32>
    %broadcast_in_dim3A = vector.shape_cast %reduce_max3A_15 : vector<10000xf32> to vector<10000x1xf32>
    %sub3A = vector.broadcast %broadcast_in_dim3A : vector<10000x1xf32> to vector<10000x4xf32>
    %sub3A_16 = arith.subf %add3A_14, %sub3A : vector<10000x4xf32>
    %exp3A = math.exp %sub3A_16 : vector<10000x4xf32>
    %reduce_min3A = arith.constant dense<0x7F800000> : vector<10000xf32>
    %reduce_min3A_17 = vector.multi_reduction <minimumf>, %dot_general3A_10, %reduce_min3A [1] : vector<10000x4xf32> to vector<10000xf32>
    %broadcast_in_dim3A_18 = vector.shape_cast %reduce_min3A_17 : vector<10000xf32> to vector<10000x1xf32>
    %sub3A_19 = vector.broadcast %broadcast_in_dim3A_18 : vector<10000x1xf32> to vector<10000x4xf32>
    %sub3A_20 = arith.subf %sub3A_19, %dot_general3A_10 : vector<10000x4xf32>
    %exp3A_21 = math.exp %sub3A_20 : vector<10000x4xf32>
    %broadcast_in_dim3A_22 = arith.constant 0.000000e+00 : f32
    %broadcast_in_dim3A_23 = vector.broadcast %broadcast_in_dim3A_22 : f32 to vector<10000x12xf32>
    %concatenate3A = tpu.concatenate %dot_general3A_5, %exp3A, %broadcast_in_dim3A_23 in 1 : vector<10000x64xf32>, vector<10000x4xf32>, vector<10000x12xf32> -> vector<10000x80xf32>
    %swap3A = arith.constant 0 : index
    %swap3A_24 = arith.constant 0 : index
    %swap3A_25 = vector.load %arg5[%swap3A, %swap3A_24] : memref<10000x80xf32, #tpu.memory_space<vmem>>, vector<10000x80xf32>
    tpu.vector_store %arg5[%swap3A, %swap3A_24], %concatenate3A {strides = array<i32>} : memref<10000x80xf32, #tpu.memory_space<vmem>>, vector<10000x80xf32>,
    %broadcast_in_dim3A_26 = arith.constant 0.000000e+00 : f32
    %broadcast_in_dim3A_27 = vector.broadcast %broadcast_in_dim3A_26 : f32 to vector<10000x12xf32>
    %concatenate3A_28 = tpu.concatenate %exp3A_21, %broadcast_in_dim3A_27 in 1 : vector<10000x4xf32>, vector<10000x12xf32> -> vector<10000x16xf32>
    %swap3A_29 = arith.constant 0 : index
    %swap3A_30 = arith.constant 0 : index
    %swap3A_31 = vector.load %arg6[%swap3A_29, %swap3A_30] : memref<10000x16xf32, #tpu.memory_space<vmem>>, vector<10000x16xf32>
    tpu.vector_store %arg6[%swap3A_29, %swap3A_30], %concatenate3A_28 {strides = array<i32>} : memref<10000x16xf32, #tpu.memory_space<vmem>>, vector<10000x16xf32>,
    %get3A_32 = arith.constant 0 : index
    %get3A_33 = arith.constant 0 : index
    %get3A_34 = vector.load %arg4[%get3A_32, %get3A_33] : memref<128x16xf32, #tpu.memory_space<vmem>>, vector<128x16xf32>
    %dot_general3A_35 = arith.constant dense<0.000000e+00> : vector<10000x16xf32>
    %dot_general3A_36 = tpu.matmul %get3A_1, %get3A_34, %dot_general3A_35 {dimension_numbers = #tpu.dot_dimension_numbers<[1], [0], [0], [1], [0, 0, 1, 1], [], []>, transpose_lhs_hint = false} : vector<10000x128xf32>, vector<128x16xf32>, vector<10000x16xf32> -> vector<10000x16xf32>
    %swap3A_37 = arith.constant 0 : index
    %swap3A_38 = arith.constant 0 : index
    %swap3A_39 = vector.load %arg7[%swap3A_37, %swap3A_38] : memref<10000x16xf32, #tpu.memory_space<vmem>>, vector<10000x16xf32>
    tpu.vector_store %arg7[%swap3A_37, %swap3A_38], %dot_general3A_36 {strides = array<i32>} : memref<10000x16xf32, #tpu.memory_space<vmem>>, vector<10000x16xf32>,
    return
  }
}

module attributes {stable_mosaic.version = 14 : i64} {
  func.func @body(%arg0: memref<2x10112x32xf32, #tpu.memory_space<vmem>>, %arg1: memref<2x10112x32xf32, #tpu.memory_space<vmem>>, %arg2: memref<10000x16xf32, #tpu.memory_space<vmem>>, %arg3: memref<1x16xf32, #tpu.memory_space<vmem>>, %arg4: memref<16x128xf32, #tpu.memory_space<vmem>>, %arg5: memref<16x4xf32, #tpu.memory_space<vmem>>, %arg6: memref<1x4xf32, #tpu.memory_space<vmem>>, %arg7: memref<16x32xf32, #tpu.memory_space<vmem>>, %arg8: memref<10000x144xf32, #tpu.memory_space<vmem>>, %arg9: memref<10000x16xf32, #tpu.memory_space<vmem>>, %arg10: memref<10000x32xf32, #tpu.memory_space<vmem>>) attributes {dimension_semantics = [], scalar_prefetch = 0 : i64, scratch_operands = 0 : i64, tpu.core_type = #tpu.core_type<tc>} {
    %get3A = arith.constant 0 : index
    %get3A_0 = arith.constant 0 : index
    %get3A_1 = arith.constant 16 : index
    %get3A_2 = vector.load %arg1[%get3A, %get3A_0, %get3A_1] : memref<2x10112x32xf32, #tpu.memory_space<vmem>>, vector<1x10000x1xf32>
    %get3A_3 = vector.shape_cast %get3A_2 : vector<1x10000x1xf32> to vector<10000x1xf32>
    %get3A_4 = arith.constant 1 : index
    %get3A_5 = arith.constant 0 : index
    %get3A_6 = arith.constant 16 : index
    %get3A_7 = vector.load %arg1[%get3A_4, %get3A_5, %get3A_6] : memref<2x10112x32xf32, #tpu.memory_space<vmem>>, vector<1x10000x1xf32>
    %get3A_8 = vector.shape_cast %get3A_7 : vector<1x10000x1xf32> to vector<10000x1xf32>
    %add3A = arith.addf %get3A_3, %get3A_8 : vector<10000x1xf32>
    %add3A_9 = arith.constant 1.000000e+00 : f32
    %add3A_10 = vector.broadcast %add3A_9 : f32 to vector<10000x1xf32>
    %add3A_11 = arith.addf %add3A, %add3A_10 : vector<10000x1xf32>
    %max3A = arith.constant 1.000000e+00 : f32
    %max3A_12 = vector.broadcast %max3A : f32 to vector<10000x1xf32>
    %max3A_13 = arith.maximumf %add3A_11, %max3A_12 : vector<10000x1xf32>
    %div3A = arith.constant 1.000000e+00 : f32
    %div3A_14 = vector.broadcast %div3A : f32 to vector<10000x1xf32>
    %div3A_15 = arith.divf %div3A_14, %max3A_13 : vector<10000x1xf32>
    %get3A_16 = arith.constant 0 : index
    %get3A_17 = arith.constant 0 : index
    %get3A_18 = arith.constant 0 : index
    %get3A_19 = vector.load %arg0[%get3A_16, %get3A_17, %get3A_18] : memref<2x10112x32xf32, #tpu.memory_space<vmem>>, vector<1x10000x16xf32>
    %get3A_20 = vector.shape_cast %get3A_19 : vector<1x10000x16xf32> to vector<10000x16xf32>
    %get3A_21 = arith.constant 1 : index
    %get3A_22 = arith.constant 0 : index
    %get3A_23 = arith.constant 0 : index
    %get3A_24 = vector.load %arg0[%get3A_21, %get3A_22, %get3A_23] : memref<2x10112x32xf32, #tpu.memory_space<vmem>>, vector<1x10000x16xf32>
    %get3A_25 = vector.shape_cast %get3A_24 : vector<1x10000x16xf32> to vector<10000x16xf32>
    %add3A_26 = arith.addf %get3A_20, %get3A_25 : vector<10000x16xf32>
    %get3A_27 = arith.constant 0 : index
    %get3A_28 = arith.constant 0 : index
    %get3A_29 = vector.load %arg2[%get3A_27, %get3A_28] : memref<10000x16xf32, #tpu.memory_space<vmem>>, vector<10000x16xf32>
    %add3A_30 = arith.addf %add3A_26, %get3A_29 : vector<10000x16xf32>
    %mul3A = vector.broadcast %div3A_15 : vector<10000x1xf32> to vector<10000x16xf32>
    %mul3A_31 = arith.mulf %add3A_30, %mul3A : vector<10000x16xf32>
    %get3A_32 = arith.constant 0 : index
    %get3A_33 = arith.constant 0 : index
    %get3A_34 = vector.load %arg3[%get3A_32, %get3A_33] : memref<1x16xf32, #tpu.memory_space<vmem>>, vector<1x16xf32>
    %add3A_35 = vector.broadcast %get3A_34 : vector<1x16xf32> to vector<10000x16xf32>
    %add3A_36 = arith.addf %mul3A_31, %add3A_35 : vector<10000x16xf32>
    %max3A_37 = arith.constant 0.000000e+00 : f32
    %max3A_38 = vector.broadcast %max3A_37 : f32 to vector<10000x16xf32>
    %max3A_39 = arith.maximumf %add3A_36, %max3A_38 : vector<10000x16xf32>
    %get3A_40 = arith.constant 0 : index
    %get3A_41 = arith.constant 0 : index
    %get3A_42 = vector.load %arg4[%get3A_40, %get3A_41] : memref<16x128xf32, #tpu.memory_space<vmem>>, vector<16x128xf32>
    %dot_general3A = arith.constant dense<0.000000e+00> : vector<10000x128xf32>
    %dot_general3A_43 = tpu.matmul %max3A_39, %get3A_42, %dot_general3A {dimension_numbers = #tpu.dot_dimension_numbers<[1], [0], [0], [1], [0, 0, 1, 1], [], []>, transpose_lhs_hint = false} : vector<10000x16xf32>, vector<16x128xf32>, vector<10000x128xf32> -> vector<10000x128xf32>
    %get3A_44 = arith.constant 0 : index
    %get3A_45 = arith.constant 0 : index
    %get3A_46 = vector.load %arg5[%get3A_44, %get3A_45] : memref<16x4xf32, #tpu.memory_space<vmem>>, vector<16x4xf32>
    %dot_general3A_47 = arith.constant dense<0.000000e+00> : vector<10000x4xf32>
    %dot_general3A_48 = tpu.matmul %max3A_39, %get3A_46, %dot_general3A_47 {dimension_numbers = #tpu.dot_dimension_numbers<[1], [0], [0], [1], [0, 0, 1, 1], [], []>, transpose_lhs_hint = false} : vector<10000x16xf32>, vector<16x4xf32>, vector<10000x4xf32> -> vector<10000x4xf32>
    %get3A_49 = arith.constant 0 : index
    %get3A_50 = arith.constant 0 : index
    %get3A_51 = vector.load %arg6[%get3A_49, %get3A_50] : memref<1x4xf32, #tpu.memory_space<vmem>>, vector<1x4xf32>
    %add3A_52 = vector.broadcast %get3A_51 : vector<1x4xf32> to vector<10000x4xf32>
    %add3A_53 = arith.addf %dot_general3A_48, %add3A_52 : vector<10000x4xf32>
    %reduce_max3A = arith.constant dense<0xFF800000> : vector<10000xf32>
    %reduce_max3A_54 = vector.multi_reduction <maximumf>, %add3A_53, %reduce_max3A [1] : vector<10000x4xf32> to vector<10000xf32>
    %broadcast_in_dim3A = vector.shape_cast %reduce_max3A_54 : vector<10000xf32> to vector<10000x1xf32>
    %sub3A = vector.broadcast %broadcast_in_dim3A : vector<10000x1xf32> to vector<10000x4xf32>
    %sub3A_55 = arith.subf %add3A_53, %sub3A : vector<10000x4xf32>
    %exp3A = math.exp %sub3A_55 : vector<10000x4xf32>
    %reduce_min3A = arith.constant dense<0x7F800000> : vector<10000xf32>
    %reduce_min3A_56 = vector.multi_reduction <minimumf>, %dot_general3A_48, %reduce_min3A [1] : vector<10000x4xf32> to vector<10000xf32>
    %broadcast_in_dim3A_57 = vector.shape_cast %reduce_min3A_56 : vector<10000xf32> to vector<10000x1xf32>
    %sub3A_58 = vector.broadcast %broadcast_in_dim3A_57 : vector<10000x1xf32> to vector<10000x4xf32>
    %sub3A_59 = arith.subf %sub3A_58, %dot_general3A_48 : vector<10000x4xf32>
    %exp3A_60 = math.exp %sub3A_59 : vector<10000x4xf32>
    %broadcast_in_dim3A_61 = arith.constant 0.000000e+00 : f32
    %broadcast_in_dim3A_62 = vector.broadcast %broadcast_in_dim3A_61 : f32 to vector<10000x12xf32>
    %concatenate3A = tpu.concatenate %dot_general3A_43, %exp3A, %broadcast_in_dim3A_62 in 1 : vector<10000x128xf32>, vector<10000x4xf32>, vector<10000x12xf32> -> vector<10000x144xf32>
    %swap3A = arith.constant 0 : index
    %swap3A_63 = arith.constant 0 : index
    %swap3A_64 = vector.load %arg8[%swap3A, %swap3A_63] : memref<10000x144xf32, #tpu.memory_space<vmem>>, vector<10000x144xf32>
    tpu.vector_store %arg8[%swap3A, %swap3A_63], %concatenate3A {strides = array<i32>} : memref<10000x144xf32, #tpu.memory_space<vmem>>, vector<10000x144xf32>,
    %broadcast_in_dim3A_65 = arith.constant 0.000000e+00 : f32
    %broadcast_in_dim3A_66 = vector.broadcast %broadcast_in_dim3A_65 : f32 to vector<10000x12xf32>
    %concatenate3A_67 = tpu.concatenate %exp3A_60, %broadcast_in_dim3A_66 in 1 : vector<10000x4xf32>, vector<10000x12xf32> -> vector<10000x16xf32>
    %swap3A_68 = arith.constant 0 : index
    %swap3A_69 = arith.constant 0 : index
    %swap3A_70 = vector.load %arg9[%swap3A_68, %swap3A_69] : memref<10000x16xf32, #tpu.memory_space<vmem>>, vector<10000x16xf32>
    tpu.vector_store %arg9[%swap3A_68, %swap3A_69], %concatenate3A_67 {strides = array<i32>} : memref<10000x16xf32, #tpu.memory_space<vmem>>, vector<10000x16xf32>,
    %get3A_71 = arith.constant 0 : index
    %get3A_72 = arith.constant 0 : index
    %get3A_73 = vector.load %arg7[%get3A_71, %get3A_72] : memref<16x32xf32, #tpu.memory_space<vmem>>, vector<16x32xf32>
    %dot_general3A_74 = arith.constant dense<0.000000e+00> : vector<10000x32xf32>
    %dot_general3A_75 = tpu.matmul %max3A_39, %get3A_73, %dot_general3A_74 {dimension_numbers = #tpu.dot_dimension_numbers<[1], [0], [0], [1], [0, 0, 1, 1], [], []>, transpose_lhs_hint = false} : vector<10000x16xf32>, vector<16x32xf32>, vector<10000x32xf32> -> vector<10000x32xf32>
    %swap3A_76 = arith.constant 0 : index
    %swap3A_77 = arith.constant 0 : index
    %swap3A_78 = vector.load %arg10[%swap3A_76, %swap3A_77] : memref<10000x32xf32, #tpu.memory_space<vmem>>, vector<10000x32xf32>
    tpu.vector_store %arg10[%swap3A_76, %swap3A_77], %dot_general3A_75 {strides = array<i32>} : memref<10000x32xf32, #tpu.memory_space<vmem>>, vector<10000x32xf32>,
    return
  }
}

module attributes {stable_mosaic.version = 14 : i64} {
  func.func @body(%arg0: memref<2x10112x32xf32, #tpu.memory_space<vmem>>, %arg1: memref<2x10112x32xf32, #tpu.memory_space<vmem>>, %arg2: memref<10000x32xf32, #tpu.memory_space<vmem>>, %arg3: memref<1x32xf32, #tpu.memory_space<vmem>>, %arg4: memref<32x256xf32, #tpu.memory_space<vmem>>, %arg5: memref<32x4xf32, #tpu.memory_space<vmem>>, %arg6: memref<1x4xf32, #tpu.memory_space<vmem>>, %arg7: memref<32x64xf32, #tpu.memory_space<vmem>>, %arg8: memref<10000x272xf32, #tpu.memory_space<vmem>>, %arg9: memref<10000x16xf32, #tpu.memory_space<vmem>>, %arg10: memref<10000x64xf32, #tpu.memory_space<vmem>>) attributes {dimension_semantics = [], scalar_prefetch = 0 : i64, scratch_operands = 0 : i64, tpu.core_type = #tpu.core_type<tc>} {
    %get3A = arith.constant 0 : index
    %get3A_0 = arith.constant 0 : index
    %get3A_1 = arith.constant 16 : index
    %get3A_2 = vector.load %arg1[%get3A, %get3A_0, %get3A_1] : memref<2x10112x32xf32, #tpu.memory_space<vmem>>, vector<1x10000x1xf32>
    %get3A_3 = vector.shape_cast %get3A_2 : vector<1x10000x1xf32> to vector<10000x1xf32>
    %get3A_4 = arith.constant 1 : index
    %get3A_5 = arith.constant 0 : index
    %get3A_6 = arith.constant 16 : index
    %get3A_7 = vector.load %arg1[%get3A_4, %get3A_5, %get3A_6] : memref<2x10112x32xf32, #tpu.memory_space<vmem>>, vector<1x10000x1xf32>
    %get3A_8 = vector.shape_cast %get3A_7 : vector<1x10000x1xf32> to vector<10000x1xf32>
    %add3A = arith.addf %get3A_3, %get3A_8 : vector<10000x1xf32>
    %add3A_9 = arith.constant 1.000000e+00 : f32
    %add3A_10 = vector.broadcast %add3A_9 : f32 to vector<10000x1xf32>
    %add3A_11 = arith.addf %add3A, %add3A_10 : vector<10000x1xf32>
    %max3A = arith.constant 1.000000e+00 : f32
    %max3A_12 = vector.broadcast %max3A : f32 to vector<10000x1xf32>
    %max3A_13 = arith.maximumf %add3A_11, %max3A_12 : vector<10000x1xf32>
    %div3A = arith.constant 1.000000e+00 : f32
    %div3A_14 = vector.broadcast %div3A : f32 to vector<10000x1xf32>
    %div3A_15 = arith.divf %div3A_14, %max3A_13 : vector<10000x1xf32>
    %get3A_16 = arith.constant 0 : index
    %get3A_17 = arith.constant 0 : index
    %get3A_18 = arith.constant 0 : index
    %get3A_19 = vector.load %arg0[%get3A_16, %get3A_17, %get3A_18] : memref<2x10112x32xf32, #tpu.memory_space<vmem>>, vector<1x10000x32xf32>
    %get3A_20 = vector.shape_cast %get3A_19 : vector<1x10000x32xf32> to vector<10000x32xf32>
    %get3A_21 = arith.constant 1 : index
    %get3A_22 = arith.constant 0 : index
    %get3A_23 = arith.constant 0 : index
    %get3A_24 = vector.load %arg0[%get3A_21, %get3A_22, %get3A_23] : memref<2x10112x32xf32, #tpu.memory_space<vmem>>, vector<1x10000x32xf32>
    %get3A_25 = vector.shape_cast %get3A_24 : vector<1x10000x32xf32> to vector<10000x32xf32>
    %add3A_26 = arith.addf %get3A_20, %get3A_25 : vector<10000x32xf32>
    %get3A_27 = arith.constant 0 : index
    %get3A_28 = arith.constant 0 : index
    %get3A_29 = vector.load %arg2[%get3A_27, %get3A_28] : memref<10000x32xf32, #tpu.memory_space<vmem>>, vector<10000x32xf32>
    %add3A_30 = arith.addf %add3A_26, %get3A_29 : vector<10000x32xf32>
    %mul3A = vector.broadcast %div3A_15 : vector<10000x1xf32> to vector<10000x32xf32>
    %mul3A_31 = arith.mulf %add3A_30, %mul3A : vector<10000x32xf32>
    %get3A_32 = arith.constant 0 : index
    %get3A_33 = arith.constant 0 : index
    %get3A_34 = vector.load %arg3[%get3A_32, %get3A_33] : memref<1x32xf32, #tpu.memory_space<vmem>>, vector<1x32xf32>
    %add3A_35 = vector.broadcast %get3A_34 : vector<1x32xf32> to vector<10000x32xf32>
    %add3A_36 = arith.addf %mul3A_31, %add3A_35 : vector<10000x32xf32>
    %max3A_37 = arith.constant 0.000000e+00 : f32
    %max3A_38 = vector.broadcast %max3A_37 : f32 to vector<10000x32xf32>
    %max3A_39 = arith.maximumf %add3A_36, %max3A_38 : vector<10000x32xf32>
    %get3A_40 = arith.constant 0 : index
    %get3A_41 = arith.constant 0 : index
    %get3A_42 = vector.load %arg4[%get3A_40, %get3A_41] : memref<32x256xf32, #tpu.memory_space<vmem>>, vector<32x256xf32>
    %dot_general3A = arith.constant dense<0.000000e+00> : vector<10000x256xf32>
    %dot_general3A_43 = tpu.matmul %max3A_39, %get3A_42, %dot_general3A {dimension_numbers = #tpu.dot_dimension_numbers<[1], [0], [0], [1], [0, 0, 1, 1], [], []>, transpose_lhs_hint = false} : vector<10000x32xf32>, vector<32x256xf32>, vector<10000x256xf32> -> vector<10000x256xf32>
    %get3A_44 = arith.constant 0 : index
    %get3A_45 = arith.constant 0 : index
    %get3A_46 = vector.load %arg5[%get3A_44, %get3A_45] : memref<32x4xf32, #tpu.memory_space<vmem>>, vector<32x4xf32>
    %dot_general3A_47 = arith.constant dense<0.000000e+00> : vector<10000x4xf32>
    %dot_general3A_48 = tpu.matmul %max3A_39, %get3A_46, %dot_general3A_47 {dimension_numbers = #tpu.dot_dimension_numbers<[1], [0], [0], [1], [0, 0, 1, 1], [], []>, transpose_lhs_hint = false} : vector<10000x32xf32>, vector<32x4xf32>, vector<10000x4xf32> -> vector<10000x4xf32>
    %get3A_49 = arith.constant 0 : index
    %get3A_50 = arith.constant 0 : index
    %get3A_51 = vector.load %arg6[%get3A_49, %get3A_50] : memref<1x4xf32, #tpu.memory_space<vmem>>, vector<1x4xf32>
    %add3A_52 = vector.broadcast %get3A_51 : vector<1x4xf32> to vector<10000x4xf32>
    %add3A_53 = arith.addf %dot_general3A_48, %add3A_52 : vector<10000x4xf32>
    %reduce_max3A = arith.constant dense<0xFF800000> : vector<10000xf32>
    %reduce_max3A_54 = vector.multi_reduction <maximumf>, %add3A_53, %reduce_max3A [1] : vector<10000x4xf32> to vector<10000xf32>
    %broadcast_in_dim3A = vector.shape_cast %reduce_max3A_54 : vector<10000xf32> to vector<10000x1xf32>
    %sub3A = vector.broadcast %broadcast_in_dim3A : vector<10000x1xf32> to vector<10000x4xf32>
    %sub3A_55 = arith.subf %add3A_53, %sub3A : vector<10000x4xf32>
    %exp3A = math.exp %sub3A_55 : vector<10000x4xf32>
    %reduce_min3A = arith.constant dense<0x7F800000> : vector<10000xf32>
    %reduce_min3A_56 = vector.multi_reduction <minimumf>, %dot_general3A_48, %reduce_min3A [1] : vector<10000x4xf32> to vector<10000xf32>
    %broadcast_in_dim3A_57 = vector.shape_cast %reduce_min3A_56 : vector<10000xf32> to vector<10000x1xf32>
    %sub3A_58 = vector.broadcast %broadcast_in_dim3A_57 : vector<10000x1xf32> to vector<10000x4xf32>
    %sub3A_59 = arith.subf %sub3A_58, %dot_general3A_48 : vector<10000x4xf32>
    %exp3A_60 = math.exp %sub3A_59 : vector<10000x4xf32>
    %broadcast_in_dim3A_61 = arith.constant 0.000000e+00 : f32
    %broadcast_in_dim3A_62 = vector.broadcast %broadcast_in_dim3A_61 : f32 to vector<10000x12xf32>
    %concatenate3A = tpu.concatenate %dot_general3A_43, %exp3A, %broadcast_in_dim3A_62 in 1 : vector<10000x256xf32>, vector<10000x4xf32>, vector<10000x12xf32> -> vector<10000x272xf32>
    %swap3A = arith.constant 0 : index
    %swap3A_63 = arith.constant 0 : index
    %swap3A_64 = vector.load %arg8[%swap3A, %swap3A_63] : memref<10000x272xf32, #tpu.memory_space<vmem>>, vector<10000x272xf32>
    tpu.vector_store %arg8[%swap3A, %swap3A_63], %concatenate3A {strides = array<i32>} : memref<10000x272xf32, #tpu.memory_space<vmem>>, vector<10000x272xf32>,
    %broadcast_in_dim3A_65 = arith.constant 0.000000e+00 : f32
    %broadcast_in_dim3A_66 = vector.broadcast %broadcast_in_dim3A_65 : f32 to vector<10000x12xf32>
    %concatenate3A_67 = tpu.concatenate %exp3A_60, %broadcast_in_dim3A_66 in 1 : vector<10000x4xf32>, vector<10000x12xf32> -> vector<10000x16xf32>
    %swap3A_68 = arith.constant 0 : index
    %swap3A_69 = arith.constant 0 : index
    %swap3A_70 = vector.load %arg9[%swap3A_68, %swap3A_69] : memref<10000x16xf32, #tpu.memory_space<vmem>>, vector<10000x16xf32>
    tpu.vector_store %arg9[%swap3A_68, %swap3A_69], %concatenate3A_67 {strides = array<i32>} : memref<10000x16xf32, #tpu.memory_space<vmem>>, vector<10000x16xf32>,
    %get3A_71 = arith.constant 0 : index
    %get3A_72 = arith.constant 0 : index
    %get3A_73 = vector.load %arg7[%get3A_71, %get3A_72] : memref<32x64xf32, #tpu.memory_space<vmem>>, vector<32x64xf32>
    %dot_general3A_74 = arith.constant dense<0.000000e+00> : vector<10000x64xf32>
    %dot_general3A_75 = tpu.matmul %max3A_39, %get3A_73, %dot_general3A_74 {dimension_numbers = #tpu.dot_dimension_numbers<[1], [0], [0], [1], [0, 0, 1, 1], [], []>, transpose_lhs_hint = false} : vector<10000x32xf32>, vector<32x64xf32>, vector<10000x64xf32> -> vector<10000x64xf32>
    %swap3A_76 = arith.constant 0 : index
    %swap3A_77 = arith.constant 0 : index
    %swap3A_78 = vector.load %arg10[%swap3A_76, %swap3A_77] : memref<10000x64xf32, #tpu.memory_space<vmem>>, vector<10000x64xf32>
    tpu.vector_store %arg10[%swap3A_76, %swap3A_77], %dot_general3A_75 {strides = array<i32>} : memref<10000x64xf32, #tpu.memory_space<vmem>>, vector<10000x64xf32>,
    return
  }
}

module attributes {stable_mosaic.version = 14 : i64} {
  func.func @body(%arg0: memref<2x10112x64xf32, #tpu.memory_space<vmem>>, %arg1: memref<2x10112x32xf32, #tpu.memory_space<vmem>>, %arg2: memref<10000x64xf32, #tpu.memory_space<vmem>>, %arg3: memref<1x64xf32, #tpu.memory_space<vmem>>, %arg4: memref<1x64xf32, #tpu.memory_space<vmem>>, %arg5: memref<1x64xf32, #tpu.memory_space<vmem>>, %arg6: memref<64x32xf32, #tpu.memory_space<vmem>>, %arg7: memref<1x32xf32, #tpu.memory_space<vmem>>, %arg8: memref<32x16xf32, #tpu.memory_space<vmem>>, %arg9: memref<1x16xf32, #tpu.memory_space<vmem>>, %arg10: memref<16x8xf32, #tpu.memory_space<vmem>>, %arg11: memref<1x8xf32, #tpu.memory_space<vmem>>, %arg12: memref<8x4xf32, #tpu.memory_space<vmem>>, %arg13: memref<1x4xf32, #tpu.memory_space<vmem>>, %arg14: memref<4x1xf32, #tpu.memory_space<vmem>>, %arg15: memref<1x1xf32, #tpu.memory_space<vmem>>, %arg16: memref<10000x1xf32, #tpu.memory_space<vmem>>) attributes {dimension_semantics = [], scalar_prefetch = 0 : i64, scratch_operands = 0 : i64, tpu.core_type = #tpu.core_type<tc>} {
    %get3A = arith.constant 0 : index
    %get3A_0 = arith.constant 0 : index
    %get3A_1 = arith.constant 16 : index
    %get3A_2 = vector.load %arg1[%get3A, %get3A_0, %get3A_1] : memref<2x10112x32xf32, #tpu.memory_space<vmem>>, vector<1x10000x1xf32>
    %get3A_3 = vector.shape_cast %get3A_2 : vector<1x10000x1xf32> to vector<10000x1xf32>
    %get3A_4 = arith.constant 1 : index
    %get3A_5 = arith.constant 0 : index
    %get3A_6 = arith.constant 16 : index
    %get3A_7 = vector.load %arg1[%get3A_4, %get3A_5, %get3A_6] : memref<2x10112x32xf32, #tpu.memory_space<vmem>>, vector<1x10000x1xf32>
    %get3A_8 = vector.shape_cast %get3A_7 : vector<1x10000x1xf32> to vector<10000x1xf32>
    %add3A = arith.addf %get3A_3, %get3A_8 : vector<10000x1xf32>
    %add3A_9 = arith.constant 1.000000e+00 : f32
    %add3A_10 = vector.broadcast %add3A_9 : f32 to vector<10000x1xf32>
    %add3A_11 = arith.addf %add3A, %add3A_10 : vector<10000x1xf32>
    %max3A = arith.constant 1.000000e+00 : f32
    %max3A_12 = vector.broadcast %max3A : f32 to vector<10000x1xf32>
    %max3A_13 = arith.maximumf %add3A_11, %max3A_12 : vector<10000x1xf32>
    %div3A = arith.constant 1.000000e+00 : f32
    %div3A_14 = vector.broadcast %div3A : f32 to vector<10000x1xf32>
    %div3A_15 = arith.divf %div3A_14, %max3A_13 : vector<10000x1xf32>
    %get3A_16 = arith.constant 0 : index
    %get3A_17 = arith.constant 0 : index
    %get3A_18 = arith.constant 0 : index
    %get3A_19 = vector.load %arg0[%get3A_16, %get3A_17, %get3A_18] : memref<2x10112x64xf32, #tpu.memory_space<vmem>>, vector<1x10000x64xf32>
    %get3A_20 = vector.shape_cast %get3A_19 : vector<1x10000x64xf32> to vector<10000x64xf32>
    %get3A_21 = arith.constant 1 : index
    %get3A_22 = arith.constant 0 : index
    %get3A_23 = arith.constant 0 : index
    %get3A_24 = vector.load %arg0[%get3A_21, %get3A_22, %get3A_23] : memref<2x10112x64xf32, #tpu.memory_space<vmem>>, vector<1x10000x64xf32>
    %get3A_25 = vector.shape_cast %get3A_24 : vector<1x10000x64xf32> to vector<10000x64xf32>
    %add3A_26 = arith.addf %get3A_20, %get3A_25 : vector<10000x64xf32>
    %get3A_27 = arith.constant 0 : index
    %get3A_28 = arith.constant 0 : index
    %get3A_29 = vector.load %arg2[%get3A_27, %get3A_28] : memref<10000x64xf32, #tpu.memory_space<vmem>>, vector<10000x64xf32>
    %add3A_30 = arith.addf %add3A_26, %get3A_29 : vector<10000x64xf32>
    %mul3A = vector.broadcast %div3A_15 : vector<10000x1xf32> to vector<10000x64xf32>
    %mul3A_31 = arith.mulf %add3A_30, %mul3A : vector<10000x64xf32>
    %get3A_32 = arith.constant 0 : index
    %get3A_33 = arith.constant 0 : index
    %get3A_34 = vector.load %arg3[%get3A_32, %get3A_33] : memref<1x64xf32, #tpu.memory_space<vmem>>, vector<1x64xf32>
    %add3A_35 = vector.broadcast %get3A_34 : vector<1x64xf32> to vector<10000x64xf32>
    %add3A_36 = arith.addf %mul3A_31, %add3A_35 : vector<10000x64xf32>
    %max3A_37 = arith.constant 0.000000e+00 : f32
    %max3A_38 = vector.broadcast %max3A_37 : f32 to vector<10000x64xf32>
    %max3A_39 = arith.maximumf %add3A_36, %max3A_38 : vector<10000x64xf32>
    %reduce_sum3A = arith.constant dense<0.000000e+00> : vector<64xf32>
    %reduce_sum3A_40 = vector.multi_reduction <add>, %max3A_39, %reduce_sum3A [0] : vector<10000x64xf32> to vector<64xf32>
    %broadcast_in_dim3A = vector.shape_cast %reduce_sum3A_40 : vector<64xf32> to vector<1x64xf32>
    %div3A_41 = arith.constant 1.000000e+04 : f32
    %div3A_42 = vector.broadcast %div3A_41 : f32 to vector<1x64xf32>
    %div3A_43 = arith.divf %broadcast_in_dim3A, %div3A_42 : vector<1x64xf32>
    %sub3A = vector.broadcast %div3A_43 : vector<1x64xf32> to vector<10000x64xf32>
    %sub3A_44 = arith.subf %max3A_39, %sub3A : vector<10000x64xf32>
    %integer_pow3A = arith.mulf %sub3A_44, %sub3A_44 : vector<10000x64xf32>
    %reduce_sum3A_45 = arith.constant dense<0.000000e+00> : vector<64xf32>
    %reduce_sum3A_46 = vector.multi_reduction <add>, %integer_pow3A, %reduce_sum3A_45 [0] : vector<10000x64xf32> to vector<64xf32>
    %broadcast_in_dim3A_47 = vector.shape_cast %reduce_sum3A_46 : vector<64xf32> to vector<1x64xf32>
    %div3A_48 = arith.constant 1.000000e+04 : f32
    %div3A_49 = vector.broadcast %div3A_48 : f32 to vector<1x64xf32>
    %div3A_50 = arith.divf %broadcast_in_dim3A_47, %div3A_49 : vector<1x64xf32>
    %sub3A_51 = vector.broadcast %div3A_43 : vector<1x64xf32> to vector<10000x64xf32>
    %sub3A_52 = arith.subf %max3A_39, %sub3A_51 : vector<10000x64xf32>
    %add3A_53 = arith.constant 9.99999974E-6 : f32
    %add3A_54 = vector.broadcast %add3A_53 : f32 to vector<1x64xf32>
    %add3A_55 = arith.addf %div3A_50, %add3A_54 : vector<1x64xf32>
    %sqrt3A = math.sqrt %add3A_55 : vector<1x64xf32>
    %div3A_56 = vector.broadcast %sqrt3A : vector<1x64xf32> to vector<10000x64xf32>
    %div3A_57 = arith.divf %sub3A_52, %div3A_56 : vector<10000x64xf32>
    %get3A_58 = arith.constant 0 : index
    %get3A_59 = arith.constant 0 : index
    %get3A_60 = vector.load %arg4[%get3A_58, %get3A_59] : memref<1x64xf32, #tpu.memory_space<vmem>>, vector<1x64xf32>
    %mul3A_61 = vector.broadcast %get3A_60 : vector<1x64xf32> to vector<10000x64xf32>
    %mul3A_62 = arith.mulf %div3A_57, %mul3A_61 : vector<10000x64xf32>
    %get3A_63 = arith.constant 0 : index
    %get3A_64 = arith.constant 0 : index
    %get3A_65 = vector.load %arg5[%get3A_63, %get3A_64] : memref<1x64xf32, #tpu.memory_space<vmem>>, vector<1x64xf32>
    %add3A_66 = vector.broadcast %get3A_65 : vector<1x64xf32> to vector<10000x64xf32>
    %add3A_67 = arith.addf %mul3A_62, %add3A_66 : vector<10000x64xf32>
    %get3A_68 = arith.constant 0 : index
    %get3A_69 = arith.constant 0 : index
    %get3A_70 = vector.load %arg6[%get3A_68, %get3A_69] : memref<64x32xf32, #tpu.memory_space<vmem>>, vector<64x32xf32>
    %dot_general3A = arith.constant dense<0.000000e+00> : vector<10000x32xf32>
    %dot_general3A_71 = tpu.matmul %add3A_67, %get3A_70, %dot_general3A {dimension_numbers = #tpu.dot_dimension_numbers<[1], [0], [0], [1], [0, 0, 1, 1], [], []>, transpose_lhs_hint = false} : vector<10000x64xf32>, vector<64x32xf32>, vector<10000x32xf32> -> vector<10000x32xf32>
    %get3A_72 = arith.constant 0 : index
    %get3A_73 = arith.constant 0 : index
    %get3A_74 = vector.load %arg7[%get3A_72, %get3A_73] : memref<1x32xf32, #tpu.memory_space<vmem>>, vector<1x32xf32>
    %add3A_75 = vector.broadcast %get3A_74 : vector<1x32xf32> to vector<10000x32xf32>
    %add3A_76 = arith.addf %dot_general3A_71, %add3A_75 : vector<10000x32xf32>
    %max3A_77 = arith.constant 0.000000e+00 : f32
    %max3A_78 = vector.broadcast %max3A_77 : f32 to vector<10000x32xf32>
    %max3A_79 = arith.maximumf %add3A_76, %max3A_78 : vector<10000x32xf32>
    %get3A_80 = arith.constant 0 : index
    %get3A_81 = arith.constant 0 : index
    %get3A_82 = vector.load %arg8[%get3A_80, %get3A_81] : memref<32x16xf32, #tpu.memory_space<vmem>>, vector<32x16xf32>
    %dot_general3A_83 = arith.constant dense<0.000000e+00> : vector<10000x16xf32>
    %dot_general3A_84 = tpu.matmul %max3A_79, %get3A_82, %dot_general3A_83 {dimension_numbers = #tpu.dot_dimension_numbers<[1], [0], [0], [1], [0, 0, 1, 1], [], []>, transpose_lhs_hint = false} : vector<10000x32xf32>, vector<32x16xf32>, vector<10000x16xf32> -> vector<10000x16xf32>
    %get3A_85 = arith.constant 0 : index
    %get3A_86 = arith.constant 0 : index
    %get3A_87 = vector.load %arg9[%get3A_85, %get3A_86] : memref<1x16xf32, #tpu.memory_space<vmem>>, vector<1x16xf32>
    %add3A_88 = vector.broadcast %get3A_87 : vector<1x16xf32> to vector<10000x16xf32>
    %add3A_89 = arith.addf %dot_general3A_84, %add3A_88 : vector<10000x16xf32>
    %max3A_90 = arith.constant 0.000000e+00 : f32
    %max3A_91 = vector.broadcast %max3A_90 : f32 to vector<10000x16xf32>
    %max3A_92 = arith.maximumf %add3A_89, %max3A_91 : vector<10000x16xf32>
    %get3A_93 = arith.constant 0 : index
    %get3A_94 = arith.constant 0 : index
    %get3A_95 = vector.load %arg10[%get3A_93, %get3A_94] : memref<16x8xf32, #tpu.memory_space<vmem>>, vector<16x8xf32>
    %dot_general3A_96 = arith.constant dense<0.000000e+00> : vector<10000x8xf32>
    %dot_general3A_97 = tpu.matmul %max3A_92, %get3A_95, %dot_general3A_96 {dimension_numbers = #tpu.dot_dimension_numbers<[1], [0], [0], [1], [0, 0, 1, 1], [], []>, transpose_lhs_hint = false} : vector<10000x16xf32>, vector<16x8xf32>, vector<10000x8xf32> -> vector<10000x8xf32>
    %get3A_98 = arith.constant 0 : index
    %get3A_99 = arith.constant 0 : index
    %get3A_100 = vector.load %arg11[%get3A_98, %get3A_99] : memref<1x8xf32, #tpu.memory_space<vmem>>, vector<1x8xf32>
    %add3A_101 = vector.broadcast %get3A_100 : vector<1x8xf32> to vector<10000x8xf32>
    %add3A_102 = arith.addf %dot_general3A_97, %add3A_101 : vector<10000x8xf32>
    %max3A_103 = arith.constant 0.000000e+00 : f32
    %max3A_104 = vector.broadcast %max3A_103 : f32 to vector<10000x8xf32>
    %max3A_105 = arith.maximumf %add3A_102, %max3A_104 : vector<10000x8xf32>
    %get3A_106 = arith.constant 0 : index
    %get3A_107 = arith.constant 0 : index
    %get3A_108 = vector.load %arg12[%get3A_106, %get3A_107] : memref<8x4xf32, #tpu.memory_space<vmem>>, vector<8x4xf32>
    %dot_general3A_109 = arith.constant dense<0.000000e+00> : vector<10000x4xf32>
    %dot_general3A_110 = tpu.matmul %max3A_105, %get3A_108, %dot_general3A_109 {dimension_numbers = #tpu.dot_dimension_numbers<[1], [0], [0], [1], [0, 0, 1, 1], [], []>, transpose_lhs_hint = false} : vector<10000x8xf32>, vector<8x4xf32>, vector<10000x4xf32> -> vector<10000x4xf32>
    %get3A_111 = arith.constant 0 : index
    %get3A_112 = arith.constant 0 : index
    %get3A_113 = vector.load %arg13[%get3A_111, %get3A_112] : memref<1x4xf32, #tpu.memory_space<vmem>>, vector<1x4xf32>
    %add3A_114 = vector.broadcast %get3A_113 : vector<1x4xf32> to vector<10000x4xf32>
    %add3A_115 = arith.addf %dot_general3A_110, %add3A_114 : vector<10000x4xf32>
    %max3A_116 = arith.constant 0.000000e+00 : f32
    %max3A_117 = vector.broadcast %max3A_116 : f32 to vector<10000x4xf32>
    %max3A_118 = arith.maximumf %add3A_115, %max3A_117 : vector<10000x4xf32>
    %get3A_119 = arith.constant 0 : index
    %get3A_120 = arith.constant 0 : index
    %get3A_121 = vector.load %arg14[%get3A_119, %get3A_120] : memref<4x1xf32, #tpu.memory_space<vmem>>, vector<4x1xf32>
    %dot_general3A_122 = arith.constant dense<0.000000e+00> : vector<10000x1xf32>
    %dot_general3A_123 = tpu.matmul %max3A_118, %get3A_121, %dot_general3A_122 {dimension_numbers = #tpu.dot_dimension_numbers<[1], [0], [0], [1], [0, 0, 1, 1], [], []>, transpose_lhs_hint = false} : vector<10000x4xf32>, vector<4x1xf32>, vector<10000x1xf32> -> vector<10000x1xf32>
    %get3A_124 = arith.constant 0 : index
    %get3A_125 = arith.constant 0 : index
    %get3A_126 = vector.load %arg15[%get3A_124, %get3A_125] : memref<1x1xf32, #tpu.memory_space<vmem>>, vector<1x1xf32>
    %add3A_127 = vector.broadcast %get3A_126 : vector<1x1xf32> to vector<10000x1xf32>
    %add3A_128 = arith.addf %dot_general3A_123, %add3A_127 : vector<10000x1xf32>
    %neg3A = arith.constant 0.000000e+00 : f32
    %neg3A_129 = vector.broadcast %neg3A : f32 to vector<10000x1xf32>
    %neg3A_130 = arith.subf %neg3A_129, %add3A_128 : vector<10000x1xf32>
    %exp3A = math.exp %neg3A_130 : vector<10000x1xf32>
    %add3A_131 = arith.constant 1.000000e+00 : f32
    %add3A_132 = vector.broadcast %add3A_131 : f32 to vector<10000x1xf32>
    %add3A_133 = arith.addf %add3A_132, %exp3A : vector<10000x1xf32>
    %div3A_134 = arith.constant 1.000000e+00 : f32
    %div3A_135 = vector.broadcast %div3A_134 : f32 to vector<10000x1xf32>
    %div3A_136 = arith.divf %div3A_135, %add3A_133 : vector<10000x1xf32>
    %swap3A = arith.constant 0 : index
    %swap3A_137 = arith.constant 0 : index
    %swap3A_138 = vector.load %arg16[%swap3A, %swap3A_137] : memref<10000x1xf32, #tpu.memory_space<vmem>>, vector<10000x1xf32>
    tpu.vector_store %arg16[%swap3A, %swap3A_137], %div3A_136 {strides = array<i32>} : memref<10000x1xf32, #tpu.memory_space<vmem>>, vector<10000x1xf32>,
    return
  }
}

</mosaic_0001>

<sc_bundles>
// kernel: kernel.12.cloned.1.call-start
scs
__scs_entry_jumppad:
0x0: {  	(pc) =	sbr.rel $0x88, $3  }
0x1: {  	(tag) =	ssettag $0x0;
	lr =	simm.s32 $0x1  }
0x2: {  	[smem:$0x3F87] =	sst lr;
	_ =	strace $0xD0000000  }
0x3: {  	_ = 	snop  }
0x4: {  	_ = 	snop  }
0x5: {  	_ = 	snop  }
0x6: {  	_ = 	snop  }
0x7: {  	_ = 	snop  }
__scs_overlays_trampoline_lowered:
0x8: {  	[smem:$0x3F96] =	sst s0  }
0x9: {  	[smem:$0x3F97] =	sst s1  }
0xa: {  	[smem:$0x3F98] =	sst s2  }
0xb: {  	[smem:$0x3F99] =	sst s3  }
0xc: {  	[smem:$0x3F9A] =	sst s4  }
0xd: {  	[smem:$0x3F9B] =	sst s5  }
0xe: {  	[smem:$0x3F9C] =	sst s6  }
0xf: {  	[smem:$0x3F9D] =	sst s7  }
0x10: {  	[smem:$0x3F9E] =	sst s8  }
0x11: {  	[smem:$0x3F9F] =	sst s9;
	s0 =	simm.s32 @!p0 $0x0  }
0x12: {  	s1 =	sld [smem:$0x3F85];
	s0 =	simm.s32 @p0 $0x1  }
0x13: {  	[smem:$0x3FA0] =	sst s0;
	s0 =	simm.s32 @!p1 $0x0  }
0x14: {  	s2 =	sld [smem:$0x3F84];
	s0 =	simm.s32 @p1 $0x1  }
0x15: {  	[smem:$0x3FA1] =	sst s0;
	s0 =	simm.s32 @!p2 $0x0  }
0x16: {  	s3 =	sld [smem:$0x3FDB];
	s0 =	simm.s32 @p2 $0x1  }
0x17: {  	s4 =	simm.s32 $0x1BF5;
	[smem:$0x3FA3] =	sst s0  }
0x18: {  	s0 =	sld [smem:$0x3F86];
	_ =	swait.ge [sflag:s4], $0x0  }
0x19: {  	s7 =	sld [smem:$0x3F87]  }
0x1a: {  	s8 =	sadd.s32 $0xFFFFE003, lr  }
0x1b: {  	s9 =	sadd.s32 $0xFFFFFEF7, lr;
	s5 =	simm.s32 $0xFFFFFFFF;
	p2 =	slt.u32 s8, $0xFFFFF086  }
0x1c: {  	p1 =	slt.u32 s9, $0xF7A;
	s5 =	simm.s32 @!p2 $0x0  }
0x1d: {  	s5 =	simm.s32 @p1 $0x1;
	p0 =	seq.s32 s7, s2  }
0x1e: {  	s7 =	smul.u32 @!p0 $0xF7A, s2;
	p2 =	seq.s32 @!p0 s5, $0x0  }
0x1f: {  	s9 =	smul.u32 $0xF7A, s1;
	s8 =	simm.s32 @!p0 $0x1BF5;
	p2 =	por !p2, p0  }
0x20: {  	[sflag:s8] =	ssyncset.s32 @!p0 $0xFFFFF086;
	s6 =	sadd.s32 @!p0 s3, s7;
	s7 =	simm.s32 @!p0 $0x108  }
0x21: {  	s3 =	sadd.s32 s3, s9;
	s6 =	sadd.s32 @!p0 $0x88, s6;
	s7 =	simm.s32 @p2 $0x1082  }
0x22: {  	[simem:s7], [sflag:s8] =	dma.local @!p0 [hbm:s6], $0xF7A  }
0x23: {  	s9 =	sor.u32 $0xD0000000, s2;
	s6 =	simm.s32 $0x108;
	_ =	swait.ge @!p0 [sflag:s8], $0x0  }
0x24: {  	s3 =	sadd.s32 $0x88, s3;
	s6 =	simm.s32 @!p1 $0x1082;
	[sflag:s4] =	ssyncset.s32 $0xFFFFF086  }
0x25: {  	[simem:s6], [sflag:s4] =	dma.local [hbm:s3], $0xF7A  }
0x26: {  	[smem:$0x3F87] =	sst s1;
	(tag) =	ssettag s2;
	_ =	strace s9  }
0x27: {  	s1 =	sld [smem:$0x3F97]  }
0x28: {  	s2 =	sld [smem:$0x3F98]  }
0x29: {  	s4 =	sld [smem:$0x3F9A]  }
0x2a: {  	p0 =	seq.s32 s5, $0x0;
	s5 =	sld [smem:$0x3F9B]  }
0x2b: {  	s6 =	sld [smem:$0x3F9C]  }
0x2c: {  	s7 =	sld [smem:$0x3F9D]  }
0x2d: {  	s3 =	simm.s32 $0x108;
	s8 =	sld [smem:$0x3F9E]  }
0x2e: {  	s3 =	simm.s32 @!p0 $0x1082;
	s9 =	sld [smem:$0x3F9F]  }
0x2f: {  	lr =	sadd.s32 s0, s3;
	s0 =	sld [smem:$0x3F96]  }
0x30: {  	s3 =	sld [smem:$0x3F99]  }
0x31: {  	[smem:$0x3FA2] =	sst s10  }
0x32: {  	s10 =	sld [smem:$0x3FA0];
	_ =	sdelay $0x3  }
0x33: {  	p0 =	seq.s32 s10, $0x1;
	s10 =	sld [smem:$0x3FA2];
	_ =	sdelay $0x3  }
0x34: {  	[smem:$0x3FA2] =	sst s10  }
0x35: {  	s10 =	sld [smem:$0x3FA1];
	_ =	sdelay $0x3  }
0x36: {  	p1 =	seq.s32 s10, $0x1;
	s10 =	sld [smem:$0x3FA2];
	_ =	sdelay $0x3  }
0x37: {  	[smem:$0x3FA2] =	sst s10  }
0x38: {  	s10 =	sld [smem:$0x3FA3]  }
0x39: {  	_ = 	snop;
	(pc) =	sbr.ind lr, $3  }
0x3a: {  	_ = 	snop  }
0x3b: {  	_ = 	snop  }
0x3c: {  	p2 =	seq.s32 s10, $0x1;
	s10 =	sld [smem:$0x3FA2]  }
0x3d: {  	_ =	shalt  }
0x3e: {  	_ =	shalt  }
0x3f: {  	_ =	shalt  }
0x40: {  	_ =	shalt  }
0x41: {  	_ =	shalt  }
0x42: {  	_ =	shalt  }
0x43: {  	_ =	shalt  }
0x44: {  	_ =	shalt  }
0x45: {  	_ =	shalt  }
0x46: {  	_ =	shalt  }
0x47: {  	_ =	shalt  }
0x48: {  	_ =	shalt  }
0x49: {  	_ =	shalt  }
0x4a: {  	_ =	shalt  }
0x4b: {  	_ =	shalt  }
0x4c: {  	_ =	shalt  }
0x4d: {  	_ =	shalt  }
0x4e: {  	_ =	shalt  }
0x4f: {  	_ =	shalt  }
0x50: {  	_ =	shalt  }
0x51: {  	_ =	shalt  }
0x52: {  	_ =	shalt  }
0x53: {  	_ =	shalt  }
0x54: {  	_ =	shalt  }
0x55: {  	_ =	shalt  }
0x56: {  	_ =	shalt  }
0x57: {  	_ =	shalt  }
0x58: {  	_ =	shalt  }
0x59: {  	_ =	shalt  }
0x5a: {  	_ =	shalt  }
0x5b: {  	_ =	shalt  }
0x5c: {  	_ =	shalt  }
0x5d: {  	_ =	shalt  }
0x5e: {  	_ =	shalt  }
0x5f: {  	_ =	shalt  }
0x60: {  	_ =	shalt  }
0x61: {  	_ =	shalt  }
0x62: {  	_ =	shalt  }
0x63: {  	_ =	shalt  }
0x64: {  	_ =	shalt  }
0x65: {  	_ =	shalt  }
0x66: {  	_ =	shalt  }
0x67: {  	_ =	shalt  }
0x68: {  	_ =	shalt  }
0x69: {  	_ =	shalt  }
0x6a: {  	_ =	shalt  }
0x6b: {  	_ =	shalt  }
0x6c: {  	_ =	shalt  }
0x6d: {  	_ =	shalt  }
0x6e: {  	_ =	shalt  }
0x6f: {  	_ =	shalt  }
0x70: {  	_ =	shalt  }
0x71: {  	_ =	shalt  }
0x72: {  	_ =	shalt  }
0x73: {  	_ =	shalt  }
0x74: {  	_ =	shalt  }
0x75: {  	_ =	shalt  }
0x76: {  	_ =	shalt  }
0x77: {  	_ =	shalt  }
0x78: {  	_ =	shalt  }
0x79: {  	_ =	shalt  }
0x7a: {  	_ =	shalt  }
0x7b: {  	_ =	shalt  }
0x7c: {  	_ =	shalt  }
0x7d: {  	_ =	shalt  }
0x7e: {  	_ =	shalt  }
0x7f: {  	_ =	shalt  }
0x80: {  	_ =	shalt  }
0x81: {  	_ =	shalt  }
0x82: {  	_ =	shalt  }
0x83: {  	_ =	shalt  }
0x84: {  	_ =	shalt  }
0x85: {  	_ =	shalt  }
0x86: {  	_ =	shalt  }
0x87: {  	_ =	shalt  }
.Lfunc_end0:
.L_simem_size_0:
called_computation.1_lowered:
.L_overlay_start_0:
0x88: {  	s2 =	sld [smem:$0x3FD9]  }
0x89: {  	s3 =	sld [smem:$0x3FFE];
	_ =	sdelay $0x1  }
0x8a: {  	s1 =	srdreg.scid  }
0x8b: {  	s0 =	sand.u32 $0x1, s1  }
0x8c: {  	s16 =	sshll.u32 s0, $0xA;
	s2 =	sadd.s32 s3, s2  }
0x8d: {  	s2 =	sadd.s32 s2, s16  }
0x8e: {  	[smem:$0x3FAE] =	sst s2  }
0x8f: {  	_ = 	snop  }
0x90: {  	(tm) =	ssettm $0x1  }
0x91: {  	s17 =	sld [smem:$0x3FFB];
	_ =	sdelay $0x3  }
0x92: {  	_ =	strace s17  }
0x93: {  	s2 =	sld [smem:$0x3FFC];
	_ =	sdelay $0x3  }
0x94: {  	_ =	strace s2  }
0x95: {  	s2 =	sld [smem:$0x3FFD];
	_ =	sdelay $0x3  }
0x96: {  	_ =	strace s2  }
0x97: {  	_ =	strace $0x8FFFFFFF  }
0x98: {  	s18 =	sld [smem:$0x3FDB];
	_ =	sdelay $0x1  }
0x99: {  	s19 =	simm.s32 $_scs_section_size  }
0x9a: {  	s4 =	simm.s32 $_size__tile_overlayer_lowered;
	s5 =	simm.s32 $_tile_overlayer_lowered  }
0x9b: {  	s22 =	simm.s32 $0x1BFF;
	s21 =	sshll.u32 s5, $0x1;
	s2 =	sadd.s32 s19, s18  }
0x9c: {  	s6 =	simm.s32 $0x0;
	s20 =	sshll.u32 s4, $0x1;
	s4 =	sadd.s32 s21, s2  }
0x9d: {  	[timem:s6], [sflag:s22] =	dma.local [hbm:s4], s20  }
0x9e: {  	_ =	swait.ge [sflag:s22], s20  }
0x9f: {  	s3 =	ssub.s32 $0x0, s20;
	[sflag:s22] =	ssyncset.done $0x0  }
0xa0: {  	[sflag:s22] =	ssyncadd.s32 s3;
	_ =	sdelay $0x1  }
0xa1: {  	s23 =	simm.s32 $0x1B8B  }
0xa2: {  	_ =	swait.ge [sflag:s23], $0x1  }
0xa3: {  	[sflag:s23] =	ssyncset.done $0x0  }
0xa4: {  	s25 =	simm.s32 $0x1B8E;
	s24 =	sld [smem:$0x3FFE];
	[sflag:s23] =	ssyncadd.s32 $0xFFFFFFFF  }
0xa5: {  	s26 =	simm.s32 $execute0_lowered;
	[smem:$0x3FD2] =	sst s25  }
0xa6: {  	s4 =	sshll.u32 s26, $0x1;
	_ =	strace $0x80000049;
	[dreg:$0x1] =	wrdreg $0xFFFFFFFF  }
0xa7: {  	s28 =	simm.s32 $_size_execute0_lowered;
	s2 =	sadd.s32 s2, s4;
	[dreg:$0x0] =	wrdreg $0x0  }
0xa8: {  	s4 =	sshll.u32 s28, $0x1;
	[dreg:$0x2] =	wrdreg s2  }
0xa9: {  	[dreg:$0x3] =	wrdreg s4  }
0xaa: {  	[dreg:$0x4] =	wrdreg $0xC0  }
0xab: {  	_ =	task [dreg:s6], $0x5FFFF  }
0xac: {  	[dreg:$0x1] =	wrdreg $0xFFFFFFFF  }
0xad: {  	[dreg:$0x0] =	wrdreg $0x60  }
0xae: {  	[dreg:$0x2] =	wrdreg s24  }
0xaf: {  	[dreg:$0x3] =	wrdreg $0x63800  }
0xb0: {  	[dreg:$0x4] =	wrdreg $0x9  }
0xb1: {  	_ =	task.clear_ibuf [dreg:s6], $0x5FFFF;
	_ =	strace $0x90000049  }
0xb2: {  	s29 =	simm.s32 $0x9;
	_ =	strace $0x8000004B  }
0xb3: {  	_ =	swait.ge [sflag:s29], $0x1  }
0xb4: {  	[sflag:s29] =	ssyncadd.s32 $0xFFFFFFFF  }
0xb5: {  	_ =	strace $0x9000004B  }
0xb6: {  	_ =	sfence  }
0xb7: {  	s30 =	sld [smem:$0x0];
	_ =	sdelay $0x2  }
0xb8: {  	s31 =	sshll.u32 s1, $0xD;
	s1 =	sshrl.u32 s1, $0x2  }
0xb9: {  	s3 =	sand.u32 $0x4000, s31;
	s1 =	sadd.s32 s1, s30  }
0xba: {  	s0 =	sor.u32 s3, s0;
	s1 =	sshll.u32 s1, $0x11  }
0xbb: {  	s0 =	sor.u32 s1, s0  }
0xbc: {  	s0 =	sadd.s32 $0x8F2B, s0  }
0xbd: {  	[sflag:s0] =	ssyncadd.remote.s32 $0x1  }
0xbe: {  	_ =	sfence.sel $0xFFFF  }
0xbf: {  	[dreg:$0x0] =	wrdreg $0xFFFFFFFF;
	(pc) =	sbr.abs _section_cstart, $3  }
0xc0: {  	[dreg:$0x1] =	wrdreg $0xFFFFFFFF  }
0xc1: {  	_ =	task.clear_ibuf [dreg:s6], $0x2FFFF;
	_ =	strace $0x9FFFFFFF  }
0xc2: {  	(tm) =	ssettm $0x7FFFFFFF  }
0xc3: {  	_ =	shalt  }
tec
execute0_lowered:
.L_overlay_start_1:
0x0: {  	(tag) =	ssettag $0x1  }
0x1: {  	s0 =	rddreg [dreg:$0x0]  }
0x2: {  	s2 =	rddreg [dreg:$0x1]  }
0x3: {  	s4 =	srdreg.scid;
	s1 =	stileid.u32  }
0x4: {  	s3 =	simm.s32 $0x0;
	s15 =	simm.s32 $0x3;
	s16 =	simm.s32 $0x5180  }
0x5: {  	s17 =	simm.s32 $0x4;
	s18 =	simm.s32 $0x80;
	s19 =	simm.s32 $0x180  }
0x6: {  	s20 =	simm.s32 $0x4980;
	s21 =	simm.s32 $0x1;
	s22 =	simm.s32 $0x2  }
0x7: {  	s23 =	simm.s32 $0x6180;
	s24 =	simm.s32 $0x100;
	s25 =	simm.s32 $0x0  }
0x8: {  	s9 =	sand.u32 $0x1, s4;
	s10 =	smul.u32 $0x4F00, s1;
	[smem:$0x7FF] =	sst s3  }
0x9: {  	s4 =	sadd.s32 $0x10200, s0;
	s5 =	sadd.s32 $0x6400, s0;
	s6 =	sadd.s32 $0x4B000, s0  }
0xa: {  	s31 =	sshll.u32 s1, $0x6;
	s7 =	smul.u32 $0x4F000, s9;
	s12 =	ssub.s32 $0x2, s9  }
0xb: {  	_ =	strace $0x8000004A;
	s9 =	sshll.u32 s9, $0x4;
	s28 =	sshrl.u32 s12, $0x1  }
.Ltmp0:
0xc: {  	s29 =	sshrl.u32 s10, $0x3;
	s14 =	sadd.s32 s10, s2;
	(pc) =	sbr.rel .LBB2_1-.Ltmp0, $4  }
0xd: {  	s8 =	sadd.s32 s10, s7;
	s7 =	sadd.s32 $0x600, s0;
	s13 =	ssub.s32 s12, s28  }
0xe: {  	s14 =	sshrl.u32 s14, $0x3;
	s11 =	sshrl.u32 s8, $0x3;
	s8 =	sadd.s32 $0x1A000, s0  }
0xf: {  	s13 =	smax.u32 s13, $0x1;
	s0 =	sadd.s32 s11, s0;
	s30 =	sadd.s32 s8, s29  }
0x10: {  	v0 =	vlaneseq.u32;
	s11 =	sor.u32 $0x1C03, s31;
	[dreg:$0x3] =	wrdreg s30;
	s12 =	sadd.s32 $0x23E00, s0  }
.LBB2_9:
0x11: {  	s25 =	sadd.s32 $0x1, s25  }
0x12: {  	p0 =	sne.s32 s25, s13  }
.Ltmp1:
0x13: {  	[bflag:$0x0] =	sbarrier.arrive $0xFFFF;
	(pc) =	sbr.rel @!p0 .LBB2_10-.Ltmp1, $4  }
0x14: {  	[hbm:s12], [sflag:s11] =	dma.local [spmem:s14], $0x9E0  }
0x15: {  	_ =	swait.ge [sflag:s15], $0x9E0  }
0x16: {  	[sflag:s15] =	ssyncset.done $0x0  }
0x17: {  	[sflag:s15] =	ssyncadd.s32 $0xFFFFF620  }
.LBB2_1:
0x18: {  	s0 =	rddreg [dreg:$0x3]  }
0x19: {  	[spmem:s14], [sflag:s11] =	dma.local [hbm:s0], $0x9E0  }
0x1a: {  	_ =	swait.ge [sflag:s15], $0x9E0  }
0x1b: {  	[sflag:s15] =	ssyncset.done $0x0  }
0x1c: {  	s31 =	simm.s32 $0x0;
	[sflag:s15] =	ssyncadd.s32 $0xFFFFF620  }
0x1d: {  	[tilespmem:s16], [sflag:$0x3] =	stream.linear.gather [hbm4b:s8+s31], $0x1000, $0x38;
	[tilespmem:$0xB280] =	vst v63  }
.Ltmp2:
0x1e: {  	_ =	swait.ge [sflag:s15], $0x1000;
	(pc) =	sbr.rel .LBB2_2-.Ltmp2, $4  }
0x1f: {  	[sflag:s15] =	ssyncset.done $0x0  }
0x20: {  	[sflag:s15] =	ssyncadd.s32 $0xFFFFF000  }
0x21: {  	[bflag:$0x0] =	sbarrier.arrive $0xFFFF  }
0x22: {  	s26 =	simm.s32 $0x0  }
.LBB2_8:
0x23: {  	s26 =	sadd.s32 $0x1, s26  }
0x24: {  	p0 =	sne.s32 s26, $0x4F  }
.Ltmp3:
0x25: {  	_ = 	snop;
	(pc) =	sbr.rel @!p0 .LBB2_9-.Ltmp3, $1  }
0x26: {  	_ =	sdelay $0x3  }
.LBB2_2:
0x27: {  	s0 =	sshll.u32 s26, $0x5  }
0x28: {  	s0 =	sor.u32 s0, s9  }
0x29: {  	s0 =	sor.u32 s1, s0  }
0x2a: {  	p0 =	sgt.u32 s0, $0x9C3  }
.Ltmp4:
0x2b: {  	_ = 	snop;
	(pc) =	sbr.rel @p0 .LBB2_8-.Ltmp4, $1  }
0x2c: {  	_ =	sdelay $0x3  }
0x2d: {  	s0 =	sshll.u32 s0, $0x4  }
0x2e: {  	s28 =	simm.s32 $0x0;
	s29 =	sadd.s32 s4, s0  }
0x2f: {  	[tilespmem:s28], [sflag:$0x4] =	stream.linear.gather [hbm4b:s29+s28], $0x80, $0x38;
	[tilespmem:$0xB280] =	vst v63  }
0x30: {  	_ =	swait.ge [sflag:s17], $0x80  }
0x31: {  	[sflag:s17] =	ssyncset.done $0x0  }
0x32: {  	s0 =	sadd.s32 s5, s0;
	[sflag:s17] =	ssyncadd.s32 $0xFFFFFF80  }
0x33: {  	[tilespmem:s18], [sflag:$0x4] =	stream.linear.gather [hbm4b:s0+s28], $0x80, $0x38;
	[tilespmem:$0xB280] =	vst v63  }
0x34: {  	_ =	swait.ge [sflag:s17], $0x80  }
0x35: {  	[sflag:s17] =	ssyncset.done $0x0  }
0x36: {  	[sflag:s17] =	ssyncadd.s32 $0xFFFFFF80  }
0x37: {  	[tilespmem:s19], [sflag:$0x1] =	stream.indirect.gather [hbm4b:s6+s18], $0x90, s28, s18, $0xb8;
	[tilespmem:$0xB280] =	vst v63  }
0x38: {  	_ = 	snop  }
0x39: {  	[tilespmem:s20], [sflag:$0x2] =	stream.indirect.gather [hbm4b:s7+s18], $0x10, s18, s18, $0xb8;
	[tilespmem:$0xB280] =	vst v63  }
0x3a: {  	v1 =	vld [tilespmem:$0x0]  }
0x3b: {  	v2 =	vld [tilespmem:$0x80]  }
0x3c: {  	v3 =	vld [tilespmem:$0x10]  }
0x3d: {  	v4 =	vld [tilespmem:$0x90]  }
0x3e: {  	v5 =	vld [tilespmem:$0x20]  }
0x3f: {  	v6 =	vld [tilespmem:$0xA0]  }
0x40: {  	v7 =	vld [tilespmem:$0x30]  }
0x41: {  	v8 =	vld [tilespmem:$0xB0]  }
0x42: {  	v9 =	vld [tilespmem:$0x40]  }
0x43: {  	v10 =	vld [tilespmem:$0xC0]  }
0x44: {  	v11 =	vld [tilespmem:$0x50]  }
0x45: {  	v12 =	vld [tilespmem:$0xD0]  }
0x46: {  	v13 =	vld [tilespmem:$0x60]  }
0x47: {  	vm0 =	veq.s32 v1, v2;
	v1 =	vld [tilespmem:$0xE0]  }
0x48: {  	vm9 =	veq.s32 v3, v4;
	v3 =	vld [tilespmem:$0x70];
	v2 =	vsel vm0, $0x2710, v2  }
0x49: {  	vm10 =	veq.s32 v5, v6;
	[tilespmem:$0x100] =	vst v2;
	v2 =	vsel vm9, $0x2710, v4;
	v4 =	vld [tilespmem:$0xF0]  }
0x4a: {  	vm11 =	veq.s32 v7, v8;
	[tilespmem:$0x110] =	vst v2;
	v2 =	vsel vm10, $0x2710, v6  }
0x4b: {  	vm12 =	veq.s32 v9, v10;
	[tilespmem:$0x120] =	vst v2;
	v2 =	vsel vm11, $0x2710, v8  }
0x4c: {  	vm13 =	veq.s32 v11, v12;
	[tilespmem:$0x130] =	vst v2;
	v2 =	vsel vm12, $0x2710, v10  }
0x4d: {  	vm14 =	veq.s32 v13, v1;
	[tilespmem:$0x140] =	vst v2;
	v2 =	vsel vm13, $0x2710, v12  }
0x4e: {  	v1 =	vsel vm14, $0x2710, v1;
	[tilespmem:$0x150] =	vst v2;
	vm15 =	veq.s32 v3, v4  }
0x4f: {  	[tilespmem:$0x160] =	vst v1;
	v1 =	vsel vm15, $0x2710, v4  }
0x50: {  	[tilespmem:$0x170] =	vst v1  }
0x51: {  	v5 =	vor.u32 s28, v0;
	_ =	swait.ge [sflag:s21], $0x4800  }
0x52: {  	v1 =	vshll.u32 v5, $0x4;
	[sflag:s21] =	ssyncset.done $0x0  }
0x53: {  	v2 =	vor.u32 $0x3, v1;
	[sflag:s21] =	ssyncadd.s32 $0xFFFFB800  }
0x54: {  	v3 =	vmul.u32 $0x90, v5;
	v4 =	vor.u32 $0x2, v1;
	_ =	swait.ge [sflag:s22], $0x800  }
0x55: {  	v6 =	vor.u32 $0x1, v1;
	[sflag:s22] =	ssyncset.done $0x0  }
0x56: {  	v7 =	vadd.s32 $0x80, v3;
	[sflag:s22] =	ssyncadd.s32 $0xFFFFF800  }
0x57: {  	v8 =	vadd.s32 $0x81, v3;
	v1 =	vld.idx.msk [tilespmem:v1+s20+$0x0], $0xffff  }
0x58: {  	v9 =	vadd.s32 $0x82, v3;
	v10 =	vld.idx.msk [tilespmem:v2+s20+$0x0], $0xffff  }
0x59: {  	v2 =	vadd.s32 $0x83, v3;
	v4 =	vld.idx.msk [tilespmem:v4+s20+$0x0], $0xffff  }
0x5a: {  	v6 =	vld.idx.msk [tilespmem:v6+s20+$0x0], $0xffff  }
0x5b: {  	v3 =	vld.idx.msk [tilespmem:v7+s19+$0x0], $0xffff  }
0x5c: {  	v7 =	vld.idx.msk [tilespmem:v8+s19+$0x0], $0xffff  }
0x5d: {  	v8 =	vld.idx.msk [tilespmem:v9+s19+$0x0], $0xffff  }
0x5e: {  	v9 =	vld.idx.msk [tilespmem:v2+s19+$0x0], $0xffff;
	_ =	sdelay $0x3  }
0x5f: {  	v3 =	vmul.f32 v1, v3;
	v2 =	vmul.f32 v6, v7  }
0x60: {  	v4 =	vmul.f32 v4, v8;
	v1 =	vmul.f32 v10, v9;
	_ =	sdelay $0x1  }
0x61: {  	v6 =	vadd.f32 v2, v3;
	v7 =	vadd.f32 v1, v4;
	_ =	sdelay $0x1  }
0x62: {  	v6 =	vadd.f32 v7, v6;
	_ =	sdelay $0x1  }
0x63: {  	(erf) = vrcp.f32 v6;
	_ =	sdelay $0x6  }
0x64: {  	v8 =	vshll.u32 v5, $0x2  }
0x65: {  	v7 =	vor.u32 $0x1, v8  }
0x66: {  	s30 =	simm.s32 $0x10;
	s29 =	simm.s32 $0x20;
	v5 =	vor.u32 $0x3, v8;
	v6 =	vor.u32 $0x2, v8;
	v9 =	vpop (erf)  }
.LBB2_4:
0x67: {  	p0 =	sne.s32 s29, $0x70;
	v10 =	vor.u32 s30, v0;
	v3 =	vmul.f32 v9, v3;
	v4 =	vmul.f32 v9, v4;
	s30 =	smov.u32 s29;
	s29 =	sadd.s32 $0x10, s29  }
0x68: {  	v2 =	vmul.f32 v9, v2;
	v11 =	vmul.u32 $0x90, v10;
	v12 =	vshll.u32 v10, $0x4  }
0x69: {  	v13 =	vor.u32 $0x1, v12;
	v14 =	vor.u32 $0x2, v12;
	v15 =	vor.u32 $0x3, v12;
	[tilespmem:v8+s23+$0x0] =	vst.idx.msk $0xffff, v3  }
0x6a: {  	v1 =	vmul.f32 v9, v1;
	v3 =	vadd.s32 $0x80, v11;
	v8 =	vadd.s32 $0x81, v11;
	[tilespmem:v7+s23+$0x0] =	vst.idx.msk $0xffff, v2  }
0x6b: {  	v2 =	vadd.s32 $0x83, v11;
	[tilespmem:v6+s23+$0x0] =	vst.idx.msk $0xffff, v4  }
0x6c: {  	[tilespmem:v5+s23+$0x0] =	vst.idx.msk $0xffff, v1  }
0x6d: {  	v1 =	vld.idx.msk [tilespmem:v12+s20+$0x0], $0xffff  }
0x6e: {  	v4 =	vadd.s32 $0x82, v11;
	v5 =	vld.idx.msk [tilespmem:v15+s20+$0x0], $0xffff  }
0x6f: {  	v6 =	vld.idx.msk [tilespmem:v14+s20+$0x0], $0xffff  }
0x70: {  	v7 =	vld.idx.msk [tilespmem:v13+s20+$0x0], $0xffff  }
0x71: {  	v3 =	vld.idx.msk [tilespmem:v3+s19+$0x0], $0xffff  }
0x72: {  	v8 =	vld.idx.msk [tilespmem:v8+s19+$0x0], $0xffff  }
0x73: {  	v4 =	vld.idx.msk [tilespmem:v4+s19+$0x0], $0xffff  }
0x74: {  	v9 =	vld.idx.msk [tilespmem:v2+s19+$0x0], $0xffff;
	_ =	sdelay $0x3  }
0x75: {  	v3 =	vmul.f32 v1, v3;
	v2 =	vmul.f32 v7, v8  }
0x76: {  	v4 =	vmul.f32 v6, v4  }
0x77: {  	v1 =	vmul.f32 v5, v9;
	v5 =	vadd.f32 v2, v3;
	_ =	sdelay $0x1  }
0x78: {  	v6 =	vadd.f32 v1, v4;
	_ =	sdelay $0x1  }
0x79: {  	v5 =	vadd.f32 v6, v5;
	_ =	sdelay $0x1  }
0x7a: {  	(erf) = vrcp.f32 v5;
	_ =	sdelay $0x4  }
.Ltmp5:
0x7b: {  	(pc) =	sbr.rel @p0 .LBB2_4-.Ltmp5, $4  }
0x7c: {  	v8 =	vshll.u32 v10, $0x2  }
0x7d: {  	v7 =	vor.u32 $0x1, v8  }
0x7e: {  	v6 =	vor.u32 $0x2, v8  }
0x7f: {  	v5 =	vor.u32 $0x3, v8;
	v9 =	vpop (erf)  }
0x80: {  	_ =	sdelay $0x1  }
0x81: {  	v10 =	vor.u32 s30, v0;
	v3 =	vmul.f32 v9, v3  }
0x82: {  	v2 =	vmul.f32 v9, v2;
	v11 =	vshll.u32 v10, $0x4  }
0x83: {  	v4 =	vmul.f32 v9, v4;
	v12 =	vor.u32 $0x3, v11;
	[tilespmem:v8+s23+$0x0] =	vst.idx.msk $0xffff, v3  }
0x84: {  	v1 =	vmul.f32 v9, v1;
	v3 =	vmul.u32 $0x90, v10;
	v56 =	vor.u32 $0x2, v11;
	[tilespmem:v7+s23+$0x0] =	vst.idx.msk $0xffff, v2  }
0x85: {  	v2 =	vor.u32 $0x1, v11;
	[tilespmem:v6+s23+$0x0] =	vst.idx.msk $0xffff, v4  }
0x86: {  	v4 =	vadd.s32 $0x80, v3;
	[tilespmem:v5+s23+$0x0] =	vst.idx.msk $0xffff, v1  }
0x87: {  	v6 =	vadd.s32 $0x82, v3;
	v5 =	vld.idx.msk [tilespmem:v11+s20+$0x0], $0xffff  }
0x88: {  	v1 =	vadd.s32 $0x81, v3;
	v7 =	vld.idx.msk [tilespmem:v12+s20+$0x0], $0xffff  }
0x89: {  	v3 =	vadd.s32 $0x83, v3;
	v8 =	vld.idx.msk [tilespmem:v56+s20+$0x0], $0xffff  }
0x8a: {  	v2 =	vld.idx.msk [tilespmem:v2+s20+$0x0], $0xffff  }
0x8b: {  	v4 =	vld.idx.msk [tilespmem:v4+s19+$0x0], $0xffff  }
0x8c: {  	v6 =	vld.idx.msk [tilespmem:v6+s19+$0x0], $0xffff  }
0x8d: {  	v1 =	vld.idx.msk [tilespmem:v1+s19+$0x0], $0xffff  }
0x8e: {  	v3 =	vld.idx.msk [tilespmem:v3+s19+$0x0], $0xffff;
	_ =	sdelay $0x3  }
0x8f: {  	v4 =	vmul.f32 v5, v4;
	v1 =	vmul.f32 v2, v1  }
0x90: {  	v2 =	vmul.f32 v8, v6;
	v3 =	vmul.f32 v7, v3;
	_ =	sdelay $0x1  }
0x91: {  	v5 =	vadd.f32 v1, v4;
	v6 =	vadd.f32 v3, v2;
	_ =	sdelay $0x1  }
0x92: {  	v5 =	vadd.f32 v6, v5;
	_ =	sdelay $0x1  }
0x93: {  	(erf) = vrcp.f32 v5;
	_ =	sdelay $0x6  }
0x94: {  	v5 =	vshll.u32 v10, $0x2  }
0x95: {  	v6 =	vor.u32 $0x1, v5  }
0x96: {  	v7 =	vor.u32 $0x2, v5;
	v57 =	vpop (erf)  }
0x97: {  	s0 =	simm.s32 $0x3;
	v58 =	vor.u32 $0x3, v5;
	v4 =	vmul.f32 v57, v4  }
0x98: {  	v59 =	vmov s0;
	v1 =	vmul.f32 v57, v1  }
0x99: {  	v2 =	vmul.f32 v57, v2;
	[tilespmem:v5+s23+$0x0] =	vst.idx.msk $0xffff, v4  }
0x9a: {  	s3 =	simm.s32 $0x1;
	v4 =	vmov s28;
	[tilespmem:v6+s23+$0x0] =	vst.idx.msk $0xffff, v1;
	v1 =	vmul.f32 v57, v3  }
0x9b: {  	v3 =	vand.u32 $0xFFFFFFFC, v4;
	v4 =	vmov s3;
	[tilespmem:v7+s23+$0x0] =	vst.idx.msk $0xffff, v2  }
0x9c: {  	s10 =	simm.s32 $0x2;
	v2 =	vbroadcast v3, $0x0;
	v3 =	vand.u32 $0xFFFFFFFD, v4;
	[tilespmem:v58+s23+$0x0] =	vst.idx.msk $0xffff, v1  }
0x9d: {  	s3 =	simm.s32 $0x1C0;
	v1 =	vbroadcast v3, $0x0;
	v3 =	vmov s10;
	v4 =	vld.idx.msk [tilespmem:v59+s23+$0x0], $0xffff  }
0x9e: {  	v3 =	vand.u32 $0xFFFFFFFE, v3;
	v5 =	vld [tilespmem:s3+$0xFFFFFFF0]  }
0x9f: {  	v6 =	vld [tilespmem:s3+$0xFFFFFFD0];
	v3 =	vbroadcast v3, $0x0  }
0xa0: {  	v7 =	vld [tilespmem:s3+$0xFFFFFFC0]  }
0xa1: {  	v60 =	vld [tilespmem:s3+$0xFFFFFFE0]  }
0xa2: {  	v2 =	vld.idx.msk [tilespmem:v2+s23+$0x0], $0xffff  }
0xa3: {  	v1 =	vld.idx.msk [tilespmem:v1+s23+$0x0], $0xffff  }
0xa4: {  	v9 =	vld [tilespmem:s3+$0x0]  }
0xa5: {  	v3 =	vld.idx.msk [tilespmem:v3+s23+$0x0], $0xffff  }
0xa6: {  	v61 =	vld [tilespmem:s3+$0x10]  }
0xa7: {  	v62 =	vld [tilespmem:s3+$0x20]  }
0xa8: {  	v63 =	vld [tilespmem:s3+$0x30];
	v7 =	vmul.f32 v7, v2;
	v8 =	vmul.f32 v60, v1  }
0xa9: {  	v2 =	vmul.f32 v6, v2;
	v1 =	vmul.f32 v5, v1  }
0xaa: {  	v5 =	vadd.f32 v8, v7;
	v6 =	vmul.f32 v9, v3  }
0xab: {  	v1 =	vadd.f32 v1, v2;
	v2 =	vmul.f32 v61, v3  }
0xac: {  	s31 =	simm.s32 $0x4;
	v3 =	vadd.f32 v6, v5;
	v5 =	vmul.f32 v62, v4  }
0xad: {  	s10 =	simm.s32 $0x7;
	v2 =	vadd.f32 v2, v1;
	v6 =	vmul.f32 v63, v4;
	v4 =	vmov s31  }
0xae: {  	s30 =	simm.s32 $0x5190;
	s28 =	simm.s32 $0x5;
	v1 =	vmov s10;
	v4 =	vand.u32 $0xFFFFFFFC, v4  }
0xaf: {  	s29 =	simm.s32 $0x250;
	s0 =	simm.s32 $0x8;
	v3 =	vadd.f32 v5, v3;
	v5 =	vmov s28;
	v2 =	vadd.f32 v6, v2;
	s28 =	simm.s32 $0x5190  }
.LBB2_6:
0xb0: {  	s3 =	sadd.s32 $0x2, s31  }
0xb1: {  	v4 =	vbroadcast v4, $0x0;
	v5 =	vand.u32 $0xFFFFFFFD, v5;
	[tilespmem:s30+$0xFFFFFFF0] =	vst v3;
	s28 =	sadd.s32 $0x20, s28;
	s31 =	smov.u32 s0;
	s10 =	sadd.s32 $0x4, s0  }
0xb2: {  	p0 =	sne.s32 s0, $0x1FC;
	v3 =	vbroadcast v5, $0x0;
	v5 =	vmov s3;
	[tilespmem:s30+$0x0] =	vst v2;
	s30 =	smov.u32 s28  }
0xb3: {  	v2 =	vand.u32 $0xFFFFFFFE, v5;
	v5 =	vld.idx.msk [tilespmem:v1+s23+$0x0], $0xffff  }
0xb4: {  	v1 =	vld [tilespmem:s29+$0xFFFFFFF0];
	v2 =	vbroadcast v2, $0x0  }
0xb5: {  	v6 =	vld [tilespmem:s29+$0xFFFFFFD0]  }
0xb6: {  	v7 =	vld [tilespmem:s29+$0xFFFFFFC0]  }
0xb7: {  	v4 =	vld.idx.msk [tilespmem:v4+s23+$0x0], $0xffff  }
0xb8: {  	v3 =	vld.idx.msk [tilespmem:v3+s23+$0x0], $0xffff  }
0xb9: {  	v8 =	vld [tilespmem:s29+$0xFFFFFFE0]  }
0xba: {  	v2 =	vld.idx.msk [tilespmem:v2+s23+$0x0], $0xffff  }
0xbb: {  	v9 =	vld [tilespmem:s29+$0x0]  }
0xbc: {  	v10 =	vld [tilespmem:s29+$0x10]  }
0xbd: {  	v7 =	vmul.f32 v7, v4;
	v4 =	vmul.f32 v6, v4;
	v6 =	vld [tilespmem:s29+$0x20]  }
0xbe: {  	v1 =	vmul.f32 v1, v3;
	v8 =	vmul.f32 v8, v3;
	v3 =	vld [tilespmem:s29+$0x30];
	_ =	sdelay $0x1  }
0xbf: {  	v4 =	vadd.f32 v1, v4;
	v7 =	vadd.f32 v8, v7;
	v1 =	vmul.f32 v9, v2  }
.Ltmp6:
0xc0: {  	v2 =	vmul.f32 v10, v2;
	(pc) =	sbr.rel @p0 .LBB2_6-.Ltmp6, $4  }
0xc1: {  	s0 =	sadd.s32 $0x3, s31;
	v7 =	vadd.f32 v1, v7;
	v6 =	vmul.f32 v6, v5  }
0xc2: {  	v1 =	vmov s0;
	v2 =	vadd.f32 v2, v4;
	v8 =	vmul.f32 v3, v5  }
0xc3: {  	s0 =	sadd.s32 $0x1, s31;
	v4 =	vmov s31;
	v3 =	vadd.f32 v6, v7  }
0xc4: {  	s29 =	sadd.s32 $0x90, s29;
	v5 =	vmov s0;
	s0 =	smov.u32 s10;
	v4 =	vand.u32 $0xFFFFFFFC, v4;
	v2 =	vadd.f32 v8, v2  }
0xc5: {  	_ =	sdelay $0x1  }
0xc6: {  	[tilespmem:s30+$0xFFFFFFF0] =	vst v3  }
0xc7: {  	v4 =	vbroadcast v4, $0x0;
	v5 =	vand.u32 $0xFFFFFFFD, v5;
	s0 =	sadd.s32 $0x2, s31;
	[tilespmem:s30+$0x0] =	vst v2  }
0xc8: {  	v3 =	vbroadcast v5, $0x0;
	v58 =	vmov s0;
	v1 =	vld.idx.msk [tilespmem:v1+s23+$0x0], $0xffff  }
0xc9: {  	v2 =	vand.u32 $0xFFFFFFFE, v58;
	v59 =	vld [tilespmem:s29+$0xFFFFFFF0]  }
0xca: {  	v6 =	vld [tilespmem:s29+$0xFFFFFFD0];
	v2 =	vbroadcast v2, $0x0  }
0xcb: {  	v7 =	vld [tilespmem:s29+$0xFFFFFFC0]  }
0xcc: {  	v8 =	vld [tilespmem:s29+$0xFFFFFFE0]  }
0xcd: {  	v4 =	vld.idx.msk [tilespmem:v4+s23+$0x0], $0xffff  }
0xce: {  	v3 =	vld.idx.msk [tilespmem:v3+s23+$0x0], $0xffff  }
0xcf: {  	v9 =	vld [tilespmem:s29+$0x0]  }
0xd0: {  	v2 =	vld.idx.msk [tilespmem:v2+s23+$0x0], $0xffff  }
0xd1: {  	v10 =	vld [tilespmem:s29+$0x10]  }
0xd2: {  	v11 =	vld [tilespmem:s29+$0x20]  }
0xd3: {  	v12 =	vld [tilespmem:s29+$0x30];
	v7 =	vmul.f32 v7, v4;
	v8 =	vmul.f32 v8, v3  }
0xd4: {  	v4 =	vmul.f32 v6, v4;
	v3 =	vmul.f32 v59, v3  }
0xd5: {  	v60 =	vadd.f32 v8, v7;
	v61 =	vmul.f32 v9, v2  }
0xd6: {  	v3 =	vadd.f32 v3, v4;
	v2 =	vmul.f32 v10, v2  }
0xd7: {  	v63 =	vmul.f32 v11, v1;
	v62 =	vadd.f32 v61, v60  }
0xd8: {  	v1 =	vmul.f32 v12, v1;
	v2 =	vadd.f32 v2, v3  }
0xd9: {  	v3 =	vadd.f32 v63, v62  }
0xda: {  	s31 =	sadd.s32 $0x20, s28;
	v1 =	vadd.f32 v1, v2  }
0xdb: {  	[tilespmem:s31+$0xFFFFFFF0] =	vst v3  }
.Ltmp7:
0xdc: {  	[tilespmem:s31+$0x0] =	vst v1;
	(pc) =	sbr.rel .LBB2_8-.Ltmp7, $4  }
0xdd: {  	[spmem:s2] =	stream.indirect.scatter.add.f32 [tilespmem:s16], [sflag:$0x3], $0x20, s24, s18, $0xb8;
	[tilespmem:$0xB280] =	vst v63  }
0xde: {  	_ =	swait.ge [sflag:s15], $0x1000  }
0xdf: {  	[sflag:s15] =	ssyncset.done $0x0  }
0xe0: {  	[sflag:s15] =	ssyncadd.s32 $0xFFFFF000  }
.LBB2_10:
0xe1: {  	_ =	sfence.sel $0x180000  }
0xe2: {  	[bflag:$0x0] =	sbarrier.arrive $0xFFFF  }
0xe3: {  	_ =	strace $0x9000004A  }
0xe4: {  	[bflag:$0x2] =	sbarrier.arrive $0xFFFF  }
0xe5: {  	p0 =	sne.s32 s1, $0x0;
	s0 =	rddreg [dreg:$0x2]  }
0xe6: {  	s0 =	sadd.s32 @!p0 $0x100000, s0  }
0xe7: {  	[sflag:s0] =	ssyncadd.tile.s32 @!p0 $0x1;
	_ =	shalt  }
.Lfunc_end2:
_tile_overlayer_lowered:
.L_overlay_start_2:
0xe8: {  	(tag) =	ssettag $0x2  }
0xe9: {  	s0 =	rddreg [dreg:$0x0];
	s2 =	stileid.u32  }
0xea: {  	s1 =	rddreg [dreg:$0x1];
	p0 =	sne.s32 s2, $0x0  }
0xeb: {  	s3 =	rddreg [dreg:$0x2];
	[bflag:$0x3] =	sbarrier.arrive $0xFFFF;
	s2 =	simm.s32 @!p0 $0x1C03  }
0xec: {  	[timem:s3], [sflag:s2] =	dma.local @!p0 [hbm:s0], s1  }
0xed: {  	s0 =	simm.s32 @!p0 $0x3  }
0xee: {  	_ =	swait.ge @!p0 [sflag:s0], s1  }
0xef: {  	s1 =	ssub.s32 @!p0 $0x0, s1;
	[sflag:s0] =	ssyncset.done @!p0 $0x0  }
0xf0: {  	[sflag:s0] =	ssyncadd.s32 @!p0 s1  }
0xf1: {  	[bflag:$0x3] =	sbarrier.arrive $0xFFFF  }
0xf2: {  	_ =	shalt  }

// kernel: kernel.15.cloned.1.call-start
scs
__scs_entry_jumppad:
0x0: {  	(pc) =	sbr.rel $0x88, $3  }
0x1: {  	(tag) =	ssettag $0x0;
	lr =	simm.s32 $0x1  }
0x2: {  	[smem:$0x3F87] =	sst lr;
	_ =	strace $0xD0000000  }
0x3: {  	_ = 	snop  }
0x4: {  	_ = 	snop  }
0x5: {  	_ = 	snop  }
0x6: {  	_ = 	snop  }
0x7: {  	_ = 	snop  }
__scs_overlays_trampoline_lowered:
0x8: {  	[smem:$0x3F96] =	sst s0  }
0x9: {  	[smem:$0x3F97] =	sst s1  }
0xa: {  	[smem:$0x3F98] =	sst s2  }
0xb: {  	[smem:$0x3F99] =	sst s3  }
0xc: {  	[smem:$0x3F9A] =	sst s4  }
0xd: {  	[smem:$0x3F9B] =	sst s5  }
0xe: {  	[smem:$0x3F9C] =	sst s6  }
0xf: {  	[smem:$0x3F9D] =	sst s7  }
0x10: {  	[smem:$0x3F9E] =	sst s8  }
0x11: {  	[smem:$0x3F9F] =	sst s9;
	s0 =	simm.s32 @!p0 $0x0  }
0x12: {  	s1 =	sld [smem:$0x3F85];
	s0 =	simm.s32 @p0 $0x1  }
0x13: {  	[smem:$0x3FA0] =	sst s0;
	s0 =	simm.s32 @!p1 $0x0  }
0x14: {  	s2 =	sld [smem:$0x3F84];
	s0 =	simm.s32 @p1 $0x1  }
0x15: {  	[smem:$0x3FA1] =	sst s0;
	s0 =	simm.s32 @!p2 $0x0  }
0x16: {  	s3 =	sld [smem:$0x3FDB];
	s0 =	simm.s32 @p2 $0x1  }
0x17: {  	s4 =	simm.s32 $0x1BF5;
	[smem:$0x3FA3] =	sst s0  }
0x18: {  	s0 =	sld [smem:$0x3F86];
	_ =	swait.ge [sflag:s4], $0x0  }
0x19: {  	s7 =	sld [smem:$0x3F87]  }
0x1a: {  	s8 =	sadd.s32 $0xFFFFE003, lr  }
0x1b: {  	s9 =	sadd.s32 $0xFFFFFEF7, lr;
	s5 =	simm.s32 $0xFFFFFFFF;
	p2 =	slt.u32 s8, $0xFFFFF086  }
0x1c: {  	p1 =	slt.u32 s9, $0xF7A;
	s5 =	simm.s32 @!p2 $0x0  }
0x1d: {  	s5 =	simm.s32 @p1 $0x1;
	p0 =	seq.s32 s7, s2  }
0x1e: {  	s7 =	smul.u32 @!p0 $0xF7A, s2;
	p2 =	seq.s32 @!p0 s5, $0x0  }
0x1f: {  	s9 =	smul.u32 $0xF7A, s1;
	s8 =	simm.s32 @!p0 $0x1BF5;
	p2 =	por !p2, p0  }
0x20: {  	[sflag:s8] =	ssyncset.s32 @!p0 $0xFFFFF086;
	s6 =	sadd.s32 @!p0 s3, s7;
	s7 =	simm.s32 @!p0 $0x108  }
0x21: {  	s3 =	sadd.s32 s3, s9;
	s6 =	sadd.s32 @!p0 $0x88, s6;
	s7 =	simm.s32 @p2 $0x1082  }
0x22: {  	[simem:s7], [sflag:s8] =	dma.local @!p0 [hbm:s6], $0xF7A  }
0x23: {  	s9 =	sor.u32 $0xD0000000, s2;
	s6 =	simm.s32 $0x108;
	_ =	swait.ge @!p0 [sflag:s8], $0x0  }
0x24: {  	s3 =	sadd.s32 $0x88, s3;
	s6 =	simm.s32 @!p1 $0x1082;
	[sflag:s4] =	ssyncset.s32 $0xFFFFF086  }
0x25: {  	[simem:s6], [sflag:s4] =	dma.local [hbm:s3], $0xF7A  }
0x26: {  	[smem:$0x3F87] =	sst s1;
	(tag) =	ssettag s2;
	_ =	strace s9  }
0x27: {  	s1 =	sld [smem:$0x3F97]  }
0x28: {  	s2 =	sld [smem:$0x3F98]  }
0x29: {  	s4 =	sld [smem:$0x3F9A]  }
0x2a: {  	p0 =	seq.s32 s5, $0x0;
	s5 =	sld [smem:$0x3F9B]  }
0x2b: {  	s6 =	sld [smem:$0x3F9C]  }
0x2c: {  	s7 =	sld [smem:$0x3F9D]  }
0x2d: {  	s3 =	simm.s32 $0x108;
	s8 =	sld [smem:$0x3F9E]  }
0x2e: {  	s3 =	simm.s32 @!p0 $0x1082;
	s9 =	sld [smem:$0x3F9F]  }
0x2f: {  	lr =	sadd.s32 s0, s3;
	s0 =	sld [smem:$0x3F96]  }
0x30: {  	s3 =	sld [smem:$0x3F99]  }
0x31: {  	[smem:$0x3FA2] =	sst s10  }
0x32: {  	s10 =	sld [smem:$0x3FA0];
	_ =	sdelay $0x3  }
0x33: {  	p0 =	seq.s32 s10, $0x1;
	s10 =	sld [smem:$0x3FA2];
	_ =	sdelay $0x3  }
0x34: {  	[smem:$0x3FA2] =	sst s10  }
0x35: {  	s10 =	sld [smem:$0x3FA1];
	_ =	sdelay $0x3  }
0x36: {  	p1 =	seq.s32 s10, $0x1;
	s10 =	sld [smem:$0x3FA2];
	_ =	sdelay $0x3  }
0x37: {  	[smem:$0x3FA2] =	sst s10  }
0x38: {  	s10 =	sld [smem:$0x3FA3]  }
0x39: {  	_ = 	snop;
	(pc) =	sbr.ind lr, $3  }
0x3a: {  	_ = 	snop  }
0x3b: {  	_ = 	snop  }
0x3c: {  	p2 =	seq.s32 s10, $0x1;
	s10 =	sld [smem:$0x3FA2]  }
0x3d: {  	_ =	shalt  }
0x3e: {  	_ =	shalt  }
0x3f: {  	_ =	shalt  }
0x40: {  	_ =	shalt  }
0x41: {  	_ =	shalt  }
0x42: {  	_ =	shalt  }
0x43: {  	_ =	shalt  }
0x44: {  	_ =	shalt  }
0x45: {  	_ =	shalt  }
0x46: {  	_ =	shalt  }
0x47: {  	_ =	shalt  }
0x48: {  	_ =	shalt  }
0x49: {  	_ =	shalt  }
0x4a: {  	_ =	shalt  }
0x4b: {  	_ =	shalt  }
0x4c: {  	_ =	shalt  }
0x4d: {  	_ =	shalt  }
0x4e: {  	_ =	shalt  }
0x4f: {  	_ =	shalt  }
0x50: {  	_ =	shalt  }
0x51: {  	_ =	shalt  }
0x52: {  	_ =	shalt  }
0x53: {  	_ =	shalt  }
0x54: {  	_ =	shalt  }
0x55: {  	_ =	shalt  }
0x56: {  	_ =	shalt  }
0x57: {  	_ =	shalt  }
0x58: {  	_ =	shalt  }
0x59: {  	_ =	shalt  }
0x5a: {  	_ =	shalt  }
0x5b: {  	_ =	shalt  }
0x5c: {  	_ =	shalt  }
0x5d: {  	_ =	shalt  }
0x5e: {  	_ =	shalt  }
0x5f: {  	_ =	shalt  }
0x60: {  	_ =	shalt  }
0x61: {  	_ =	shalt  }
0x62: {  	_ =	shalt  }
0x63: {  	_ =	shalt  }
0x64: {  	_ =	shalt  }
0x65: {  	_ =	shalt  }
0x66: {  	_ =	shalt  }
0x67: {  	_ =	shalt  }
0x68: {  	_ =	shalt  }
0x69: {  	_ =	shalt  }
0x6a: {  	_ =	shalt  }
0x6b: {  	_ =	shalt  }
0x6c: {  	_ =	shalt  }
0x6d: {  	_ =	shalt  }
0x6e: {  	_ =	shalt  }
0x6f: {  	_ =	shalt  }
0x70: {  	_ =	shalt  }
0x71: {  	_ =	shalt  }
0x72: {  	_ =	shalt  }
0x73: {  	_ =	shalt  }
0x74: {  	_ =	shalt  }
0x75: {  	_ =	shalt  }
0x76: {  	_ =	shalt  }
0x77: {  	_ =	shalt  }
0x78: {  	_ =	shalt  }
0x79: {  	_ =	shalt  }
0x7a: {  	_ =	shalt  }
0x7b: {  	_ =	shalt  }
0x7c: {  	_ =	shalt  }
0x7d: {  	_ =	shalt  }
0x7e: {  	_ =	shalt  }
0x7f: {  	_ =	shalt  }
0x80: {  	_ =	shalt  }
0x81: {  	_ =	shalt  }
0x82: {  	_ =	shalt  }
0x83: {  	_ =	shalt  }
0x84: {  	_ =	shalt  }
0x85: {  	_ =	shalt  }
0x86: {  	_ =	shalt  }
0x87: {  	_ =	shalt  }
.Lfunc_end0:
.L_simem_size_0:
called_computation.2_lowered:
.L_overlay_start_0:
0x88: {  	s2 =	sld [smem:$0x3FD9]  }
0x89: {  	s3 =	sld [smem:$0x3FFE];
	_ =	sdelay $0x1  }
0x8a: {  	s1 =	srdreg.scid  }
0x8b: {  	s0 =	sand.u32 $0x1, s1  }
0x8c: {  	s16 =	sshll.u32 s0, $0xA;
	s2 =	sadd.s32 s3, s2  }
0x8d: {  	s2 =	sadd.s32 s2, s16  }
0x8e: {  	[smem:$0x3FAE] =	sst s2  }
0x8f: {  	_ = 	snop  }
0x90: {  	(tm) =	ssettm $0x1  }
0x91: {  	s17 =	sld [smem:$0x3FFB];
	_ =	sdelay $0x3  }
0x92: {  	_ =	strace s17  }
0x93: {  	s2 =	sld [smem:$0x3FFC];
	_ =	sdelay $0x3  }
0x94: {  	_ =	strace s2  }
0x95: {  	s2 =	sld [smem:$0x3FFD];
	_ =	sdelay $0x3  }
0x96: {  	_ =	strace s2  }
0x97: {  	_ =	strace $0x8FFFFFFF  }
0x98: {  	s18 =	sld [smem:$0x3FDB];
	_ =	sdelay $0x1  }
0x99: {  	s19 =	simm.s32 $_scs_section_size  }
0x9a: {  	s4 =	simm.s32 $_size__tile_overlayer_lowered;
	s5 =	simm.s32 $_tile_overlayer_lowered  }
0x9b: {  	s22 =	simm.s32 $0x1BFF;
	s21 =	sshll.u32 s5, $0x1;
	s2 =	sadd.s32 s19, s18  }
0x9c: {  	s6 =	simm.s32 $0x0;
	s20 =	sshll.u32 s4, $0x1;
	s4 =	sadd.s32 s21, s2  }
0x9d: {  	[timem:s6], [sflag:s22] =	dma.local [hbm:s4], s20  }
0x9e: {  	_ =	swait.ge [sflag:s22], s20  }
0x9f: {  	s3 =	ssub.s32 $0x0, s20;
	[sflag:s22] =	ssyncset.done $0x0  }
0xa0: {  	[sflag:s22] =	ssyncadd.s32 s3;
	_ =	sdelay $0x1  }
0xa1: {  	s23 =	simm.s32 $0x1B8B  }
0xa2: {  	_ =	swait.ge [sflag:s23], $0x1  }
0xa3: {  	[sflag:s23] =	ssyncset.done $0x0  }
0xa4: {  	s25 =	simm.s32 $0x1B8E;
	s24 =	sld [smem:$0x3FFE];
	[sflag:s23] =	ssyncadd.s32 $0xFFFFFFFF  }
0xa5: {  	s26 =	simm.s32 $execute0_lowered;
	[smem:$0x3FD2] =	sst s25  }
0xa6: {  	s4 =	sshll.u32 s26, $0x1;
	_ =	strace $0x8000004C;
	[dreg:$0x1] =	wrdreg $0xFFFFFFFF  }
0xa7: {  	s28 =	simm.s32 $_size_execute0_lowered;
	s2 =	sadd.s32 s2, s4;
	[dreg:$0x0] =	wrdreg $0x0  }
0xa8: {  	s4 =	sshll.u32 s28, $0x1;
	[dreg:$0x2] =	wrdreg s2  }
0xa9: {  	[dreg:$0x3] =	wrdreg s4  }
0xaa: {  	[dreg:$0x4] =	wrdreg $0xC0  }
0xab: {  	_ =	task [dreg:s6], $0x5FFFF  }
0xac: {  	[dreg:$0x1] =	wrdreg $0xFFFFFFFF  }
0xad: {  	[dreg:$0x0] =	wrdreg $0x60  }
0xae: {  	[dreg:$0x2] =	wrdreg s24  }
0xaf: {  	[dreg:$0x3] =	wrdreg $0xB3800  }
0xb0: {  	[dreg:$0x4] =	wrdreg $0x9  }
0xb1: {  	_ =	task.clear_ibuf [dreg:s6], $0x5FFFF;
	_ =	strace $0x9000004C  }
0xb2: {  	s29 =	simm.s32 $0x9;
	_ =	strace $0x8000004E  }
0xb3: {  	_ =	swait.ge [sflag:s29], $0x1  }
0xb4: {  	[sflag:s29] =	ssyncadd.s32 $0xFFFFFFFF  }
0xb5: {  	_ =	strace $0x9000004E  }
0xb6: {  	_ =	sfence  }
0xb7: {  	s30 =	sld [smem:$0x0];
	_ =	sdelay $0x2  }
0xb8: {  	s31 =	sshll.u32 s1, $0xD;
	s1 =	sshrl.u32 s1, $0x2  }
0xb9: {  	s3 =	sand.u32 $0x4000, s31;
	s1 =	sadd.s32 s1, s30  }
0xba: {  	s0 =	sor.u32 s3, s0;
	s1 =	sshll.u32 s1, $0x11  }
0xbb: {  	s0 =	sor.u32 s1, s0  }
0xbc: {  	s0 =	sadd.s32 $0x8F2B, s0  }
0xbd: {  	[sflag:s0] =	ssyncadd.remote.s32 $0x1  }
0xbe: {  	_ =	sfence.sel $0xFFFF  }
0xbf: {  	[dreg:$0x0] =	wrdreg $0xFFFFFFFF;
	(pc) =	sbr.abs _section_cstart, $3  }
0xc0: {  	[dreg:$0x1] =	wrdreg $0xFFFFFFFF  }
0xc1: {  	_ =	task.clear_ibuf [dreg:s6], $0x2FFFF;
	_ =	strace $0x9FFFFFFF  }
0xc2: {  	(tm) =	ssettm $0x7FFFFFFF  }
0xc3: {  	_ =	shalt  }
tec
execute0_lowered:
.L_overlay_start_1:
0x0: {  	(tag) =	ssettag $0x1  }
0x1: {  	s0 =	rddreg [dreg:$0x0]  }
0x2: {  	s2 =	rddreg [dreg:$0x1]  }
0x3: {  	s4 =	srdreg.scid;
	s1 =	stileid.u32  }
0x4: {  	s3 =	simm.s32 $0x0;
	s15 =	simm.s32 $0x3;
	s16 =	simm.s32 $0x9180  }
0x5: {  	s17 =	simm.s32 $0x4;
	s18 =	simm.s32 $0x80;
	s19 =	simm.s32 $0x180  }
0x6: {  	s20 =	simm.s32 $0x8980;
	s21 =	simm.s32 $0x1;
	s22 =	simm.s32 $0x2  }
0x7: {  	s23 =	simm.s32 $0xB180;
	s24 =	simm.s32 $0x100;
	s25 =	simm.s32 $0x0  }
0x8: {  	s9 =	sand.u32 $0x1, s4;
	s10 =	smul.u32 $0x9E00, s1;
	[smem:$0x7FF] =	sst s3  }
0x9: {  	s4 =	sadd.s32 $0x10200, s0;
	s5 =	sadd.s32 $0x6400, s0;
	s6 =	sadd.s32 $0xEDC00, s0  }
0xa: {  	s31 =	sshll.u32 s1, $0x6;
	s7 =	smul.u32 $0x9E000, s9;
	s12 =	ssub.s32 $0x2, s9  }
0xb: {  	_ =	strace $0x8000004D;
	s9 =	sshll.u32 s9, $0x4;
	s28 =	sshrl.u32 s12, $0x1  }
.Ltmp0:
0xc: {  	s29 =	sshrl.u32 s10, $0x3;
	s14 =	sadd.s32 s10, s2;
	(pc) =	sbr.rel .LBB2_1-.Ltmp0, $4  }
0xd: {  	s8 =	sadd.s32 s10, s7;
	s7 =	sadd.s32 $0x600, s0;
	s13 =	ssub.s32 s12, s28  }
0xe: {  	s14 =	sshrl.u32 s14, $0x3;
	s11 =	sshrl.u32 s8, $0x3;
	s8 =	sadd.s32 $0xC6A00, s0  }
0xf: {  	s13 =	smax.u32 s13, $0x1;
	s0 =	sadd.s32 s11, s0;
	s30 =	sadd.s32 s8, s29  }
0x10: {  	v0 =	vlaneseq.u32;
	s11 =	sor.u32 $0x1C03, s31;
	[dreg:$0x3] =	wrdreg s30;
	s12 =	sadd.s32 $0x41200, s0  }
.LBB2_9:
0x11: {  	s25 =	sadd.s32 $0x1, s25  }
0x12: {  	p0 =	sne.s32 s25, s13  }
.Ltmp1:
0x13: {  	[bflag:$0x0] =	sbarrier.arrive $0xFFFF;
	(pc) =	sbr.rel @!p0 .LBB2_10-.Ltmp1, $4  }
0x14: {  	[hbm:s12], [sflag:s11] =	dma.local [spmem:s14], $0x13C0  }
0x15: {  	_ =	swait.ge [sflag:s15], $0x13C0  }
0x16: {  	[sflag:s15] =	ssyncset.done $0x0  }
0x17: {  	[sflag:s15] =	ssyncadd.s32 $0xFFFFEC40  }
.LBB2_1:
0x18: {  	s0 =	rddreg [dreg:$0x3]  }
0x19: {  	[spmem:s14], [sflag:s11] =	dma.local [hbm:s0], $0x13C0  }
0x1a: {  	_ =	swait.ge [sflag:s15], $0x13C0  }
0x1b: {  	[sflag:s15] =	ssyncset.done $0x0  }
0x1c: {  	s31 =	simm.s32 $0x0;
	[sflag:s15] =	ssyncadd.s32 $0xFFFFEC40  }
0x1d: {  	[tilespmem:s16], [sflag:$0x3] =	stream.linear.gather [hbm4b:s8+s31], $0x2000, $0x38;
	[tilespmem:$0x15180] =	vst v63  }
.Ltmp2:
0x1e: {  	_ =	swait.ge [sflag:s15], $0x2000;
	(pc) =	sbr.rel .LBB2_2-.Ltmp2, $4  }
0x1f: {  	[sflag:s15] =	ssyncset.done $0x0  }
0x20: {  	[sflag:s15] =	ssyncadd.s32 $0xFFFFE000  }
0x21: {  	[bflag:$0x0] =	sbarrier.arrive $0xFFFF  }
0x22: {  	s26 =	simm.s32 $0x0  }
.LBB2_8:
0x23: {  	s26 =	sadd.s32 $0x1, s26  }
0x24: {  	p0 =	sne.s32 s26, $0x4F  }
.Ltmp3:
0x25: {  	_ = 	snop;
	(pc) =	sbr.rel @!p0 .LBB2_9-.Ltmp3, $1  }
0x26: {  	_ =	sdelay $0x3  }
.LBB2_2:
0x27: {  	s0 =	sshll.u32 s26, $0x5  }
0x28: {  	s0 =	sor.u32 s0, s9  }
0x29: {  	s0 =	sor.u32 s1, s0  }
0x2a: {  	p0 =	sgt.u32 s0, $0x9C3  }
.Ltmp4:
0x2b: {  	_ = 	snop;
	(pc) =	sbr.rel @p0 .LBB2_8-.Ltmp4, $1  }
0x2c: {  	_ =	sdelay $0x3  }
0x2d: {  	s0 =	sshll.u32 s0, $0x4  }
0x2e: {  	s28 =	simm.s32 $0x0;
	s29 =	sadd.s32 s4, s0  }
0x2f: {  	[tilespmem:s28], [sflag:$0x4] =	stream.linear.gather [hbm4b:s29+s28], $0x80, $0x38;
	[tilespmem:$0x15180] =	vst v63  }
0x30: {  	_ =	swait.ge [sflag:s17], $0x80  }
0x31: {  	[sflag:s17] =	ssyncset.done $0x0  }
0x32: {  	s0 =	sadd.s32 s5, s0;
	[sflag:s17] =	ssyncadd.s32 $0xFFFFFF80  }
0x33: {  	[tilespmem:s18], [sflag:$0x4] =	stream.linear.gather [hbm4b:s0+s28], $0x80, $0x38;
	[tilespmem:$0x15180] =	vst v63  }
0x34: {  	_ =	swait.ge [sflag:s17], $0x80  }
0x35: {  	[sflag:s17] =	ssyncset.done $0x0  }
0x36: {  	[sflag:s17] =	ssyncadd.s32 $0xFFFFFF80  }
0x37: {  	[tilespmem:s19], [sflag:$0x1] =	stream.indirect.gather [hbm4b:s6+s18], $0x110, s28, s18, $0xb8;
	[tilespmem:$0x15180] =	vst v63  }
0x38: {  	_ = 	snop  }
0x39: {  	[tilespmem:s20], [sflag:$0x2] =	stream.indirect.gather [hbm4b:s7+s18], $0x10, s18, s18, $0xb8;
	[tilespmem:$0x15180] =	vst v63  }
0x3a: {  	v1 =	vld [tilespmem:$0x0]  }
0x3b: {  	v2 =	vld [tilespmem:$0x80]  }
0x3c: {  	v3 =	vld [tilespmem:$0x10]  }
0x3d: {  	v4 =	vld [tilespmem:$0x90]  }
0x3e: {  	v5 =	vld [tilespmem:$0x20]  }
0x3f: {  	v6 =	vld [tilespmem:$0xA0]  }
0x40: {  	v7 =	vld [tilespmem:$0x30]  }
0x41: {  	v8 =	vld [tilespmem:$0xB0]  }
0x42: {  	v9 =	vld [tilespmem:$0x40]  }
0x43: {  	v10 =	vld [tilespmem:$0xC0]  }
0x44: {  	v11 =	vld [tilespmem:$0x50]  }
0x45: {  	v12 =	vld [tilespmem:$0xD0]  }
0x46: {  	v13 =	vld [tilespmem:$0x60]  }
0x47: {  	vm0 =	veq.s32 v1, v2;
	v1 =	vld [tilespmem:$0xE0]  }
0x48: {  	vm9 =	veq.s32 v3, v4;
	v3 =	vld [tilespmem:$0x70];
	v2 =	vsel vm0, $0x2710, v2  }
0x49: {  	vm10 =	veq.s32 v5, v6;
	[tilespmem:$0x100] =	vst v2;
	v2 =	vsel vm9, $0x2710, v4;
	v4 =	vld [tilespmem:$0xF0]  }
0x4a: {  	vm11 =	veq.s32 v7, v8;
	[tilespmem:$0x110] =	vst v2;
	v2 =	vsel vm10, $0x2710, v6  }
0x4b: {  	vm12 =	veq.s32 v9, v10;
	[tilespmem:$0x120] =	vst v2;
	v2 =	vsel vm11, $0x2710, v8  }
0x4c: {  	vm13 =	veq.s32 v11, v12;
	[tilespmem:$0x130] =	vst v2;
	v2 =	vsel vm12, $0x2710, v10  }
0x4d: {  	vm14 =	veq.s32 v13, v1;
	[tilespmem:$0x140] =	vst v2;
	v2 =	vsel vm13, $0x2710, v12  }
0x4e: {  	v1 =	vsel vm14, $0x2710, v1;
	[tilespmem:$0x150] =	vst v2;
	vm15 =	veq.s32 v3, v4  }
0x4f: {  	[tilespmem:$0x160] =	vst v1;
	v1 =	vsel vm15, $0x2710, v4  }
0x50: {  	[tilespmem:$0x170] =	vst v1  }
0x51: {  	v5 =	vor.u32 s28, v0;
	_ =	swait.ge [sflag:s21], $0x8800  }
0x52: {  	v1 =	vshll.u32 v5, $0x4;
	[sflag:s21] =	ssyncset.done $0x0  }
0x53: {  	v2 =	vor.u32 $0x3, v1;
	[sflag:s21] =	ssyncadd.s32 $0xFFFF7800  }
0x54: {  	v3 =	vmul.u32 $0x110, v5;
	v4 =	vor.u32 $0x2, v1;
	_ =	swait.ge [sflag:s22], $0x800  }
0x55: {  	v6 =	vor.u32 $0x1, v1;
	[sflag:s22] =	ssyncset.done $0x0  }
0x56: {  	v7 =	vadd.s32 $0x100, v3;
	[sflag:s22] =	ssyncadd.s32 $0xFFFFF800  }
0x57: {  	v8 =	vadd.s32 $0x101, v3;
	v1 =	vld.idx.msk [tilespmem:v1+s20+$0x0], $0xffff  }
0x58: {  	v9 =	vadd.s32 $0x102, v3;
	v10 =	vld.idx.msk [tilespmem:v2+s20+$0x0], $0xffff  }
0x59: {  	v2 =	vadd.s32 $0x103, v3;
	v4 =	vld.idx.msk [tilespmem:v4+s20+$0x0], $0xffff  }
0x5a: {  	v6 =	vld.idx.msk [tilespmem:v6+s20+$0x0], $0xffff  }
0x5b: {  	v3 =	vld.idx.msk [tilespmem:v7+s19+$0x0], $0xffff  }
0x5c: {  	v7 =	vld.idx.msk [tilespmem:v8+s19+$0x0], $0xffff  }
0x5d: {  	v8 =	vld.idx.msk [tilespmem:v9+s19+$0x0], $0xffff  }
0x5e: {  	v9 =	vld.idx.msk [tilespmem:v2+s19+$0x0], $0xffff;
	_ =	sdelay $0x3  }
0x5f: {  	v3 =	vmul.f32 v1, v3;
	v2 =	vmul.f32 v6, v7  }
0x60: {  	v4 =	vmul.f32 v4, v8;
	v1 =	vmul.f32 v10, v9;
	_ =	sdelay $0x1  }
0x61: {  	v6 =	vadd.f32 v2, v3;
	v7 =	vadd.f32 v1, v4;
	_ =	sdelay $0x1  }
0x62: {  	v6 =	vadd.f32 v7, v6;
	_ =	sdelay $0x1  }
0x63: {  	(erf) = vrcp.f32 v6;
	_ =	sdelay $0x6  }
0x64: {  	v8 =	vshll.u32 v5, $0x2  }
0x65: {  	v7 =	vor.u32 $0x1, v8  }
0x66: {  	s29 =	simm.s32 $0x10;
	s0 =	simm.s32 $0x20;
	v5 =	vor.u32 $0x3, v8;
	v6 =	vor.u32 $0x2, v8;
	v9 =	vpop (erf)  }
.LBB2_4:
0x67: {  	p0 =	sne.s32 s0, $0x70;
	v10 =	vor.u32 s29, v0;
	v3 =	vmul.f32 v9, v3;
	v4 =	vmul.f32 v9, v4;
	s29 =	smov.u32 s0;
	s0 =	sadd.s32 $0x10, s0  }
0x68: {  	v2 =	vmul.f32 v9, v2;
	v11 =	vmul.u32 $0x110, v10;
	v12 =	vshll.u32 v10, $0x4  }
0x69: {  	v13 =	vor.u32 $0x1, v12;
	v14 =	vor.u32 $0x2, v12;
	v15 =	vor.u32 $0x3, v12;
	[tilespmem:v8+s23+$0x0] =	vst.idx.msk $0xffff, v3  }
0x6a: {  	v1 =	vmul.f32 v9, v1;
	v3 =	vadd.s32 $0x100, v11;
	v8 =	vadd.s32 $0x101, v11;
	[tilespmem:v7+s23+$0x0] =	vst.idx.msk $0xffff, v2  }
0x6b: {  	v2 =	vadd.s32 $0x103, v11;
	[tilespmem:v6+s23+$0x0] =	vst.idx.msk $0xffff, v4  }
0x6c: {  	[tilespmem:v5+s23+$0x0] =	vst.idx.msk $0xffff, v1  }
0x6d: {  	v1 =	vld.idx.msk [tilespmem:v12+s20+$0x0], $0xffff  }
0x6e: {  	v4 =	vadd.s32 $0x102, v11;
	v5 =	vld.idx.msk [tilespmem:v15+s20+$0x0], $0xffff  }
0x6f: {  	v6 =	vld.idx.msk [tilespmem:v14+s20+$0x0], $0xffff  }
0x70: {  	v7 =	vld.idx.msk [tilespmem:v13+s20+$0x0], $0xffff  }
0x71: {  	v3 =	vld.idx.msk [tilespmem:v3+s19+$0x0], $0xffff  }
0x72: {  	v8 =	vld.idx.msk [tilespmem:v8+s19+$0x0], $0xffff  }
0x73: {  	v4 =	vld.idx.msk [tilespmem:v4+s19+$0x0], $0xffff  }
0x74: {  	v9 =	vld.idx.msk [tilespmem:v2+s19+$0x0], $0xffff;
	_ =	sdelay $0x3  }
0x75: {  	v3 =	vmul.f32 v1, v3;
	v2 =	vmul.f32 v7, v8  }
0x76: {  	v4 =	vmul.f32 v6, v4  }
0x77: {  	v1 =	vmul.f32 v5, v9;
	v5 =	vadd.f32 v2, v3;
	_ =	sdelay $0x1  }
0x78: {  	v6 =	vadd.f32 v1, v4;
	_ =	sdelay $0x1  }
0x79: {  	v5 =	vadd.f32 v6, v5;
	_ =	sdelay $0x1  }
0x7a: {  	(erf) = vrcp.f32 v5;
	_ =	sdelay $0x4  }
.Ltmp5:
0x7b: {  	(pc) =	sbr.rel @p0 .LBB2_4-.Ltmp5, $4  }
0x7c: {  	v8 =	vshll.u32 v10, $0x2  }
0x7d: {  	v7 =	vor.u32 $0x1, v8  }
0x7e: {  	v6 =	vor.u32 $0x2, v8  }
0x7f: {  	v5 =	vor.u32 $0x3, v8;
	v9 =	vpop (erf)  }
0x80: {  	_ =	sdelay $0x1  }
0x81: {  	v10 =	vor.u32 s29, v0;
	v3 =	vmul.f32 v9, v3  }
0x82: {  	v2 =	vmul.f32 v9, v2;
	v11 =	vshll.u32 v10, $0x4  }
0x83: {  	v4 =	vmul.f32 v9, v4;
	v12 =	vor.u32 $0x3, v11;
	[tilespmem:v8+s23+$0x0] =	vst.idx.msk $0xffff, v3  }
0x84: {  	v1 =	vmul.f32 v9, v1;
	v3 =	vmul.u32 $0x110, v10;
	v8 =	vor.u32 $0x2, v11;
	[tilespmem:v7+s23+$0x0] =	vst.idx.msk $0xffff, v2  }
0x85: {  	v2 =	vor.u32 $0x1, v11;
	[tilespmem:v6+s23+$0x0] =	vst.idx.msk $0xffff, v4  }
0x86: {  	v4 =	vadd.s32 $0x100, v3;
	[tilespmem:v5+s23+$0x0] =	vst.idx.msk $0xffff, v1  }
0x87: {  	v6 =	vadd.s32 $0x102, v3;
	v5 =	vld.idx.msk [tilespmem:v11+s20+$0x0], $0xffff  }
0x88: {  	v1 =	vadd.s32 $0x101, v3;
	v7 =	vld.idx.msk [tilespmem:v12+s20+$0x0], $0xffff  }
0x89: {  	v3 =	vadd.s32 $0x103, v3;
	v8 =	vld.idx.msk [tilespmem:v8+s20+$0x0], $0xffff  }
0x8a: {  	v2 =	vld.idx.msk [tilespmem:v2+s20+$0x0], $0xffff  }
0x8b: {  	v4 =	vld.idx.msk [tilespmem:v4+s19+$0x0], $0xffff  }
0x8c: {  	v6 =	vld.idx.msk [tilespmem:v6+s19+$0x0], $0xffff  }
0x8d: {  	v1 =	vld.idx.msk [tilespmem:v1+s19+$0x0], $0xffff  }
0x8e: {  	v3 =	vld.idx.msk [tilespmem:v3+s19+$0x0], $0xffff;
	_ =	sdelay $0x3  }
0x8f: {  	v4 =	vmul.f32 v5, v4;
	v1 =	vmul.f32 v2, v1  }
0x90: {  	v2 =	vmul.f32 v8, v6;
	v3 =	vmul.f32 v7, v3;
	_ =	sdelay $0x1  }
0x91: {  	v5 =	vadd.f32 v1, v4;
	v6 =	vadd.f32 v3, v2;
	_ =	sdelay $0x1  }
0x92: {  	v5 =	vadd.f32 v6, v5;
	_ =	sdelay $0x1  }
0x93: {  	(erf) = vrcp.f32 v5;
	_ =	sdelay $0x6  }
0x94: {  	v5 =	vshll.u32 v10, $0x2  }
0x95: {  	v6 =	vor.u32 $0x1, v5  }
0x96: {  	v7 =	vor.u32 $0x2, v5;
	v8 =	vpop (erf)  }
0x97: {  	v9 =	vor.u32 $0x3, v5;
	v4 =	vmul.f32 v8, v4  }
0x98: {  	v1 =	vmul.f32 v8, v1  }
0x99: {  	v2 =	vmul.f32 v8, v2;
	[tilespmem:v5+s23+$0x0] =	vst.idx.msk $0xffff, v4  }
0x9a: {  	[tilespmem:v6+s23+$0x0] =	vst.idx.msk $0xffff, v1;
	v1 =	vmul.f32 v8, v3  }
0x9b: {  	s0 =	simm.s32 $0x1;
	s3 =	simm.s32 $0x2;
	[tilespmem:v7+s23+$0x0] =	vst.idx.msk $0xffff, v2  }
0x9c: {  	s29 =	simm.s32 $0x200;
	v5 =	vmov s3;
	v2 =	vmov s0;
	[tilespmem:v9+s23+$0x0] =	vst.idx.msk $0xffff, v1  }
0x9d: {  	s10 =	simm.s32 $0x3;
	v3 =	vmov s28;
	v5 =	vand.u32 $0xFFFFFFFE, v5;
	v2 =	vand.u32 $0xFFFFFFFD, v2;
	v1 =	vld [tilespmem:s29+$0x70]  }
0x9e: {  	v6 =	vand.u32 $0xFFFFFFFC, v3;
	v4 =	vld [tilespmem:s29+$0xFFFFFFB0];
	v3 =	vbroadcast v2, $0x0;
	v2 =	vmov s10  }
0x9f: {  	s30 =	simm.s32 $0x91A0;
	v5 =	vbroadcast v5, $0x0;
	v8 =	vld [tilespmem:s29+$0x40]  }
0xa0: {  	s31 =	simm.s32 $0x4;
	s28 =	simm.s32 $0x91A0;
	s0 =	simm.s32 $0x200;
	v7 =	vbroadcast v6, $0x0;
	v6 =	vld [tilespmem:s29+$0x0]  }
.LBB2_6:
0xa1: {  	p0 =	sne.s32 s31, $0x1FC;
	v9 =	vld [tilespmem:s29+$0x60];
	s30 =	sadd.s32 $0x40, s30;
	s0 =	sadd.s32 $0x110, s0  }
0xa2: {  	s3 =	smov.u32 s31;
	s31 =	sadd.s32 $0x4, s31;
	v10 =	vld [tilespmem:s29+$0xFFFFFFC0]  }
0xa3: {  	s10 =	sadd.s32 $0x3, s3;
	v11 =	vld.idx.msk [tilespmem:v2+s23+$0x0], $0xffff  }
0xa4: {  	v2 =	vmov s10;
	v12 =	vld.idx.msk [tilespmem:v3+s23+$0x0], $0xffff  }
0xa5: {  	v13 =	vld.idx.msk [tilespmem:v5+s23+$0x0], $0xffff  }
0xa6: {  	v7 =	vld.idx.msk [tilespmem:v7+s23+$0x0], $0xffff  }
0xa7: {  	v5 =	vld [tilespmem:s29+$0xFFFFFF80]  }
0xa8: {  	s10 =	sadd.s32 $0x1, s3;
	v14 =	vld [tilespmem:s29+$0xFFFFFFE0]  }
0xa9: {  	v3 =	vmov s3;
	v15 =	vmov s10;
	v8 =	vmul.f32 v8, v11;
	v16 =	vld [tilespmem:s29+$0xFFFFFF90]  }
0xaa: {  	v17 =	vand.u32 $0xFFFFFFFC, v3;
	v3 =	vand.u32 $0xFFFFFFFD, v15;
	v9 =	vmul.f32 v9, v11;
	v15 =	vld [tilespmem:s29+$0xFFFFFFA0]  }
0xab: {  	v3 =	vbroadcast v3, $0x0;
	v10 =	vmul.f32 v10, v12;
	v18 =	vld [tilespmem:s29+$0xFFFFFFF0]  }
0xac: {  	s3 =	sadd.s32 $0x2, s3;
	v6 =	vmul.f32 v6, v13;
	v4 =	vmul.f32 v4, v7;
	v19 =	vld [tilespmem:s29+$0xFFFFFFD0]  }
0xad: {  	v20 =	vmov s3;
	v21 =	vmul.f32 v5, v7;
	v14 =	vmul.f32 v14, v12;
	v22 =	vld [tilespmem:s29+$0x20]  }
0xae: {  	v1 =	vmul.f32 v1, v11;
	v5 =	vand.u32 $0xFFFFFFFE, v20;
	v16 =	vmul.f32 v16, v7;
	v20 =	vld [tilespmem:s29+$0x30]  }
0xaf: {  	v5 =	vbroadcast v5, $0x0;
	v10 =	vadd.f32 v10, v21;
	v15 =	vmul.f32 v15, v7;
	v21 =	vld [tilespmem:s29+$0x10]  }
0xb0: {  	v18 =	vmul.f32 v18, v12  }
0xb1: {  	v7 =	vbroadcast v17, $0x0;
	v6 =	vadd.f32 v6, v10;
	v12 =	vmul.f32 v19, v12;
	v10 =	vld [tilespmem:s29+$0x50];
	s29 =	smov.u32 s0  }
0xb2: {  	v14 =	vadd.f32 v14, v15;
	v15 =	vmul.f32 v22, v13  }
0xb3: {  	v4 =	vadd.f32 v18, v4;
	v6 =	vadd.f32 v8, v6;
	v17 =	vmul.f32 v20, v13  }
0xb4: {  	v8 =	vadd.f32 v12, v16;
	v12 =	vmul.f32 v21, v13;
	v13 =	vadd.f32 v15, v14  }
0xb5: {  	v4 =	vadd.f32 v17, v4;
	[tilespmem:s28+$0xFFFFFFE0] =	vst v6  }
0xb6: {  	v6 =	vadd.f32 v12, v8;
	v8 =	vmul.f32 v10, v11;
	v9 =	vadd.f32 v9, v13  }
0xb7: {  	v1 =	vadd.f32 v1, v4  }
0xb8: {  	v4 =	vadd.f32 v8, v6;
	[tilespmem:s28+$0x0] =	vst v9  }
0xb9: {  	[tilespmem:s28+$0x10] =	vst v1  }
.Ltmp6:
0xba: {  	[tilespmem:s28+$0xFFFFFFF0] =	vst v4;
	s28 =	smov.u32 s30;
	(pc) =	sbr.rel @p0 .LBB2_6-.Ltmp6, $4  }
0xbb: {  	v1 =	vld [tilespmem:s0+$0x70]  }
0xbc: {  	v4 =	vld [tilespmem:s0+$0xFFFFFFB0]  }
0xbd: {  	v8 =	vld [tilespmem:s0+$0x40]  }
0xbe: {  	v6 =	vld [tilespmem:s0+$0x0]  }
0xbf: {  	_ =	sdelay $0x1  }
0xc0: {  	v9 =	vld [tilespmem:s29+$0x60]  }
0xc1: {  	v10 =	vld [tilespmem:s29+$0xFFFFFFC0]  }
0xc2: {  	v2 =	vld.idx.msk [tilespmem:v2+s23+$0x0], $0xffff  }
0xc3: {  	v3 =	vld.idx.msk [tilespmem:v3+s23+$0x0], $0xffff  }
0xc4: {  	v5 =	vld.idx.msk [tilespmem:v5+s23+$0x0], $0xffff  }
0xc5: {  	v7 =	vld.idx.msk [tilespmem:v7+s23+$0x0], $0xffff  }
0xc6: {  	v11 =	vld [tilespmem:s29+$0xFFFFFF80]  }
0xc7: {  	v12 =	vld [tilespmem:s29+$0xFFFFFFE0]  }
0xc8: {  	v13 =	vld [tilespmem:s29+$0xFFFFFF90]  }
0xc9: {  	v14 =	vld [tilespmem:s29+$0xFFFFFFA0]  }
0xca: {  	v15 =	vld [tilespmem:s29+$0xFFFFFFF0]  }
0xcb: {  	v16 =	vld [tilespmem:s29+$0xFFFFFFD0]  }
0xcc: {  	v17 =	vld [tilespmem:s29+$0x20];
	v8 =	vmul.f32 v8, v2;
	v10 =	vmul.f32 v10, v3  }
0xcd: {  	v18 =	vld [tilespmem:s29+$0x30];
	v4 =	vmul.f32 v4, v7;
	v11 =	vmul.f32 v11, v7  }
0xce: {  	v58 =	vld [tilespmem:s29+$0x10];
	v13 =	vmul.f32 v13, v7;
	v7 =	vmul.f32 v14, v7  }
0xcf: {  	v9 =	vmul.f32 v9, v2;
	v12 =	vmul.f32 v12, v3  }
0xd0: {  	v60 =	vld [tilespmem:s29+$0x50];
	v6 =	vmul.f32 v6, v5;
	v59 =	vmul.f32 v15, v3;
	v10 =	vadd.f32 v10, v11  }
0xd1: {  	v3 =	vmul.f32 v16, v3;
	v61 =	vmul.f32 v17, v5;
	v7 =	vadd.f32 v12, v7  }
0xd2: {  	v62 =	vmul.f32 v18, v5;
	v4 =	vadd.f32 v59, v4;
	v6 =	vadd.f32 v6, v10  }
0xd3: {  	v5 =	vmul.f32 v58, v5;
	v3 =	vadd.f32 v3, v13;
	v7 =	vadd.f32 v61, v7  }
0xd4: {  	v1 =	vmul.f32 v1, v2;
	v4 =	vadd.f32 v62, v4;
	v6 =	vadd.f32 v8, v6  }
0xd5: {  	v2 =	vmul.f32 v60, v2;
	v3 =	vadd.f32 v5, v3;
	v63 =	vadd.f32 v9, v7  }
0xd6: {  	v1 =	vadd.f32 v1, v4;
	[tilespmem:s28+$0xFFFFFFE0] =	vst v6  }
0xd7: {  	v2 =	vadd.f32 v2, v3;
	[tilespmem:s28+$0x0] =	vst v63  }
0xd8: {  	[tilespmem:s28+$0x10] =	vst v1  }
.Ltmp7:
0xd9: {  	[tilespmem:s28+$0xFFFFFFF0] =	vst v2;
	(pc) =	sbr.rel .LBB2_8-.Ltmp7, $4  }
0xda: {  	[spmem:s2] =	stream.indirect.scatter.add.f32 [tilespmem:s16], [sflag:$0x3], $0x40, s24, s18, $0xb8;
	[tilespmem:$0x15180] =	vst v63  }
0xdb: {  	_ =	swait.ge [sflag:s15], $0x2000  }
0xdc: {  	[sflag:s15] =	ssyncset.done $0x0  }
0xdd: {  	[sflag:s15] =	ssyncadd.s32 $0xFFFFE000  }
.LBB2_10:
0xde: {  	_ =	sfence.sel $0x180000  }
0xdf: {  	[bflag:$0x0] =	sbarrier.arrive $0xFFFF  }
0xe0: {  	_ =	strace $0x9000004D  }
0xe1: {  	[bflag:$0x2] =	sbarrier.arrive $0xFFFF  }
0xe2: {  	p0 =	sne.s32 s1, $0x0;
	s0 =	rddreg [dreg:$0x2]  }
0xe3: {  	s0 =	sadd.s32 @!p0 $0x100000, s0  }
0xe4: {  	[sflag:s0] =	ssyncadd.tile.s32 @!p0 $0x1;
	_ =	shalt  }
.Lfunc_end2:
_tile_overlayer_lowered:
.L_overlay_start_2:
0xe5: {  	(tag) =	ssettag $0x2  }
0xe6: {  	s0 =	rddreg [dreg:$0x0];
	s2 =	stileid.u32  }
0xe7: {  	s1 =	rddreg [dreg:$0x1];
	p0 =	sne.s32 s2, $0x0  }
0xe8: {  	s3 =	rddreg [dreg:$0x2];
	[bflag:$0x3] =	sbarrier.arrive $0xFFFF;
	s2 =	simm.s32 @!p0 $0x1C03  }
0xe9: {  	[timem:s3], [sflag:s2] =	dma.local @!p0 [hbm:s0], s1  }
0xea: {  	s0 =	simm.s32 @!p0 $0x3  }
0xeb: {  	_ =	swait.ge @!p0 [sflag:s0], s1  }
0xec: {  	s1 =	ssub.s32 @!p0 $0x0, s1;
	[sflag:s0] =	ssyncset.done @!p0 $0x0  }
0xed: {  	[sflag:s0] =	ssyncadd.s32 @!p0 s1  }
0xee: {  	[bflag:$0x3] =	sbarrier.arrive $0xFFFF  }
0xef: {  	_ =	shalt  }

// kernel: kernel.9.cloned.1.call-start
scs
__scs_entry_jumppad:
0x0: {  	(pc) =	sbr.rel $0x88, $3  }
0x1: {  	(tag) =	ssettag $0x0;
	lr =	simm.s32 $0x1  }
0x2: {  	[smem:$0x3F87] =	sst lr;
	_ =	strace $0xD0000000  }
0x3: {  	_ = 	snop  }
0x4: {  	_ = 	snop  }
0x5: {  	_ = 	snop  }
0x6: {  	_ = 	snop  }
0x7: {  	_ = 	snop  }
__scs_overlays_trampoline_lowered:
0x8: {  	[smem:$0x3F96] =	sst s0  }
0x9: {  	[smem:$0x3F97] =	sst s1  }
0xa: {  	[smem:$0x3F98] =	sst s2  }
0xb: {  	[smem:$0x3F99] =	sst s3  }
0xc: {  	[smem:$0x3F9A] =	sst s4  }
0xd: {  	[smem:$0x3F9B] =	sst s5  }
0xe: {  	[smem:$0x3F9C] =	sst s6  }
0xf: {  	[smem:$0x3F9D] =	sst s7  }
0x10: {  	[smem:$0x3F9E] =	sst s8  }
0x11: {  	[smem:$0x3F9F] =	sst s9;
	s0 =	simm.s32 @!p0 $0x0  }
0x12: {  	s1 =	sld [smem:$0x3F85];
	s0 =	simm.s32 @p0 $0x1  }
0x13: {  	[smem:$0x3FA0] =	sst s0;
	s0 =	simm.s32 @!p1 $0x0  }
0x14: {  	s2 =	sld [smem:$0x3F84];
	s0 =	simm.s32 @p1 $0x1  }
0x15: {  	[smem:$0x3FA1] =	sst s0;
	s0 =	simm.s32 @!p2 $0x0  }
0x16: {  	s3 =	sld [smem:$0x3FDB];
	s0 =	simm.s32 @p2 $0x1  }
0x17: {  	s4 =	simm.s32 $0x1BF5;
	[smem:$0x3FA3] =	sst s0  }
0x18: {  	s0 =	sld [smem:$0x3F86];
	_ =	swait.ge [sflag:s4], $0x0  }
0x19: {  	s7 =	sld [smem:$0x3F87]  }
0x1a: {  	s8 =	sadd.s32 $0xFFFFE003, lr  }
0x1b: {  	s9 =	sadd.s32 $0xFFFFFEF7, lr;
	s5 =	simm.s32 $0xFFFFFFFF;
	p2 =	slt.u32 s8, $0xFFFFF086  }
0x1c: {  	p1 =	slt.u32 s9, $0xF7A;
	s5 =	simm.s32 @!p2 $0x0  }
0x1d: {  	s5 =	simm.s32 @p1 $0x1;
	p0 =	seq.s32 s7, s2  }
0x1e: {  	s7 =	smul.u32 @!p0 $0xF7A, s2;
	p2 =	seq.s32 @!p0 s5, $0x0  }
0x1f: {  	s9 =	smul.u32 $0xF7A, s1;
	s8 =	simm.s32 @!p0 $0x1BF5;
	p2 =	por !p2, p0  }
0x20: {  	[sflag:s8] =	ssyncset.s32 @!p0 $0xFFFFF086;
	s6 =	sadd.s32 @!p0 s3, s7;
	s7 =	simm.s32 @!p0 $0x108  }
0x21: {  	s3 =	sadd.s32 s3, s9;
	s6 =	sadd.s32 @!p0 $0x88, s6;
	s7 =	simm.s32 @p2 $0x1082  }
0x22: {  	[simem:s7], [sflag:s8] =	dma.local @!p0 [hbm:s6], $0xF7A  }
0x23: {  	s9 =	sor.u32 $0xD0000000, s2;
	s6 =	simm.s32 $0x108;
	_ =	swait.ge @!p0 [sflag:s8], $0x0  }
0x24: {  	s3 =	sadd.s32 $0x88, s3;
	s6 =	simm.s32 @!p1 $0x1082;
	[sflag:s4] =	ssyncset.s32 $0xFFFFF086  }
0x25: {  	[simem:s6], [sflag:s4] =	dma.local [hbm:s3], $0xF7A  }
0x26: {  	[smem:$0x3F87] =	sst s1;
	(tag) =	ssettag s2;
	_ =	strace s9  }
0x27: {  	s1 =	sld [smem:$0x3F97]  }
0x28: {  	s2 =	sld [smem:$0x3F98]  }
0x29: {  	s4 =	sld [smem:$0x3F9A]  }
0x2a: {  	p0 =	seq.s32 s5, $0x0;
	s5 =	sld [smem:$0x3F9B]  }
0x2b: {  	s6 =	sld [smem:$0x3F9C]  }
0x2c: {  	s7 =	sld [smem:$0x3F9D]  }
0x2d: {  	s3 =	simm.s32 $0x108;
	s8 =	sld [smem:$0x3F9E]  }
0x2e: {  	s3 =	simm.s32 @!p0 $0x1082;
	s9 =	sld [smem:$0x3F9F]  }
0x2f: {  	lr =	sadd.s32 s0, s3;
	s0 =	sld [smem:$0x3F96]  }
0x30: {  	s3 =	sld [smem:$0x3F99]  }
0x31: {  	[smem:$0x3FA2] =	sst s10  }
0x32: {  	s10 =	sld [smem:$0x3FA0];
	_ =	sdelay $0x3  }
0x33: {  	p0 =	seq.s32 s10, $0x1;
	s10 =	sld [smem:$0x3FA2];
	_ =	sdelay $0x3  }
0x34: {  	[smem:$0x3FA2] =	sst s10  }
0x35: {  	s10 =	sld [smem:$0x3FA1];
	_ =	sdelay $0x3  }
0x36: {  	p1 =	seq.s32 s10, $0x1;
	s10 =	sld [smem:$0x3FA2];
	_ =	sdelay $0x3  }
0x37: {  	[smem:$0x3FA2] =	sst s10  }
0x38: {  	s10 =	sld [smem:$0x3FA3]  }
0x39: {  	_ = 	snop;
	(pc) =	sbr.ind lr, $3  }
0x3a: {  	_ = 	snop  }
0x3b: {  	_ = 	snop  }
0x3c: {  	p2 =	seq.s32 s10, $0x1;
	s10 =	sld [smem:$0x3FA2]  }
0x3d: {  	_ =	shalt  }
0x3e: {  	_ =	shalt  }
0x3f: {  	_ =	shalt  }
0x40: {  	_ =	shalt  }
0x41: {  	_ =	shalt  }
0x42: {  	_ =	shalt  }
0x43: {  	_ =	shalt  }
0x44: {  	_ =	shalt  }
0x45: {  	_ =	shalt  }
0x46: {  	_ =	shalt  }
0x47: {  	_ =	shalt  }
0x48: {  	_ =	shalt  }
0x49: {  	_ =	shalt  }
0x4a: {  	_ =	shalt  }
0x4b: {  	_ =	shalt  }
0x4c: {  	_ =	shalt  }
0x4d: {  	_ =	shalt  }
0x4e: {  	_ =	shalt  }
0x4f: {  	_ =	shalt  }
0x50: {  	_ =	shalt  }
0x51: {  	_ =	shalt  }
0x52: {  	_ =	shalt  }
0x53: {  	_ =	shalt  }
0x54: {  	_ =	shalt  }
0x55: {  	_ =	shalt  }
0x56: {  	_ =	shalt  }
0x57: {  	_ =	shalt  }
0x58: {  	_ =	shalt  }
0x59: {  	_ =	shalt  }
0x5a: {  	_ =	shalt  }
0x5b: {  	_ =	shalt  }
0x5c: {  	_ =	shalt  }
0x5d: {  	_ =	shalt  }
0x5e: {  	_ =	shalt  }
0x5f: {  	_ =	shalt  }
0x60: {  	_ =	shalt  }
0x61: {  	_ =	shalt  }
0x62: {  	_ =	shalt  }
0x63: {  	_ =	shalt  }
0x64: {  	_ =	shalt  }
0x65: {  	_ =	shalt  }
0x66: {  	_ =	shalt  }
0x67: {  	_ =	shalt  }
0x68: {  	_ =	shalt  }
0x69: {  	_ =	shalt  }
0x6a: {  	_ =	shalt  }
0x6b: {  	_ =	shalt  }
0x6c: {  	_ =	shalt  }
0x6d: {  	_ =	shalt  }
0x6e: {  	_ =	shalt  }
0x6f: {  	_ =	shalt  }
0x70: {  	_ =	shalt  }
0x71: {  	_ =	shalt  }
0x72: {  	_ =	shalt  }
0x73: {  	_ =	shalt  }
0x74: {  	_ =	shalt  }
0x75: {  	_ =	shalt  }
0x76: {  	_ =	shalt  }
0x77: {  	_ =	shalt  }
0x78: {  	_ =	shalt  }
0x79: {  	_ =	shalt  }
0x7a: {  	_ =	shalt  }
0x7b: {  	_ =	shalt  }
0x7c: {  	_ =	shalt  }
0x7d: {  	_ =	shalt  }
0x7e: {  	_ =	shalt  }
0x7f: {  	_ =	shalt  }
0x80: {  	_ =	shalt  }
0x81: {  	_ =	shalt  }
0x82: {  	_ =	shalt  }
0x83: {  	_ =	shalt  }
0x84: {  	_ =	shalt  }
0x85: {  	_ =	shalt  }
0x86: {  	_ =	shalt  }
0x87: {  	_ =	shalt  }
.Lfunc_end0:
.L_simem_size_0:
called_computation_lowered:
.L_overlay_start_0:
0x88: {  	s2 =	sld [smem:$0x3FD9]  }
0x89: {  	s3 =	sld [smem:$0x3FFE];
	_ =	sdelay $0x1  }
0x8a: {  	s1 =	srdreg.scid  }
0x8b: {  	s0 =	sand.u32 $0x1, s1  }
0x8c: {  	s16 =	sshll.u32 s0, $0xA;
	s2 =	sadd.s32 s3, s2  }
0x8d: {  	s2 =	sadd.s32 s2, s16  }
0x8e: {  	[smem:$0x3FAE] =	sst s2  }
0x8f: {  	_ = 	snop  }
0x90: {  	(tm) =	ssettm $0x1  }
0x91: {  	s17 =	sld [smem:$0x3FFB];
	_ =	sdelay $0x3  }
0x92: {  	_ =	strace s17  }
0x93: {  	s2 =	sld [smem:$0x3FFC];
	_ =	sdelay $0x3  }
0x94: {  	_ =	strace s2  }
0x95: {  	s2 =	sld [smem:$0x3FFD];
	_ =	sdelay $0x3  }
0x96: {  	_ =	strace s2  }
0x97: {  	_ =	strace $0x8FFFFFFF  }
0x98: {  	s18 =	sld [smem:$0x3FDB];
	_ =	sdelay $0x1  }
0x99: {  	s19 =	simm.s32 $_scs_section_size  }
0x9a: {  	s4 =	simm.s32 $_size__tile_overlayer_lowered;
	s5 =	simm.s32 $_tile_overlayer_lowered  }
0x9b: {  	s22 =	simm.s32 $0x1BFF;
	s21 =	sshll.u32 s5, $0x1;
	s2 =	sadd.s32 s19, s18  }
0x9c: {  	s6 =	simm.s32 $0x0;
	s20 =	sshll.u32 s4, $0x1;
	s4 =	sadd.s32 s21, s2  }
0x9d: {  	[timem:s6], [sflag:s22] =	dma.local [hbm:s4], s20  }
0x9e: {  	_ =	swait.ge [sflag:s22], s20  }
0x9f: {  	s3 =	ssub.s32 $0x0, s20;
	[sflag:s22] =	ssyncset.done $0x0  }
0xa0: {  	[sflag:s22] =	ssyncadd.s32 s3;
	_ =	sdelay $0x1  }
0xa1: {  	s23 =	simm.s32 $0x1B8B  }
0xa2: {  	_ =	swait.ge [sflag:s23], $0x1  }
0xa3: {  	[sflag:s23] =	ssyncset.done $0x0  }
0xa4: {  	s25 =	simm.s32 $0x1B8E;
	s24 =	sld [smem:$0x3FFE];
	[sflag:s23] =	ssyncadd.s32 $0xFFFFFFFF  }
0xa5: {  	s26 =	simm.s32 $execute0_lowered;
	[smem:$0x3FD2] =	sst s25  }
0xa6: {  	s4 =	sshll.u32 s26, $0x1;
	_ =	strace $0x80000046;
	[dreg:$0x1] =	wrdreg $0xFFFFFFFF  }
0xa7: {  	s28 =	simm.s32 $_size_execute0_lowered;
	s2 =	sadd.s32 s2, s4;
	[dreg:$0x0] =	wrdreg $0x0  }
0xa8: {  	s4 =	sshll.u32 s28, $0x1;
	[dreg:$0x2] =	wrdreg s2  }
0xa9: {  	[dreg:$0x3] =	wrdreg s4  }
0xaa: {  	[dreg:$0x4] =	wrdreg $0xC0  }
0xab: {  	_ =	task [dreg:s6], $0x5FFFF  }
0xac: {  	[dreg:$0x1] =	wrdreg $0xFFFFFFFF  }
0xad: {  	[dreg:$0x0] =	wrdreg $0x60  }
0xae: {  	[dreg:$0x2] =	wrdreg s24  }
0xaf: {  	[dreg:$0x3] =	wrdreg $0x43800  }
0xb0: {  	[dreg:$0x4] =	wrdreg $0x9  }
0xb1: {  	_ =	task.clear_ibuf [dreg:s6], $0x5FFFF;
	_ =	strace $0x90000046  }
0xb2: {  	s29 =	simm.s32 $0x9;
	_ =	strace $0x80000048  }
0xb3: {  	_ =	swait.ge [sflag:s29], $0x1  }
0xb4: {  	[sflag:s29] =	ssyncadd.s32 $0xFFFFFFFF  }
0xb5: {  	_ =	strace $0x90000048  }
0xb6: {  	_ =	sfence  }
0xb7: {  	s30 =	sld [smem:$0x0];
	_ =	sdelay $0x2  }
0xb8: {  	s31 =	sshll.u32 s1, $0xD;
	s1 =	sshrl.u32 s1, $0x2  }
0xb9: {  	s3 =	sand.u32 $0x4000, s31;
	s1 =	sadd.s32 s1, s30  }
0xba: {  	s0 =	sor.u32 s3, s0;
	s1 =	sshll.u32 s1, $0x11  }
0xbb: {  	s0 =	sor.u32 s1, s0  }
0xbc: {  	s0 =	sadd.s32 $0x8F2B, s0  }
0xbd: {  	[sflag:s0] =	ssyncadd.remote.s32 $0x1  }
0xbe: {  	_ =	sfence.sel $0xFFFF  }
0xbf: {  	[dreg:$0x0] =	wrdreg $0xFFFFFFFF;
	(pc) =	sbr.abs _section_cstart, $3  }
0xc0: {  	[dreg:$0x1] =	wrdreg $0xFFFFFFFF  }
0xc1: {  	_ =	task.clear_ibuf [dreg:s6], $0x2FFFF;
	_ =	strace $0x9FFFFFFF  }
0xc2: {  	(tm) =	ssettm $0x7FFFFFFF  }
0xc3: {  	_ =	shalt  }
tec
execute0_lowered:
.L_overlay_start_1:
0x0: {  	(tag) =	ssettag $0x1  }
0x1: {  	s0 =	rddreg [dreg:$0x0]  }
0x2: {  	s2 =	rddreg [dreg:$0x1];
	s4 =	srdreg.scid  }
0x3: {  	s1 =	stileid.u32;
	s3 =	simm.s32 $0x0;
	s15 =	simm.s32 $0x3  }
0x4: {  	s16 =	simm.s32 $0x3180;
	s17 =	simm.s32 $0x4;
	s18 =	simm.s32 $0x80  }
0x5: {  	s19 =	simm.s32 $0x180;
	s20 =	simm.s32 $0x2980;
	s21 =	simm.s32 $0x1  }
0x6: {  	s22 =	simm.s32 $0x2;
	s23 =	simm.s32 $0x4180;
	s24 =	simm.s32 $0x100  }
0x7: {  	s25 =	simm.s32 $0x0;
	s9 =	sand.u32 $0x1, s4;
	s10 =	smul.u32 $0x4F00, s1  }
0x8: {  	[smem:$0x7FF] =	sst s3;
	s4 =	sadd.s32 $0x10200, s0;
	s5 =	sadd.s32 $0x6400, s0  }
0x9: {  	s6 =	sadd.s32 $0x77A00, s0;
	s31 =	sshll.u32 s1, $0x6;
	s7 =	smul.u32 $0x4F000, s9  }
0xa: {  	_ =	strace $0x80000047;
	s12 =	ssub.s32 $0x2, s9;
	s9 =	sshll.u32 s9, $0x4  }
.Ltmp0:
0xb: {  	s29 =	sshrl.u32 s12, $0x1;
	s30 =	sshrl.u32 s10, $0x3;
	(pc) =	sbr.rel .LBB2_1-.Ltmp0, $4  }
0xc: {  	s14 =	sadd.s32 s10, s2;
	s8 =	sadd.s32 s10, s7;
	s7 =	sadd.s32 $0x1400, s0  }
0xd: {  	s13 =	ssub.s32 s12, s29;
	s14 =	sshrl.u32 s14, $0x3;
	s11 =	sshrl.u32 s8, $0x3  }
0xe: {  	v0 =	vimm.f32 $0.0e+00;
	vm0 =	vcmask $0x300;
	s8 =	sadd.s32 $0x1A000, s0;
	s13 =	smax.u32 s13, $0x1;
	s0 =	sadd.s32 s11, s0  }
0xf: {  	v1 =	vlaneseq.u32;
	v0 =	vsel vm0, $0x3F800000, v0;
	s10 =	sadd.s32 s8, s30;
	s11 =	sor.u32 $0x1C03, s31;
	s12 =	sadd.s32 $0x23E00, s0  }
.LBB2_11:
0x10: {  	s25 =	sadd.s32 $0x1, s25  }
0x11: {  	p0 =	sne.s32 s25, s13  }
.Ltmp1:
0x12: {  	[bflag:$0x0] =	sbarrier.arrive $0xFFFF;
	(pc) =	sbr.rel @!p0 .LBB2_12-.Ltmp1, $4  }
0x13: {  	[hbm:s12], [sflag:s11] =	dma.local [spmem:s14], $0x9E0  }
0x14: {  	_ =	swait.ge [sflag:s15], $0x9E0  }
0x15: {  	[sflag:s15] =	ssyncset.done $0x0  }
0x16: {  	[sflag:s15] =	ssyncadd.s32 $0xFFFFF620  }
.LBB2_1:
0x17: {  	[spmem:s14], [sflag:s11] =	dma.local [hbm:s10], $0x9E0  }
0x18: {  	_ =	swait.ge [sflag:s15], $0x9E0  }
0x19: {  	[sflag:s15] =	ssyncset.done $0x0  }
0x1a: {  	[sflag:s15] =	ssyncadd.s32 $0xFFFFF620  }
0x1b: {  	[tilespmem:s16], [sflag:$0x3] =	stream.linear.gather [hbm4b:s8+s3], $0x1000, $0x38;
	[tilespmem:$0x9280] =	vst v63  }
0x1c: {  	_ =	swait.ge [sflag:s15], $0x1000  }
0x1d: {  	[sflag:s15] =	ssyncset.done $0x0  }
0x1e: {  	s0 =	simm.s32 $0x80;
	s26 =	simm.s32 $0x0;
	[sflag:s15] =	ssyncadd.s32 $0xFFFFF000  }
.LBB2_2:
0x1f: {  	p0 =	sne.s32 s0, $0x3F80;
	[tilespmem:s26+$0x3190] =	vst v0;
	s26 =	smov.u32 s0;
	s0 =	sadd.s32 $0x80, s0  }
.Ltmp2:
0x20: {  	(pc) =	sbr.rel @p0 .LBB2_2-.Ltmp2, $2  }
0x21: {  	_ =	sdelay $0x2  }
0x22: {  	s26 =	sshra.s32 s26, $0x2  }
.Ltmp3:
0x23: {  	(pc) =	sbr.rel .LBB2_4-.Ltmp3, $4  }
0x24: {  	_ = 	snop  }
0x25: {  	[tilespmem:s26+$0x3190] =	vst v0  }
0x26: {  	[bflag:$0x0] =	sbarrier.arrive $0xFFFF  }
0x27: {  	s26 =	simm.s32 $0x0  }
.LBB2_10:
0x28: {  	s26 =	sadd.s32 $0x1, s26  }
0x29: {  	p0 =	sne.s32 s26, $0x4F  }
.Ltmp4:
0x2a: {  	_ = 	snop;
	(pc) =	sbr.rel @!p0 .LBB2_11-.Ltmp4, $1  }
0x2b: {  	_ =	sdelay $0x3  }
.LBB2_4:
0x2c: {  	s0 =	sshll.u32 s26, $0x5  }
0x2d: {  	s0 =	sor.u32 s0, s9  }
0x2e: {  	s0 =	sor.u32 s1, s0  }
0x2f: {  	p0 =	sgt.u32 s0, $0x9C3  }
.Ltmp5:
0x30: {  	_ = 	snop;
	(pc) =	sbr.rel @p0 .LBB2_10-.Ltmp5, $1  }
0x31: {  	_ =	sdelay $0x3  }
0x32: {  	s0 =	sshll.u32 s0, $0x4  }
0x33: {  	s28 =	simm.s32 $0x0;
	s29 =	sadd.s32 s4, s0  }
0x34: {  	[tilespmem:s28], [sflag:$0x4] =	stream.linear.gather [hbm4b:s29+s28], $0x80, $0x38;
	[tilespmem:$0x9280] =	vst v63  }
0x35: {  	_ =	swait.ge [sflag:s17], $0x80  }
0x36: {  	[sflag:s17] =	ssyncset.done $0x0  }
0x37: {  	s0 =	sadd.s32 s5, s0;
	[sflag:s17] =	ssyncadd.s32 $0xFFFFFF80  }
0x38: {  	[tilespmem:s18], [sflag:$0x4] =	stream.linear.gather [hbm4b:s0+s28], $0x80, $0x38;
	[tilespmem:$0x9280] =	vst v63  }
0x39: {  	_ =	swait.ge [sflag:s17], $0x80  }
0x3a: {  	[sflag:s17] =	ssyncset.done $0x0  }
0x3b: {  	[sflag:s17] =	ssyncadd.s32 $0xFFFFFF80  }
0x3c: {  	[tilespmem:s19], [sflag:$0x1] =	stream.indirect.gather [hbm4b:s6+s18], $0x50, s28, s18, $0xb8;
	[tilespmem:$0x9280] =	vst v63  }
0x3d: {  	_ = 	snop  }
0x3e: {  	[tilespmem:s20], [sflag:$0x2] =	stream.indirect.gather [hbm4b:s7+s18], $0x10, s18, s18, $0xb8;
	[tilespmem:$0x9280] =	vst v63  }
0x3f: {  	v2 =	vld [tilespmem:$0x0]  }
0x40: {  	v3 =	vld [tilespmem:$0x80]  }
0x41: {  	v4 =	vld [tilespmem:$0x10]  }
0x42: {  	v5 =	vld [tilespmem:$0x90]  }
0x43: {  	v6 =	vld [tilespmem:$0x20]  }
0x44: {  	v7 =	vld [tilespmem:$0xA0]  }
0x45: {  	v8 =	vld [tilespmem:$0x30]  }
0x46: {  	v9 =	vld [tilespmem:$0xB0]  }
0x47: {  	v10 =	vld [tilespmem:$0x40]  }
0x48: {  	v11 =	vld [tilespmem:$0xC0]  }
0x49: {  	v12 =	vld [tilespmem:$0x50]  }
0x4a: {  	v13 =	vld [tilespmem:$0xD0]  }
0x4b: {  	v14 =	vld [tilespmem:$0x60]  }
0x4c: {  	vm0 =	veq.s32 v2, v3;
	v2 =	vld [tilespmem:$0xE0]  }
0x4d: {  	vm9 =	veq.s32 v4, v5;
	v4 =	vld [tilespmem:$0x70];
	v3 =	vsel vm0, $0x2710, v3  }
0x4e: {  	vm10 =	veq.s32 v6, v7;
	[tilespmem:$0x100] =	vst v3;
	v3 =	vsel vm9, $0x2710, v5;
	v5 =	vld [tilespmem:$0xF0]  }
0x4f: {  	vm11 =	veq.s32 v8, v9;
	[tilespmem:$0x110] =	vst v3;
	v3 =	vsel vm10, $0x2710, v7  }
0x50: {  	vm12 =	veq.s32 v10, v11;
	[tilespmem:$0x120] =	vst v3;
	v3 =	vsel vm11, $0x2710, v9  }
0x51: {  	vm13 =	veq.s32 v12, v13;
	[tilespmem:$0x130] =	vst v3;
	v3 =	vsel vm12, $0x2710, v11  }
0x52: {  	vm14 =	veq.s32 v14, v2;
	[tilespmem:$0x140] =	vst v3;
	v3 =	vsel vm13, $0x2710, v13  }
0x53: {  	v2 =	vsel vm14, $0x2710, v2;
	[tilespmem:$0x150] =	vst v3;
	vm15 =	veq.s32 v4, v5  }
0x54: {  	[tilespmem:$0x160] =	vst v2;
	v2 =	vsel vm15, $0x2710, v5  }
0x55: {  	[tilespmem:$0x170] =	vst v2  }
0x56: {  	v6 =	vor.u32 s28, v1;
	_ =	swait.ge [sflag:s21], $0x2800  }
0x57: {  	v2 =	vshll.u32 v6, $0x4;
	[sflag:s21] =	ssyncset.done $0x0  }
0x58: {  	v3 =	vor.u32 $0x3, v2;
	[sflag:s21] =	ssyncadd.s32 $0xFFFFD800  }
0x59: {  	v4 =	vmul.u32 $0x50, v6;
	v5 =	vor.u32 $0x2, v2;
	_ =	swait.ge [sflag:s22], $0x800  }
0x5a: {  	v7 =	vor.u32 $0x1, v2;
	[sflag:s22] =	ssyncset.done $0x0  }
0x5b: {  	v8 =	vadd.s32 $0x40, v4;
	[sflag:s22] =	ssyncadd.s32 $0xFFFFF800  }
0x5c: {  	v9 =	vadd.s32 $0x41, v4;
	v2 =	vld.idx.msk [tilespmem:v2+s20+$0x0], $0xffff  }
0x5d: {  	v10 =	vadd.s32 $0x42, v4;
	v11 =	vld.idx.msk [tilespmem:v3+s20+$0x0], $0xffff  }
0x5e: {  	v3 =	vadd.s32 $0x43, v4;
	v5 =	vld.idx.msk [tilespmem:v5+s20+$0x0], $0xffff  }
0x5f: {  	v7 =	vld.idx.msk [tilespmem:v7+s20+$0x0], $0xffff  }
0x60: {  	v4 =	vld.idx.msk [tilespmem:v8+s19+$0x0], $0xffff  }
0x61: {  	v8 =	vld.idx.msk [tilespmem:v9+s19+$0x0], $0xffff  }
0x62: {  	v9 =	vld.idx.msk [tilespmem:v10+s19+$0x0], $0xffff  }
0x63: {  	v10 =	vld.idx.msk [tilespmem:v3+s19+$0x0], $0xffff;
	_ =	sdelay $0x3  }
0x64: {  	v4 =	vmul.f32 v2, v4;
	v3 =	vmul.f32 v7, v8  }
0x65: {  	v5 =	vmul.f32 v5, v9;
	v2 =	vmul.f32 v11, v10;
	_ =	sdelay $0x1  }
0x66: {  	v7 =	vadd.f32 v3, v4;
	v8 =	vadd.f32 v2, v5;
	_ =	sdelay $0x1  }
0x67: {  	v7 =	vadd.f32 v8, v7;
	_ =	sdelay $0x1  }
0x68: {  	(erf) = vrcp.f32 v7;
	_ =	sdelay $0x6  }
0x69: {  	v9 =	vshll.u32 v6, $0x2  }
0x6a: {  	v8 =	vor.u32 $0x1, v9  }
0x6b: {  	s30 =	simm.s32 $0x10;
	s29 =	simm.s32 $0x20;
	v6 =	vor.u32 $0x3, v9;
	v7 =	vor.u32 $0x2, v9;
	v10 =	vpop (erf)  }
.LBB2_6:
0x6c: {  	p0 =	sne.s32 s29, $0x70;
	v11 =	vor.u32 s30, v1;
	v4 =	vmul.f32 v10, v4;
	v5 =	vmul.f32 v10, v5;
	s30 =	smov.u32 s29;
	s29 =	sadd.s32 $0x10, s29  }
0x6d: {  	v3 =	vmul.f32 v10, v3;
	v12 =	vmul.u32 $0x50, v11;
	v13 =	vshll.u32 v11, $0x4  }
0x6e: {  	v14 =	vor.u32 $0x1, v13;
	v15 =	vor.u32 $0x2, v13;
	v16 =	vor.u32 $0x3, v13;
	[tilespmem:v9+s23+$0x0] =	vst.idx.msk $0xffff, v4  }
0x6f: {  	v2 =	vmul.f32 v10, v2;
	v4 =	vadd.s32 $0x40, v12;
	v9 =	vadd.s32 $0x41, v12;
	[tilespmem:v8+s23+$0x0] =	vst.idx.msk $0xffff, v3  }
0x70: {  	v3 =	vadd.s32 $0x43, v12;
	[tilespmem:v7+s23+$0x0] =	vst.idx.msk $0xffff, v5  }
0x71: {  	[tilespmem:v6+s23+$0x0] =	vst.idx.msk $0xffff, v2  }
0x72: {  	v2 =	vld.idx.msk [tilespmem:v13+s20+$0x0], $0xffff  }
0x73: {  	v5 =	vadd.s32 $0x42, v12;
	v6 =	vld.idx.msk [tilespmem:v16+s20+$0x0], $0xffff  }
0x74: {  	v7 =	vld.idx.msk [tilespmem:v15+s20+$0x0], $0xffff  }
0x75: {  	v8 =	vld.idx.msk [tilespmem:v14+s20+$0x0], $0xffff  }
0x76: {  	v4 =	vld.idx.msk [tilespmem:v4+s19+$0x0], $0xffff  }
0x77: {  	v9 =	vld.idx.msk [tilespmem:v9+s19+$0x0], $0xffff  }
0x78: {  	v5 =	vld.idx.msk [tilespmem:v5+s19+$0x0], $0xffff  }
0x79: {  	v10 =	vld.idx.msk [tilespmem:v3+s19+$0x0], $0xffff;
	_ =	sdelay $0x3  }
0x7a: {  	v4 =	vmul.f32 v2, v4;
	v3 =	vmul.f32 v8, v9  }
0x7b: {  	v5 =	vmul.f32 v7, v5  }
0x7c: {  	v2 =	vmul.f32 v6, v10;
	v6 =	vadd.f32 v3, v4;
	_ =	sdelay $0x1  }
0x7d: {  	v7 =	vadd.f32 v2, v5;
	_ =	sdelay $0x1  }
0x7e: {  	v6 =	vadd.f32 v7, v6;
	_ =	sdelay $0x1  }
0x7f: {  	(erf) = vrcp.f32 v6;
	_ =	sdelay $0x4  }
.Ltmp6:
0x80: {  	(pc) =	sbr.rel @p0 .LBB2_6-.Ltmp6, $4  }
0x81: {  	v9 =	vshll.u32 v11, $0x2  }
0x82: {  	v8 =	vor.u32 $0x1, v9  }
0x83: {  	v7 =	vor.u32 $0x2, v9  }
0x84: {  	v6 =	vor.u32 $0x3, v9;
	v10 =	vpop (erf)  }
0x85: {  	_ =	sdelay $0x1  }
0x86: {  	v11 =	vor.u32 s30, v1;
	v4 =	vmul.f32 v10, v4  }
0x87: {  	v3 =	vmul.f32 v10, v3;
	v12 =	vshll.u32 v11, $0x4  }
0x88: {  	v5 =	vmul.f32 v10, v5;
	v13 =	vor.u32 $0x3, v12;
	[tilespmem:v9+s23+$0x0] =	vst.idx.msk $0xffff, v4  }
0x89: {  	v2 =	vmul.f32 v10, v2;
	v4 =	vmul.u32 $0x50, v11;
	v58 =	vor.u32 $0x2, v12;
	[tilespmem:v8+s23+$0x0] =	vst.idx.msk $0xffff, v3  }
0x8a: {  	v3 =	vor.u32 $0x1, v12;
	[tilespmem:v7+s23+$0x0] =	vst.idx.msk $0xffff, v5  }
0x8b: {  	v5 =	vadd.s32 $0x40, v4;
	[tilespmem:v6+s23+$0x0] =	vst.idx.msk $0xffff, v2  }
0x8c: {  	v7 =	vadd.s32 $0x42, v4;
	v6 =	vld.idx.msk [tilespmem:v12+s20+$0x0], $0xffff  }
0x8d: {  	v2 =	vadd.s32 $0x41, v4;
	v8 =	vld.idx.msk [tilespmem:v13+s20+$0x0], $0xffff  }
0x8e: {  	v4 =	vadd.s32 $0x43, v4;
	v9 =	vld.idx.msk [tilespmem:v58+s20+$0x0], $0xffff  }
0x8f: {  	v3 =	vld.idx.msk [tilespmem:v3+s20+$0x0], $0xffff  }
0x90: {  	v5 =	vld.idx.msk [tilespmem:v5+s19+$0x0], $0xffff  }
0x91: {  	v7 =	vld.idx.msk [tilespmem:v7+s19+$0x0], $0xffff  }
0x92: {  	v2 =	vld.idx.msk [tilespmem:v2+s19+$0x0], $0xffff  }
0x93: {  	v4 =	vld.idx.msk [tilespmem:v4+s19+$0x0], $0xffff;
	_ =	sdelay $0x3  }
0x94: {  	v5 =	vmul.f32 v6, v5;
	v2 =	vmul.f32 v3, v2  }
0x95: {  	v3 =	vmul.f32 v9, v7;
	v4 =	vmul.f32 v8, v4;
	_ =	sdelay $0x1  }
0x96: {  	v6 =	vadd.f32 v2, v5;
	v7 =	vadd.f32 v4, v3;
	_ =	sdelay $0x1  }
0x97: {  	v6 =	vadd.f32 v7, v6;
	_ =	sdelay $0x1  }
0x98: {  	(erf) = vrcp.f32 v6;
	_ =	sdelay $0x6  }
0x99: {  	v6 =	vshll.u32 v11, $0x2  }
0x9a: {  	v7 =	vor.u32 $0x1, v6  }
0x9b: {  	v61 =	vmov s28;
	v8 =	vor.u32 $0x2, v6;
	v60 =	vpop (erf)  }
0x9c: {  	s0 =	simm.s32 $0x1;
	v11 =	vand.u32 $0xFFFFFFFC, v61;
	v59 =	vor.u32 $0x3, v6;
	v5 =	vmul.f32 v60, v5  }
0x9d: {  	v62 =	vmov s0;
	v11 =	vbroadcast v11, $0x0;
	v2 =	vmul.f32 v60, v2  }
0x9e: {  	s0 =	simm.s32 $0x2;
	v12 =	vand.u32 $0xFFFFFFFD, v62;
	v3 =	vmul.f32 v60, v3;
	[tilespmem:v6+s23+$0x0] =	vst.idx.msk $0xffff, v5  }
0x9f: {  	v5 =	vbroadcast v12, $0x0;
	v6 =	vmov s0;
	[tilespmem:v7+s23+$0x0] =	vst.idx.msk $0xffff, v2;
	v2 =	vmul.f32 v60, v4  }
0xa0: {  	v4 =	vand.u32 $0xFFFFFFFE, v6;
	[tilespmem:v8+s23+$0x0] =	vst.idx.msk $0xffff, v3  }
0xa1: {  	s0 =	simm.s32 $0x1A0;
	v3 =	vbroadcast v4, $0x0;
	[tilespmem:v59+s23+$0x0] =	vst.idx.msk $0xffff, v2  }
0xa2: {  	v2 =	vld [tilespmem:s0+$0xFFFFFFE0]  }
0xa3: {  	s28 =	simm.s32 $0x3;
	v4 =	vld.idx.msk [tilespmem:v11+s23+$0x0], $0xffff  }
0xa4: {  	v6 =	vmov s28;
	v7 =	vld [tilespmem:s0+$0xFFFFFFF0]  }
0xa5: {  	v5 =	vld.idx.msk [tilespmem:v5+s23+$0x0], $0xffff  }
0xa6: {  	v8 =	vld [tilespmem:s0+$0x0]  }
0xa7: {  	v3 =	vld.idx.msk [tilespmem:v3+s23+$0x0], $0xffff  }
0xa8: {  	v9 =	vld [tilespmem:s0+$0x10]  }
0xa9: {  	v6 =	vld.idx.msk [tilespmem:v6+s23+$0x0], $0xffff  }
0xaa: {  	s0 =	simm.s32 $0x4;
	v2 =	vmul.f32 v2, v4;
	v4 =	vmul.f32 v7, v5  }
0xab: {  	v5 =	vmov s0  }
0xac: {  	v5 =	vand.u32 $0xFFFFFFFC, v5;
	v2 =	vadd.f32 v4, v2;
	v3 =	vmul.f32 v8, v3  }
0xad: {  	s0 =	simm.s32 $0x5;
	v4 =	vbroadcast v5, $0x0  }
0xae: {  	v5 =	vmov s0;
	v2 =	vadd.f32 v3, v2;
	v3 =	vmul.f32 v9, v6  }
0xaf: {  	s0 =	simm.s32 $0x6;
	v5 =	vand.u32 $0xFFFFFFFD, v5  }
0xb0: {  	v5 =	vbroadcast v5, $0x0;
	v6 =	vmov s0;
	v2 =	vadd.f32 v3, v2  }
0xb1: {  	s28 =	simm.s32 $0x3180;
	v6 =	vand.u32 $0xFFFFFFFE, v6  }
0xb2: {  	s29 =	simm.s32 $0x1F0;
	v3 =	vbroadcast v6, $0x0;
	[tilespmem:s28+$0x0] =	vst v2  }
0xb3: {  	v2 =	vld [tilespmem:s29+$0xFFFFFFE0]  }
0xb4: {  	s0 =	simm.s32 $0x7;
	v4 =	vld.idx.msk [tilespmem:v4+s23+$0x0], $0xffff  }
0xb5: {  	v7 =	vmov s0;
	v6 =	vld [tilespmem:s29+$0xFFFFFFF0]  }
0xb6: {  	v5 =	vld.idx.msk [tilespmem:v5+s23+$0x0], $0xffff  }
0xb7: {  	v63 =	vld [tilespmem:s29+$0x0]  }
0xb8: {  	v8 =	vld.idx.msk [tilespmem:v3+s23+$0x0], $0xffff  }
0xb9: {  	v3 =	vld [tilespmem:s29+$0x10]  }
0xba: {  	v4 =	vmul.f32 v2, v4;
	v2 =	vld.idx.msk [tilespmem:v7+s23+$0x0], $0xffff  }
0xbb: {  	s30 =	simm.s32 $0x8;
	v5 =	vmul.f32 v6, v5  }
0xbc: {  	v6 =	vmov s30  }
0xbd: {  	s31 =	simm.s32 $0xC;
	s0 =	simm.s32 $0x9;
	v6 =	vand.u32 $0xFFFFFFFC, v6;
	v4 =	vadd.f32 v5, v4;
	v5 =	vmul.f32 v63, v8  }
.LBB2_8:
0xbe: {  	p0 =	sne.s32 s31, $0x1FC;
	v6 =	vbroadcast v6, $0x0;
	v7 =	vmov s0  }
0xbf: {  	s0 =	sadd.s32 $0x2, s30;
	v7 =	vand.u32 $0xFFFFFFFD, v7;
	v4 =	vadd.f32 v5, v4;
	v2 =	vmul.f32 v3, v2  }
0xc0: {  	v5 =	vmov s0;
	v3 =	vbroadcast v7, $0x0  }
0xc1: {  	v5 =	vand.u32 $0xFFFFFFFE, v5;
	v2 =	vadd.f32 v2, v4  }
0xc2: {  	s28 =	sadd.s32 $0x20, s28;
	v4 =	vbroadcast v5, $0x0  }
0xc3: {  	s29 =	sadd.s32 $0x50, s29;
	[tilespmem:s28+$0x0] =	vst v2  }
0xc4: {  	s0 =	sadd.s32 $0x3, s30;
	s30 =	smov.u32 s31;
	v5 =	vld [tilespmem:s29+$0xFFFFFFE0]  }
0xc5: {  	v2 =	vmov s0;
	v6 =	vld.idx.msk [tilespmem:v6+s23+$0x0], $0xffff  }
0xc6: {  	v7 =	vld.idx.msk [tilespmem:v3+s23+$0x0], $0xffff  }
0xc7: {  	v8 =	vld [tilespmem:s29+$0xFFFFFFF0]  }
0xc8: {  	v9 =	vld.idx.msk [tilespmem:v4+s23+$0x0], $0xffff  }
0xc9: {  	v10 =	vld [tilespmem:s29+$0x0]  }
.Ltmp7:
0xca: {  	v2 =	vld.idx.msk [tilespmem:v2+s23+$0x0], $0xffff;
	(pc) =	sbr.rel @p0 .LBB2_8-.Ltmp7, $4  }
0xcb: {  	v3 =	vld [tilespmem:s29+$0x10]  }
0xcc: {  	v4 =	vmul.f32 v5, v6;
	v5 =	vmul.f32 v8, v7  }
0xcd: {  	v6 =	vmov s31  }
0xce: {  	s0 =	sadd.s32 $0x1, s30;
	s31 =	sadd.s32 $0x4, s31;
	v6 =	vand.u32 $0xFFFFFFFC, v6;
	v4 =	vadd.f32 v5, v4;
	v5 =	vmul.f32 v10, v9  }
0xcf: {  	v6 =	vbroadcast v6, $0x0  }
0xd0: {  	v7 =	vmov s0;
	v4 =	vadd.f32 v5, v4;
	v2 =	vmul.f32 v3, v2  }
0xd1: {  	s31 =	sadd.s32 $0x2, s30;
	v7 =	vand.u32 $0xFFFFFFFD, v7  }
0xd2: {  	v59 =	vmov s31;
	v3 =	vbroadcast v7, $0x0;
	v2 =	vadd.f32 v2, v4  }
0xd3: {  	s0 =	sadd.s32 $0x20, s28;
	v5 =	vand.u32 $0xFFFFFFFE, v59  }
0xd4: {  	s28 =	sadd.s32 $0x50, s29;
	v60 =	vbroadcast v5, $0x0;
	[tilespmem:s0+$0x0] =	vst v2  }
0xd5: {  	v2 =	vld [tilespmem:s28+$0xFFFFFFE0]  }
0xd6: {  	s31 =	sadd.s32 $0x3, s30;
	v61 =	vld.idx.msk [tilespmem:v6+s23+$0x0], $0xffff  }
0xd7: {  	v62 =	vmov s31;
	v63 =	vld [tilespmem:s28+$0xFFFFFFF0]  }
0xd8: {  	v3 =	vld.idx.msk [tilespmem:v3+s23+$0x0], $0xffff  }
0xd9: {  	v8 =	vld [tilespmem:s28+$0x0]  }
0xda: {  	v4 =	vld.idx.msk [tilespmem:v60+s23+$0x0], $0xffff  }
0xdb: {  	v9 =	vld [tilespmem:s28+$0x10]  }
0xdc: {  	v6 =	vld.idx.msk [tilespmem:v62+s23+$0x0], $0xffff  }
0xdd: {  	v2 =	vmul.f32 v2, v61;
	v3 =	vmul.f32 v63, v3;
	_ =	sdelay $0x1  }
0xde: {  	v2 =	vadd.f32 v3, v2;
	v3 =	vmul.f32 v8, v4;
	_ =	sdelay $0x1  }
0xdf: {  	v2 =	vadd.f32 v3, v2;
	v3 =	vmul.f32 v9, v6;
	_ =	sdelay $0x1  }
0xe0: {  	v2 =	vadd.f32 v3, v2  }
0xe1: {  	s0 =	sadd.s32 $0x20, s0  }
.Ltmp8:
0xe2: {  	[tilespmem:s0+$0x0] =	vst v2;
	(pc) =	sbr.rel .LBB2_10-.Ltmp8, $4  }
0xe3: {  	[spmem:s2] =	stream.indirect.scatter.add.f32 [tilespmem:s16], [sflag:$0x3], $0x20, s24, s18, $0xb8;
	[tilespmem:$0x9280] =	vst v63  }
0xe4: {  	_ =	swait.ge [sflag:s15], $0x1000  }
0xe5: {  	[sflag:s15] =	ssyncset.done $0x0  }
0xe6: {  	[sflag:s15] =	ssyncadd.s32 $0xFFFFF000  }
.LBB2_12:
0xe7: {  	_ =	sfence.sel $0x180000  }
0xe8: {  	[bflag:$0x0] =	sbarrier.arrive $0xFFFF  }
0xe9: {  	_ =	strace $0x90000047  }
0xea: {  	[bflag:$0x2] =	sbarrier.arrive $0xFFFF  }
0xeb: {  	p0 =	sne.s32 s1, $0x0;
	s0 =	rddreg [dreg:$0x2]  }
0xec: {  	s0 =	sadd.s32 @!p0 $0x100000, s0  }
0xed: {  	[sflag:s0] =	ssyncadd.tile.s32 @!p0 $0x1;
	_ =	shalt  }
.Lfunc_end2:
_tile_overlayer_lowered:
.L_overlay_start_2:
0xee: {  	(tag) =	ssettag $0x2  }
0xef: {  	s0 =	rddreg [dreg:$0x0];
	s2 =	stileid.u32  }
0xf0: {  	s1 =	rddreg [dreg:$0x1];
	p0 =	sne.s32 s2, $0x0  }
0xf1: {  	s3 =	rddreg [dreg:$0x2];
	[bflag:$0x3] =	sbarrier.arrive $0xFFFF;
	s2 =	simm.s32 @!p0 $0x1C03  }
0xf2: {  	[timem:s3], [sflag:s2] =	dma.local @!p0 [hbm:s0], s1  }
0xf3: {  	s0 =	simm.s32 @!p0 $0x3  }
0xf4: {  	_ =	swait.ge @!p0 [sflag:s0], s1  }
0xf5: {  	s1 =	ssub.s32 @!p0 $0x0, s1;
	[sflag:s0] =	ssyncset.done @!p0 $0x0  }
0xf6: {  	[sflag:s0] =	ssyncadd.s32 @!p0 s1  }
0xf7: {  	[bflag:$0x3] =	sbarrier.arrive $0xFFFF  }
0xf8: {  	_ =	shalt  }

</sc_bundles>
